<compile_context>
chip_gen: v7x
topology: tpu7x:2x2x1
jax: 0.10.2.dev20260603
libtpu: 0.0.44.dev20260713+nightly
codegen_flags: <defaults>
</compile_context>

<pallas_src>
import functools

import jax
import jax.numpy as jnp
from jax import lax
from jax.experimental import pallas as pl
from jax.experimental.pallas import tpu as pltpu
from jax.experimental.pallas import tpu_sc as plsc

DIM = 32
NUM_HEADS = 8
NFEAT = NUM_HEADS * DIM * DIM
NPOS = 4096
RSLAB = 4


def _sc_gather(tableT, mapping):
    nb, seq = mapping.shape
    info = plsc.get_sparse_core_info()
    nc, ns = info.num_cores, info.num_subcores
    nw = nc * ns
    f_per_w = NFEAT // nw
    n_groups = f_per_w // RSLAB
    n_vec = seq // 16

    mesh = plsc.VectorSubcoreMesh(core_axis_name="c", subcore_axis_name="s")

    @functools.partial(
        pl.kernel,
        mesh=mesh,
        compiler_params=pltpu.CompilerParams(needs_layout_passes=False),
        out_type=jax.ShapeDtypeStruct((nb, NFEAT, seq), jnp.float32),
        scratch_types=[
            pltpu.VMEM((nb, seq), jnp.int32),
            pltpu.VMEM((RSLAB, NPOS), jnp.float32),
            pltpu.VMEM((RSLAB, NPOS), jnp.float32),
            pltpu.VMEM((nb, RSLAB, seq), jnp.float32),
            pltpu.VMEM((nb, RSLAB, seq), jnp.float32),
            pltpu.SemaphoreType.DMA,
            pltpu.SemaphoreType.DMA,
            pltpu.SemaphoreType.DMA,
            pltpu.SemaphoreType.DMA,
        ],
    )
    def k(table_hbm, idx_hbm, out_hbm, idx_v,
          slab0, slab1, ob0, ob1, i0, i1, o0, o1):
        wid = lax.axis_index("s") * nc + lax.axis_index("c")
        base_f = wid * f_per_w
        pltpu.sync_copy(idx_hbm, idx_v)

        slabs = (slab0, slab1)
        obufs = (ob0, ob1)
        isems = (i0, i1)
        osems = (o0, o1)

        def in_start(g, p):
            pltpu.make_async_copy(
                table_hbm.at[pl.ds(base_f + g * RSLAB, RSLAB)],
                slabs[p], isems[p]).start()

        def in_wait(p):
            pltpu.make_async_copy(
                table_hbm.at[pl.ds(base_f, RSLAB)], slabs[p], isems[p]).wait()

        def out_start(g, p):
            for b in range(nb):
                pltpu.make_async_copy(
                    obufs[p].at[pl.ds(b, 1)],
                    out_hbm.at[pl.ds(b, 1), pl.ds(base_f + g * RSLAB, RSLAB)],
                    osems[p]).start()

        def out_drain(p):
            for b in range(nb):
                pltpu.make_async_copy(
                    obufs[p].at[pl.ds(b, 1)],
                    out_hbm.at[pl.ds(0, 1), pl.ds(base_f, RSLAB)],
                    osems[p]).wait()

        row_ids = tuple(
            jnp.full((16,), r, dtype=jnp.int32) for r in range(RSLAB))

        def compute(p):
            slab = slabs[p]
            obuf = obufs[p]

            @plsc.parallel_loop(0, seq, 16, unroll=2)
            def _(off):
                idxvs = [idx_v[b, pl.ds(off, 16)] for b in range(nb)]
                vals = [[plsc.load_gather(slab, [row_ids[r], idxvs[b]])
                         for r in range(RSLAB)] for b in range(nb)]
                for b in range(nb):
                    for r in range(RSLAB):
                        obuf[b, r, pl.ds(off, 16)] = vals[b][r]

        in_start(0, 0)
        in_start(1, 1)
        in_wait(0)
        compute(0)
        out_start(0, 0)
        in_start(2, 0)
        in_wait(1)
        compute(1)
        out_start(1, 1)
        in_start(3, 1)

        def loop_body(t, carry):
            for u in range(2):
                g = 2 * t + 2 + u
                in_wait(u)
                out_drain(u)
                compute(u)
                out_start(g, u)
                in_start(g + 2, u)
            return carry

        lax.fori_loop(0, (n_groups - 4) // 2, loop_body, 0)

        for u in range(2):
            in_wait(u)
            out_drain(u)
            compute(u)
            out_start(n_groups - 2 + u, u)
        out_drain(0)
        out_drain(1)

    return k


def kernel(mapping, maps):
    tableT = maps.transpose(1, 2, 3, 0).reshape(NFEAT, NPOS)
    idx = mapping.astype(jnp.int32)
    out = _sc_gather(tableT, idx)(tableT, idx)
    nb, seq = mapping.shape
    return out.reshape(nb, NUM_HEADS, DIM, DIM, seq).transpose(0, 4, 1, 2, 3)

# --- scband reference (transcript-rebuilt; emitter-appended) ---
"""Pipeline reference for scband-unitary-branching-76244259439132 (READ-ONLY COPY).

The authoritative reference and input builder live on the scoring server;
editing this copy changes nothing except your own understanding.
"""

import jax, jax.numpy as jnp
import numpy as np

DIM = 32
NUM_HEADS = 8
NUM_POSITIONS = 4096
BATCH = 4
SEQ = 2048


def setup_inputs(seed: int = 0) -> dict:
    key = jax.random.key(seed)
    k1, k2 = jax.random.split(key)
    # forward arg: position-id mapping (indices into precomputed maps table)
    mapping = jax.random.randint(k1, (BATCH, SEQ), 0, NUM_POSITIONS)
    # module state: self.maps, the precomputed table of per-head dim x dim maps
    # shape [NUM_POSITIONS, NUM_HEADS, DIM, DIM] (as produced by precompute())
    maps = jax.random.normal(k2, (NUM_POSITIONS, NUM_HEADS, DIM, DIM), dtype=jnp.float32)
    return {"mapping": mapping, "maps": maps}


def reference(mapping, maps):
    # indices = torch.ravel(mapping)
    idx = jnp.ravel(mapping)
    # maps = torch.index_select(self.maps, dim=0, index=indices)
    gathered = jnp.take(maps, idx, axis=0)
    # return maps.view(*mapping.shape, num_heads, dim, dim)
    return gathered.reshape(tuple(mapping.shape) + (NUM_HEADS, DIM, DIM))

if __name__ == "__main__":
    import jax
    _d = setup_inputs()
    print(jax.jit(kernel)(*tuple(_d.values())))

</pallas_src>

<mosaic_0001>
#map = affine_map<(d0, d1) -> (0, 0)>
#map1 = affine_map<(d0, d1) -> (0, 0, 0)>
module attributes {stable_mosaic.version = 14 : i64} {
  func.func @k(%arg0: i32, %arg1: i32, %arg2: memref<8192x4096xf32, #tpu.memory_space<hbm>>, %arg3: memref<4x2048xi32, #tpu.memory_space<hbm>>, %arg4: memref<4x8192x2048xf32, #tpu.memory_space<hbm>>, %arg5: memref<4x2048xi32, #tpu.memory_space<vmem>>, %arg6: memref<4x4096xf32, #tpu.memory_space<vmem>>, %arg7: memref<4x4096xf32, #tpu.memory_space<vmem>>, %arg8: memref<4x4x2048xf32, #tpu.memory_space<vmem>>, %arg9: memref<4x4x2048xf32, #tpu.memory_space<vmem>>, %arg10: memref<!tpu.dma_semaphore, #tpu.memory_space<semaphore_mem>>, %arg11: memref<!tpu.dma_semaphore, #tpu.memory_space<semaphore_mem>>, %arg12: memref<!tpu.dma_semaphore, #tpu.memory_space<semaphore_mem>>, %arg13: memref<!tpu.dma_semaphore, #tpu.memory_space<semaphore_mem>>) attributes {dimension_semantics = [#tpu.dimension_semantics<core_parallel>, #tpu.dimension_semantics<subcore_parallel>], iteration_bounds = array<i64: 2, 16>, scalar_prefetch = 0 : i64, scratch_operands = 9 : i64, tpu.core_type = #tpu.core_type<sc_vector_subcore>, window_params = [{transform_indices = #map}, {transform_indices = #map}, {transform_indices = #map1}]} {
    %mul3A = arith.constant 2 : i32
    %mul3A_0 = arith.muli %arg1, %mul3A : i32
    %add3A = arith.addi %mul3A_0, %arg0 : i32
    %mul3A_1 = arith.constant 256 : i32
    %mul3A_2 = arith.muli %add3A, %mul3A_1 : i32
    "tpu.region"() ({
      %run_scoped3A = tpu.sem_alloc : memref<!tpu.dma_semaphore, #tpu.memory_space<semaphore_mem>>
      tpu.enqueue_dma source(%arg3 : memref<4x2048xi32, #tpu.memory_space<hbm>>) target(%arg5 : memref<4x2048xi32, #tpu.memory_space<vmem>>) target_semaphore(%run_scoped3A : memref<!tpu.dma_semaphore, #tpu.memory_space<semaphore_mem>>)
      tpu.wait_dma2 semaphore(%run_scoped3A : memref<!tpu.dma_semaphore, #tpu.memory_space<semaphore_mem>>) src(%arg3 : memref<4x2048xi32, #tpu.memory_space<hbm>>) dst(%arg5 : memref<4x2048xi32, #tpu.memory_space<vmem>>)
      tpu.yield
    }) : () -> ()
    %broadcast_in_dim3A = arith.constant 0 : i32
    %broadcast_in_dim3A_3 = vector.broadcast %broadcast_in_dim3A : i32 to vector<16xi32>
    %broadcast_in_dim3A_4 = arith.constant 1 : i32
    %broadcast_in_dim3A_5 = vector.broadcast %broadcast_in_dim3A_4 : i32 to vector<16xi32>
    %broadcast_in_dim3A_6 = arith.constant 2 : i32
    %broadcast_in_dim3A_7 = vector.broadcast %broadcast_in_dim3A_6 : i32 to vector<16xi32>
    %broadcast_in_dim3A_8 = arith.constant 3 : i32
    %broadcast_in_dim3A_9 = vector.broadcast %broadcast_in_dim3A_8 : i32 to vector<16xi32>
    %add3A_10 = arith.constant 0 : i32
    %add3A_11 = arith.addi %mul3A_2, %add3A_10 : i32
    %dma_start3A = arith.constant 0 : i32
    %dma_start3A_12 = tpu.memref_slice %arg2[%add3A_11, %dma_start3A] : memref<8192x4096xf32, #tpu.memory_space<hbm>> -> memref<4x4096xf32, #tpu.memory_space<hbm>>
    %dma_start3A_13 = arith.constant 0 : i32
    %dma_start3A_14 = tpu.memref_slice %arg2[%add3A_11, %dma_start3A_13] : memref<8192x4096xf32, #tpu.memory_space<hbm>> -> memref<4x4096xf32, #tpu.memory_space<hbm>>
    tpu.enqueue_dma source(%dma_start3A_14 : memref<4x4096xf32, #tpu.memory_space<hbm>>) target(%arg6 : memref<4x4096xf32, #tpu.memory_space<vmem>>) target_semaphore(%arg10 : memref<!tpu.dma_semaphore, #tpu.memory_space<semaphore_mem>>)
    %add3A_15 = arith.constant 4 : i32
    %add3A_16 = arith.addi %mul3A_2, %add3A_15 : i32
    %dma_start3A_17 = arith.constant 0 : i32
    %dma_start3A_18 = tpu.memref_slice %arg2[%add3A_16, %dma_start3A_17] : memref<8192x4096xf32, #tpu.memory_space<hbm>> -> memref<4x4096xf32, #tpu.memory_space<hbm>>
    %dma_start3A_19 = arith.constant 0 : i32
    %dma_start3A_20 = tpu.memref_slice %arg2[%add3A_16, %dma_start3A_19] : memref<8192x4096xf32, #tpu.memory_space<hbm>> -> memref<4x4096xf32, #tpu.memory_space<hbm>>
    tpu.enqueue_dma source(%dma_start3A_20 : memref<4x4096xf32, #tpu.memory_space<hbm>>) target(%arg7 : memref<4x4096xf32, #tpu.memory_space<vmem>>) target_semaphore(%arg11 : memref<!tpu.dma_semaphore, #tpu.memory_space<semaphore_mem>>)
    %dma_wait3A = arith.constant 0 : i32
    %dma_wait3A_21 = tpu.memref_slice %arg2[%mul3A_2, %dma_wait3A] : memref<8192x4096xf32, #tpu.memory_space<hbm>> -> memref<4x4096xf32, #tpu.memory_space<hbm>>
    %dma_wait3A_22 = arith.constant 0 : i32
    %dma_wait3A_23 = tpu.memref_slice %arg2[%mul3A_2, %dma_wait3A_22] : memref<8192x4096xf32, #tpu.memory_space<hbm>> -> memref<4x4096xf32, #tpu.memory_space<hbm>>
    tpu.wait_dma2 semaphore(%arg10 : memref<!tpu.dma_semaphore, #tpu.memory_space<semaphore_mem>>) src(%dma_wait3A_23 : memref<4x4096xf32, #tpu.memory_space<hbm>>) dst(%arg6 : memref<4x4096xf32, #tpu.memory_space<vmem>>)
    %parallel_loop3A = arith.constant 0 : i32
    %parallel_loop3A_24 = arith.constant 2048 : i32
    %parallel_loop3A_25 = arith.constant 16 : i32
    scf.for %parallel_loop3A_544 = %parallel_loop3A to %parallel_loop3A_24 step %parallel_loop3A_25  : i32 {
      %parallel_loop3A_545 = arith.constant 0 : i32
      %parallel_loop3A_546 = arith.index_cast %parallel_loop3A_545 : i32 to index
      %parallel_loop3A_547 = arith.index_cast %parallel_loop3A_544 : i32 to index
      %parallel_loop3A_548 = tpu.vector_load %arg5[%parallel_loop3A_546, %parallel_loop3A_547] {strides = array<i32>} : memref<4x2048xi32, #tpu.memory_space<vmem>>, vector<16xi32>,
      %parallel_loop3A_549 = arith.constant 1 : i32
      %parallel_loop3A_550 = arith.index_cast %parallel_loop3A_549 : i32 to index
      %parallel_loop3A_551 = arith.index_cast %parallel_loop3A_544 : i32 to index
      %parallel_loop3A_552 = tpu.vector_load %arg5[%parallel_loop3A_550, %parallel_loop3A_551] {strides = array<i32>} : memref<4x2048xi32, #tpu.memory_space<vmem>>, vector<16xi32>,
      %parallel_loop3A_553 = arith.constant 2 : i32
      %parallel_loop3A_554 = arith.index_cast %parallel_loop3A_553 : i32 to index
      %parallel_loop3A_555 = arith.index_cast %parallel_loop3A_544 : i32 to index
      %parallel_loop3A_556 = tpu.vector_load %arg5[%parallel_loop3A_554, %parallel_loop3A_555] {strides = array<i32>} : memref<4x2048xi32, #tpu.memory_space<vmem>>, vector<16xi32>,
      %parallel_loop3A_557 = arith.constant 3 : i32
      %parallel_loop3A_558 = arith.index_cast %parallel_loop3A_557 : i32 to index
      %parallel_loop3A_559 = arith.index_cast %parallel_loop3A_544 : i32 to index
      %parallel_loop3A_560 = tpu.vector_load %arg5[%parallel_loop3A_558, %parallel_loop3A_559] {strides = array<i32>} : memref<4x2048xi32, #tpu.memory_space<vmem>>, vector<16xi32>,
      %parallel_loop3A_561 = tpu.vector_load_idx %arg6[%broadcast_in_dim3A_3, %parallel_loop3A_548] : memref<4x4096xf32, #tpu.memory_space<vmem>>[vector<16xi32>, vector<16xi32>], vector<16xf32>,
      %parallel_loop3A_562 = tpu.vector_load_idx %arg6[%broadcast_in_dim3A_5, %parallel_loop3A_548] : memref<4x4096xf32, #tpu.memory_space<vmem>>[vector<16xi32>, vector<16xi32>], vector<16xf32>,
      %parallel_loop3A_563 = tpu.vector_load_idx %arg6[%broadcast_in_dim3A_7, %parallel_loop3A_548] : memref<4x4096xf32, #tpu.memory_space<vmem>>[vector<16xi32>, vector<16xi32>], vector<16xf32>,
      %parallel_loop3A_564 = tpu.vector_load_idx %arg6[%broadcast_in_dim3A_9, %parallel_loop3A_548] : memref<4x4096xf32, #tpu.memory_space<vmem>>[vector<16xi32>, vector<16xi32>], vector<16xf32>,
      %parallel_loop3A_565 = tpu.vector_load_idx %arg6[%broadcast_in_dim3A_3, %parallel_loop3A_552] : memref<4x4096xf32, #tpu.memory_space<vmem>>[vector<16xi32>, vector<16xi32>], vector<16xf32>,
      %parallel_loop3A_566 = tpu.vector_load_idx %arg6[%broadcast_in_dim3A_5, %parallel_loop3A_552] : memref<4x4096xf32, #tpu.memory_space<vmem>>[vector<16xi32>, vector<16xi32>], vector<16xf32>,
      %parallel_loop3A_567 = tpu.vector_load_idx %arg6[%broadcast_in_dim3A_7, %parallel_loop3A_552] : memref<4x4096xf32, #tpu.memory_space<vmem>>[vector<16xi32>, vector<16xi32>], vector<16xf32>,
      %parallel_loop3A_568 = tpu.vector_load_idx %arg6[%broadcast_in_dim3A_9, %parallel_loop3A_552] : memref<4x4096xf32, #tpu.memory_space<vmem>>[vector<16xi32>, vector<16xi32>], vector<16xf32>,
      %parallel_loop3A_569 = tpu.vector_load_idx %arg6[%broadcast_in_dim3A_3, %parallel_loop3A_556] : memref<4x4096xf32, #tpu.memory_space<vmem>>[vector<16xi32>, vector<16xi32>], vector<16xf32>,
      %parallel_loop3A_570 = tpu.vector_load_idx %arg6[%broadcast_in_dim3A_5, %parallel_loop3A_556] : memref<4x4096xf32, #tpu.memory_space<vmem>>[vector<16xi32>, vector<16xi32>], vector<16xf32>,
      %parallel_loop3A_571 = tpu.vector_load_idx %arg6[%broadcast_in_dim3A_7, %parallel_loop3A_556] : memref<4x4096xf32, #tpu.memory_space<vmem>>[vector<16xi32>, vector<16xi32>], vector<16xf32>,
      %parallel_loop3A_572 = tpu.vector_load_idx %arg6[%broadcast_in_dim3A_9, %parallel_loop3A_556] : memref<4x4096xf32, #tpu.memory_space<vmem>>[vector<16xi32>, vector<16xi32>], vector<16xf32>,
      %parallel_loop3A_573 = tpu.vector_load_idx %arg6[%broadcast_in_dim3A_3, %parallel_loop3A_560] : memref<4x4096xf32, #tpu.memory_space<vmem>>[vector<16xi32>, vector<16xi32>], vector<16xf32>,
      %parallel_loop3A_574 = tpu.vector_load_idx %arg6[%broadcast_in_dim3A_5, %parallel_loop3A_560] : memref<4x4096xf32, #tpu.memory_space<vmem>>[vector<16xi32>, vector<16xi32>], vector<16xf32>,
      %parallel_loop3A_575 = tpu.vector_load_idx %arg6[%broadcast_in_dim3A_7, %parallel_loop3A_560] : memref<4x4096xf32, #tpu.memory_space<vmem>>[vector<16xi32>, vector<16xi32>], vector<16xf32>,
      %parallel_loop3A_576 = tpu.vector_load_idx %arg6[%broadcast_in_dim3A_9, %parallel_loop3A_560] : memref<4x4096xf32, #tpu.memory_space<vmem>>[vector<16xi32>, vector<16xi32>], vector<16xf32>,
      %parallel_loop3A_577 = arith.constant 0 : i32
      %parallel_loop3A_578 = arith.constant 0 : i32
      %parallel_loop3A_579 = arith.index_cast %parallel_loop3A_577 : i32 to index
      %parallel_loop3A_580 = arith.index_cast %parallel_loop3A_578 : i32 to index
      %parallel_loop3A_581 = arith.index_cast %parallel_loop3A_544 : i32 to index
      %parallel_loop3A_582 = tpu.vector_load %arg8[%parallel_loop3A_579, %parallel_loop3A_580, %parallel_loop3A_581] {strides = array<i32>} : memref<4x4x2048xf32, #tpu.memory_space<vmem>>, vector<16xf32>,
      tpu.vector_store %arg8[%parallel_loop3A_579, %parallel_loop3A_580, %parallel_loop3A_581], %parallel_loop3A_561 {strides = array<i32>} : memref<4x4x2048xf32, #tpu.memory_space<vmem>>, vector<16xf32>,
      %parallel_loop3A_583 = arith.constant 0 : i32
      %parallel_loop3A_584 = arith.constant 1 : i32
      %parallel_loop3A_585 = arith.index_cast %parallel_loop3A_583 : i32 to index
      %parallel_loop3A_586 = arith.index_cast %parallel_loop3A_584 : i32 to index
      %parallel_loop3A_587 = arith.index_cast %parallel_loop3A_544 : i32 to index
      %parallel_loop3A_588 = tpu.vector_load %arg8[%parallel_loop3A_585, %parallel_loop3A_586, %parallel_loop3A_587] {strides = array<i32>} : memref<4x4x2048xf32, #tpu.memory_space<vmem>>, vector<16xf32>,
      tpu.vector_store %arg8[%parallel_loop3A_585, %parallel_loop3A_586, %parallel_loop3A_587], %parallel_loop3A_562 {strides = array<i32>} : memref<4x4x2048xf32, #tpu.memory_space<vmem>>, vector<16xf32>,
      %parallel_loop3A_589 = arith.constant 0 : i32
      %parallel_loop3A_590 = arith.constant 2 : i32
      %parallel_loop3A_591 = arith.index_cast %parallel_loop3A_589 : i32 to index
      %parallel_loop3A_592 = arith.index_cast %parallel_loop3A_590 : i32 to index
      %parallel_loop3A_593 = arith.index_cast %parallel_loop3A_544 : i32 to index
      %parallel_loop3A_594 = tpu.vector_load %arg8[%parallel_loop3A_591, %parallel_loop3A_592, %parallel_loop3A_593] {strides = array<i32>} : memref<4x4x2048xf32, #tpu.memory_space<vmem>>, vector<16xf32>,
      tpu.vector_store %arg8[%parallel_loop3A_591, %parallel_loop3A_592, %parallel_loop3A_593], %parallel_loop3A_563 {strides = array<i32>} : memref<4x4x2048xf32, #tpu.memory_space<vmem>>, vector<16xf32>,
      %parallel_loop3A_595 = arith.constant 0 : i32
      %parallel_loop3A_596 = arith.constant 3 : i32
      %parallel_loop3A_597 = arith.index_cast %parallel_loop3A_595 : i32 to index
      %parallel_loop3A_598 = arith.index_cast %parallel_loop3A_596 : i32 to index
      %parallel_loop3A_599 = arith.index_cast %parallel_loop3A_544 : i32 to index
      %parallel_loop3A_600 = tpu.vector_load %arg8[%parallel_loop3A_597, %parallel_loop3A_598, %parallel_loop3A_599] {strides = array<i32>} : memref<4x4x2048xf32, #tpu.memory_space<vmem>>, vector<16xf32>,
      tpu.vector_store %arg8[%parallel_loop3A_597, %parallel_loop3A_598, %parallel_loop3A_599], %parallel_loop3A_564 {strides = array<i32>} : memref<4x4x2048xf32, #tpu.memory_space<vmem>>, vector<16xf32>,
      %parallel_loop3A_601 = arith.constant 1 : i32
      %parallel_loop3A_602 = arith.constant 0 : i32
      %parallel_loop3A_603 = arith.index_cast %parallel_loop3A_601 : i32 to index
      %parallel_loop3A_604 = arith.index_cast %parallel_loop3A_602 : i32 to index
      %parallel_loop3A_605 = arith.index_cast %parallel_loop3A_544 : i32 to index
      %parallel_loop3A_606 = tpu.vector_load %arg8[%parallel_loop3A_603, %parallel_loop3A_604, %parallel_loop3A_605] {strides = array<i32>} : memref<4x4x2048xf32, #tpu.memory_space<vmem>>, vector<16xf32>,
      tpu.vector_store %arg8[%parallel_loop3A_603, %parallel_loop3A_604, %parallel_loop3A_605], %parallel_loop3A_565 {strides = array<i32>} : memref<4x4x2048xf32, #tpu.memory_space<vmem>>, vector<16xf32>,
      %parallel_loop3A_607 = arith.constant 1 : i32
      %parallel_loop3A_608 = arith.constant 1 : i32
      %parallel_loop3A_609 = arith.index_cast %parallel_loop3A_607 : i32 to index
      %parallel_loop3A_610 = arith.index_cast %parallel_loop3A_608 : i32 to index
      %parallel_loop3A_611 = arith.index_cast %parallel_loop3A_544 : i32 to index
      %parallel_loop3A_612 = tpu.vector_load %arg8[%parallel_loop3A_609, %parallel_loop3A_610, %parallel_loop3A_611] {strides = array<i32>} : memref<4x4x2048xf32, #tpu.memory_space<vmem>>, vector<16xf32>,
      tpu.vector_store %arg8[%parallel_loop3A_609, %parallel_loop3A_610, %parallel_loop3A_611], %parallel_loop3A_566 {strides = array<i32>} : memref<4x4x2048xf32, #tpu.memory_space<vmem>>, vector<16xf32>,
      %parallel_loop3A_613 = arith.constant 1 : i32
      %parallel_loop3A_614 = arith.constant 2 : i32
      %parallel_loop3A_615 = arith.index_cast %parallel_loop3A_613 : i32 to index
      %parallel_loop3A_616 = arith.index_cast %parallel_loop3A_614 : i32 to index
      %parallel_loop3A_617 = arith.index_cast %parallel_loop3A_544 : i32 to index
      %parallel_loop3A_618 = tpu.vector_load %arg8[%parallel_loop3A_615, %parallel_loop3A_616, %parallel_loop3A_617] {strides = array<i32>} : memref<4x4x2048xf32, #tpu.memory_space<vmem>>, vector<16xf32>,
      tpu.vector_store %arg8[%parallel_loop3A_615, %parallel_loop3A_616, %parallel_loop3A_617], %parallel_loop3A_567 {strides = array<i32>} : memref<4x4x2048xf32, #tpu.memory_space<vmem>>, vector<16xf32>,
      %parallel_loop3A_619 = arith.constant 1 : i32
      %parallel_loop3A_620 = arith.constant 3 : i32
      %parallel_loop3A_621 = arith.index_cast %parallel_loop3A_619 : i32 to index
      %parallel_loop3A_622 = arith.index_cast %parallel_loop3A_620 : i32 to index
      %parallel_loop3A_623 = arith.index_cast %parallel_loop3A_544 : i32 to index
      %parallel_loop3A_624 = tpu.vector_load %arg8[%parallel_loop3A_621, %parallel_loop3A_622, %parallel_loop3A_623] {strides = array<i32>} : memref<4x4x2048xf32, #tpu.memory_space<vmem>>, vector<16xf32>,
      tpu.vector_store %arg8[%parallel_loop3A_621, %parallel_loop3A_622, %parallel_loop3A_623], %parallel_loop3A_568 {strides = array<i32>} : memref<4x4x2048xf32, #tpu.memory_space<vmem>>, vector<16xf32>,
      %parallel_loop3A_625 = arith.constant 2 : i32
      %parallel_loop3A_626 = arith.constant 0 : i32
      %parallel_loop3A_627 = arith.index_cast %parallel_loop3A_625 : i32 to index
      %parallel_loop3A_628 = arith.index_cast %parallel_loop3A_626 : i32 to index
      %parallel_loop3A_629 = arith.index_cast %parallel_loop3A_544 : i32 to index
      %parallel_loop3A_630 = tpu.vector_load %arg8[%parallel_loop3A_627, %parallel_loop3A_628, %parallel_loop3A_629] {strides = array<i32>} : memref<4x4x2048xf32, #tpu.memory_space<vmem>>, vector<16xf32>,
      tpu.vector_store %arg8[%parallel_loop3A_627, %parallel_loop3A_628, %parallel_loop3A_629], %parallel_loop3A_569 {strides = array<i32>} : memref<4x4x2048xf32, #tpu.memory_space<vmem>>, vector<16xf32>,
      %parallel_loop3A_631 = arith.constant 2 : i32
      %parallel_loop3A_632 = arith.constant 1 : i32
      %parallel_loop3A_633 = arith.index_cast %parallel_loop3A_631 : i32 to index
      %parallel_loop3A_634 = arith.index_cast %parallel_loop3A_632 : i32 to index
      %parallel_loop3A_635 = arith.index_cast %parallel_loop3A_544 : i32 to index
      %parallel_loop3A_636 = tpu.vector_load %arg8[%parallel_loop3A_633, %parallel_loop3A_634, %parallel_loop3A_635] {strides = array<i32>} : memref<4x4x2048xf32, #tpu.memory_space<vmem>>, vector<16xf32>,
      tpu.vector_store %arg8[%parallel_loop3A_633, %parallel_loop3A_634, %parallel_loop3A_635], %parallel_loop3A_570 {strides = array<i32>} : memref<4x4x2048xf32, #tpu.memory_space<vmem>>, vector<16xf32>,
      %parallel_loop3A_637 = arith.constant 2 : i32
      %parallel_loop3A_638 = arith.constant 2 : i32
      %parallel_loop3A_639 = arith.index_cast %parallel_loop3A_637 : i32 to index
      %parallel_loop3A_640 = arith.index_cast %parallel_loop3A_638 : i32 to index
      %parallel_loop3A_641 = arith.index_cast %parallel_loop3A_544 : i32 to index
      %parallel_loop3A_642 = tpu.vector_load %arg8[%parallel_loop3A_639, %parallel_loop3A_640, %parallel_loop3A_641] {strides = array<i32>} : memref<4x4x2048xf32, #tpu.memory_space<vmem>>, vector<16xf32>,
      tpu.vector_store %arg8[%parallel_loop3A_639, %parallel_loop3A_640, %parallel_loop3A_641], %parallel_loop3A_571 {strides = array<i32>} : memref<4x4x2048xf32, #tpu.memory_space<vmem>>, vector<16xf32>,
      %parallel_loop3A_643 = arith.constant 2 : i32
      %parallel_loop3A_644 = arith.constant 3 : i32
      %parallel_loop3A_645 = arith.index_cast %parallel_loop3A_643 : i32 to index
      %parallel_loop3A_646 = arith.index_cast %parallel_loop3A_644 : i32 to index
      %parallel_loop3A_647 = arith.index_cast %parallel_loop3A_544 : i32 to index
      %parallel_loop3A_648 = tpu.vector_load %arg8[%parallel_loop3A_645, %parallel_loop3A_646, %parallel_loop3A_647] {strides = array<i32>} : memref<4x4x2048xf32, #tpu.memory_space<vmem>>, vector<16xf32>,
      tpu.vector_store %arg8[%parallel_loop3A_645, %parallel_loop3A_646, %parallel_loop3A_647], %parallel_loop3A_572 {strides = array<i32>} : memref<4x4x2048xf32, #tpu.memory_space<vmem>>, vector<16xf32>,
      %parallel_loop3A_649 = arith.constant 3 : i32
      %parallel_loop3A_650 = arith.constant 0 : i32
      %parallel_loop3A_651 = arith.index_cast %parallel_loop3A_649 : i32 to index
      %parallel_loop3A_652 = arith.index_cast %parallel_loop3A_650 : i32 to index
      %parallel_loop3A_653 = arith.index_cast %parallel_loop3A_544 : i32 to index
      %parallel_loop3A_654 = tpu.vector_load %arg8[%parallel_loop3A_651, %parallel_loop3A_652, %parallel_loop3A_653] {strides = array<i32>} : memref<4x4x2048xf32, #tpu.memory_space<vmem>>, vector<16xf32>,
      tpu.vector_store %arg8[%parallel_loop3A_651, %parallel_loop3A_652, %parallel_loop3A_653], %parallel_loop3A_573 {strides = array<i32>} : memref<4x4x2048xf32, #tpu.memory_space<vmem>>, vector<16xf32>,
      %parallel_loop3A_655 = arith.constant 3 : i32
      %parallel_loop3A_656 = arith.constant 1 : i32
      %parallel_loop3A_657 = arith.index_cast %parallel_loop3A_655 : i32 to index
      %parallel_loop3A_658 = arith.index_cast %parallel_loop3A_656 : i32 to index
      %parallel_loop3A_659 = arith.index_cast %parallel_loop3A_544 : i32 to index
      %parallel_loop3A_660 = tpu.vector_load %arg8[%parallel_loop3A_657, %parallel_loop3A_658, %parallel_loop3A_659] {strides = array<i32>} : memref<4x4x2048xf32, #tpu.memory_space<vmem>>, vector<16xf32>,
      tpu.vector_store %arg8[%parallel_loop3A_657, %parallel_loop3A_658, %parallel_loop3A_659], %parallel_loop3A_574 {strides = array<i32>} : memref<4x4x2048xf32, #tpu.memory_space<vmem>>, vector<16xf32>,
      %parallel_loop3A_661 = arith.constant 3 : i32
      %parallel_loop3A_662 = arith.constant 2 : i32
      %parallel_loop3A_663 = arith.index_cast %parallel_loop3A_661 : i32 to index
      %parallel_loop3A_664 = arith.index_cast %parallel_loop3A_662 : i32 to index
      %parallel_loop3A_665 = arith.index_cast %parallel_loop3A_544 : i32 to index
      %parallel_loop3A_666 = tpu.vector_load %arg8[%parallel_loop3A_663, %parallel_loop3A_664, %parallel_loop3A_665] {strides = array<i32>} : memref<4x4x2048xf32, #tpu.memory_space<vmem>>, vector<16xf32>,
      tpu.vector_store %arg8[%parallel_loop3A_663, %parallel_loop3A_664, %parallel_loop3A_665], %parallel_loop3A_575 {strides = array<i32>} : memref<4x4x2048xf32, #tpu.memory_space<vmem>>, vector<16xf32>,
      %parallel_loop3A_667 = arith.constant 3 : i32
      %parallel_loop3A_668 = arith.constant 3 : i32
      %parallel_loop3A_669 = arith.index_cast %parallel_loop3A_667 : i32 to index
      %parallel_loop3A_670 = arith.index_cast %parallel_loop3A_668 : i32 to index
      %parallel_loop3A_671 = arith.index_cast %parallel_loop3A_544 : i32 to index
      %parallel_loop3A_672 = tpu.vector_load %arg8[%parallel_loop3A_669, %parallel_loop3A_670, %parallel_loop3A_671] {strides = array<i32>} : memref<4x4x2048xf32, #tpu.memory_space<vmem>>, vector<16xf32>,
      tpu.vector_store %arg8[%parallel_loop3A_669, %parallel_loop3A_670, %parallel_loop3A_671], %parallel_loop3A_576 {strides = array<i32>} : memref<4x4x2048xf32, #tpu.memory_space<vmem>>, vector<16xf32>,
    } {sc.loop_unroll_factor = 2 : i64, sc.parallel_access}
    %add3A_26 = arith.constant 0 : i32
    %add3A_27 = arith.addi %mul3A_2, %add3A_26 : i32
    %dma_start3A_28 = arith.constant 0 : i32
    %dma_start3A_29 = arith.constant 0 : i32
    %dma_start3A_30 = arith.constant 0 : i32
    %dma_start3A_31 = tpu.memref_slice %arg8[%dma_start3A_28, %dma_start3A_29, %dma_start3A_30] : memref<4x4x2048xf32, #tpu.memory_space<vmem>> -> memref<1x4x2048xf32, #tpu.memory_space<vmem>>
    %dma_start3A_32 = arith.constant 0 : i32
    %dma_start3A_33 = arith.constant 0 : i32
    %dma_start3A_34 = tpu.memref_slice %arg4[%dma_start3A_32, %add3A_27, %dma_start3A_33] : memref<4x8192x2048xf32, #tpu.memory_space<hbm>> -> memref<1x4x2048xf32, #tpu.memory_space<hbm>>
    %dma_start3A_35 = arith.constant 0 : i32
    %dma_start3A_36 = arith.constant 0 : i32
    %dma_start3A_37 = tpu.memref_slice %arg4[%dma_start3A_35, %add3A_27, %dma_start3A_36] : memref<4x8192x2048xf32, #tpu.memory_space<hbm>> -> memref<1x4x2048xf32, #tpu.memory_space<hbm>>
    %dma_start3A_38 = arith.constant 0 : i32
    %dma_start3A_39 = arith.constant 0 : i32
    %dma_start3A_40 = arith.constant 0 : i32
    %dma_start3A_41 = tpu.memref_slice %arg8[%dma_start3A_38, %dma_start3A_39, %dma_start3A_40] : memref<4x4x2048xf32, #tpu.memory_space<vmem>> -> memref<1x4x2048xf32, #tpu.memory_space<vmem>>
    tpu.enqueue_dma source(%dma_start3A_41 : memref<1x4x2048xf32, #tpu.memory_space<vmem>>) target(%dma_start3A_37 : memref<1x4x2048xf32, #tpu.memory_space<hbm>>) target_semaphore(%arg12 : memref<!tpu.dma_semaphore, #tpu.memory_space<semaphore_mem>>)
    %add3A_42 = arith.constant 0 : i32
    %add3A_43 = arith.addi %mul3A_2, %add3A_42 : i32
    %dma_start3A_44 = arith.constant 1 : i32
    %dma_start3A_45 = arith.constant 0 : i32
    %dma_start3A_46 = arith.constant 0 : i32
    %dma_start3A_47 = tpu.memref_slice %arg8[%dma_start3A_44, %dma_start3A_45, %dma_start3A_46] : memref<4x4x2048xf32, #tpu.memory_space<vmem>> -> memref<1x4x2048xf32, #tpu.memory_space<vmem>>
    %dma_start3A_48 = arith.constant 1 : i32
    %dma_start3A_49 = arith.constant 0 : i32
    %dma_start3A_50 = tpu.memref_slice %arg4[%dma_start3A_48, %add3A_43, %dma_start3A_49] : memref<4x8192x2048xf32, #tpu.memory_space<hbm>> -> memref<1x4x2048xf32, #tpu.memory_space<hbm>>
    %dma_start3A_51 = arith.constant 1 : i32
    %dma_start3A_52 = arith.constant 0 : i32
    %dma_start3A_53 = tpu.memref_slice %arg4[%dma_start3A_51, %add3A_43, %dma_start3A_52] : memref<4x8192x2048xf32, #tpu.memory_space<hbm>> -> memref<1x4x2048xf32, #tpu.memory_space<hbm>>
    %dma_start3A_54 = arith.constant 1 : i32
    %dma_start3A_55 = arith.constant 0 : i32
    %dma_start3A_56 = arith.constant 0 : i32
    %dma_start3A_57 = tpu.memref_slice %arg8[%dma_start3A_54, %dma_start3A_55, %dma_start3A_56] : memref<4x4x2048xf32, #tpu.memory_space<vmem>> -> memref<1x4x2048xf32, #tpu.memory_space<vmem>>
    tpu.enqueue_dma source(%dma_start3A_57 : memref<1x4x2048xf32, #tpu.memory_space<vmem>>) target(%dma_start3A_53 : memref<1x4x2048xf32, #tpu.memory_space<hbm>>) target_semaphore(%arg12 : memref<!tpu.dma_semaphore, #tpu.memory_space<semaphore_mem>>)
    %add3A_58 = arith.constant 0 : i32
    %add3A_59 = arith.addi %mul3A_2, %add3A_58 : i32
    %dma_start3A_60 = arith.constant 2 : i32
    %dma_start3A_61 = arith.constant 0 : i32
    %dma_start3A_62 = arith.constant 0 : i32
    %dma_start3A_63 = tpu.memref_slice %arg8[%dma_start3A_60, %dma_start3A_61, %dma_start3A_62] : memref<4x4x2048xf32, #tpu.memory_space<vmem>> -> memref<1x4x2048xf32, #tpu.memory_space<vmem>>
    %dma_start3A_64 = arith.constant 2 : i32
    %dma_start3A_65 = arith.constant 0 : i32
    %dma_start3A_66 = tpu.memref_slice %arg4[%dma_start3A_64, %add3A_59, %dma_start3A_65] : memref<4x8192x2048xf32, #tpu.memory_space<hbm>> -> memref<1x4x2048xf32, #tpu.memory_space<hbm>>
    %dma_start3A_67 = arith.constant 2 : i32
    %dma_start3A_68 = arith.constant 0 : i32
    %dma_start3A_69 = tpu.memref_slice %arg4[%dma_start3A_67, %add3A_59, %dma_start3A_68] : memref<4x8192x2048xf32, #tpu.memory_space<hbm>> -> memref<1x4x2048xf32, #tpu.memory_space<hbm>>
    %dma_start3A_70 = arith.constant 2 : i32
    %dma_start3A_71 = arith.constant 0 : i32
    %dma_start3A_72 = arith.constant 0 : i32
    %dma_start3A_73 = tpu.memref_slice %arg8[%dma_start3A_70, %dma_start3A_71, %dma_start3A_72] : memref<4x4x2048xf32, #tpu.memory_space<vmem>> -> memref<1x4x2048xf32, #tpu.memory_space<vmem>>
    tpu.enqueue_dma source(%dma_start3A_73 : memref<1x4x2048xf32, #tpu.memory_space<vmem>>) target(%dma_start3A_69 : memref<1x4x2048xf32, #tpu.memory_space<hbm>>) target_semaphore(%arg12 : memref<!tpu.dma_semaphore, #tpu.memory_space<semaphore_mem>>)
    %add3A_74 = arith.constant 0 : i32
    %add3A_75 = arith.addi %mul3A_2, %add3A_74 : i32
    %dma_start3A_76 = arith.constant 3 : i32
    %dma_start3A_77 = arith.constant 0 : i32
    %dma_start3A_78 = arith.constant 0 : i32
    %dma_start3A_79 = tpu.memref_slice %arg8[%dma_start3A_76, %dma_start3A_77, %dma_start3A_78] : memref<4x4x2048xf32, #tpu.memory_space<vmem>> -> memref<1x4x2048xf32, #tpu.memory_space<vmem>>
    %dma_start3A_80 = arith.constant 3 : i32
    %dma_start3A_81 = arith.constant 0 : i32
    %dma_start3A_82 = tpu.memref_slice %arg4[%dma_start3A_80, %add3A_75, %dma_start3A_81] : memref<4x8192x2048xf32, #tpu.memory_space<hbm>> -> memref<1x4x2048xf32, #tpu.memory_space<hbm>>
    %dma_start3A_83 = arith.constant 3 : i32
    %dma_start3A_84 = arith.constant 0 : i32
    %dma_start3A_85 = tpu.memref_slice %arg4[%dma_start3A_83, %add3A_75, %dma_start3A_84] : memref<4x8192x2048xf32, #tpu.memory_space<hbm>> -> memref<1x4x2048xf32, #tpu.memory_space<hbm>>
    %dma_start3A_86 = arith.constant 3 : i32
    %dma_start3A_87 = arith.constant 0 : i32
    %dma_start3A_88 = arith.constant 0 : i32
    %dma_start3A_89 = tpu.memref_slice %arg8[%dma_start3A_86, %dma_start3A_87, %dma_start3A_88] : memref<4x4x2048xf32, #tpu.memory_space<vmem>> -> memref<1x4x2048xf32, #tpu.memory_space<vmem>>
    tpu.enqueue_dma source(%dma_start3A_89 : memref<1x4x2048xf32, #tpu.memory_space<vmem>>) target(%dma_start3A_85 : memref<1x4x2048xf32, #tpu.memory_space<hbm>>) target_semaphore(%arg12 : memref<!tpu.dma_semaphore, #tpu.memory_space<semaphore_mem>>)
    %add3A_90 = arith.constant 8 : i32
    %add3A_91 = arith.addi %mul3A_2, %add3A_90 : i32
    %dma_start3A_92 = arith.constant 0 : i32
    %dma_start3A_93 = tpu.memref_slice %arg2[%add3A_91, %dma_start3A_92] : memref<8192x4096xf32, #tpu.memory_space<hbm>> -> memref<4x4096xf32, #tpu.memory_space<hbm>>
    %dma_start3A_94 = arith.constant 0 : i32
    %dma_start3A_95 = tpu.memref_slice %arg2[%add3A_91, %dma_start3A_94] : memref<8192x4096xf32, #tpu.memory_space<hbm>> -> memref<4x4096xf32, #tpu.memory_space<hbm>>
    tpu.enqueue_dma source(%dma_start3A_95 : memref<4x4096xf32, #tpu.memory_space<hbm>>) target(%arg6 : memref<4x4096xf32, #tpu.memory_space<vmem>>) target_semaphore(%arg10 : memref<!tpu.dma_semaphore, #tpu.memory_space<semaphore_mem>>)
    %dma_wait3A_96 = arith.constant 0 : i32
    %dma_wait3A_97 = tpu.memref_slice %arg2[%mul3A_2, %dma_wait3A_96] : memref<8192x4096xf32, #tpu.memory_space<hbm>> -> memref<4x4096xf32, #tpu.memory_space<hbm>>
    %dma_wait3A_98 = arith.constant 0 : i32
    %dma_wait3A_99 = tpu.memref_slice %arg2[%mul3A_2, %dma_wait3A_98] : memref<8192x4096xf32, #tpu.memory_space<hbm>> -> memref<4x4096xf32, #tpu.memory_space<hbm>>
    tpu.wait_dma2 semaphore(%arg11 : memref<!tpu.dma_semaphore, #tpu.memory_space<semaphore_mem>>) src(%dma_wait3A_99 : memref<4x4096xf32, #tpu.memory_space<hbm>>) dst(%arg7 : memref<4x4096xf32, #tpu.memory_space<vmem>>)
    %parallel_loop3A_100 = arith.constant 0 : i32
    %parallel_loop3A_101 = arith.constant 2048 : i32
    %parallel_loop3A_102 = arith.constant 16 : i32
    scf.for %parallel_loop3A_544 = %parallel_loop3A_100 to %parallel_loop3A_101 step %parallel_loop3A_102  : i32 {
      %parallel_loop3A_545 = arith.constant 0 : i32
      %parallel_loop3A_546 = arith.index_cast %parallel_loop3A_545 : i32 to index
      %parallel_loop3A_547 = arith.index_cast %parallel_loop3A_544 : i32 to index
      %parallel_loop3A_548 = tpu.vector_load %arg5[%parallel_loop3A_546, %parallel_loop3A_547] {strides = array<i32>} : memref<4x2048xi32, #tpu.memory_space<vmem>>, vector<16xi32>,
      %parallel_loop3A_549 = arith.constant 1 : i32
      %parallel_loop3A_550 = arith.index_cast %parallel_loop3A_549 : i32 to index
      %parallel_loop3A_551 = arith.index_cast %parallel_loop3A_544 : i32 to index
      %parallel_loop3A_552 = tpu.vector_load %arg5[%parallel_loop3A_550, %parallel_loop3A_551] {strides = array<i32>} : memref<4x2048xi32, #tpu.memory_space<vmem>>, vector<16xi32>,
      %parallel_loop3A_553 = arith.constant 2 : i32
      %parallel_loop3A_554 = arith.index_cast %parallel_loop3A_553 : i32 to index
      %parallel_loop3A_555 = arith.index_cast %parallel_loop3A_544 : i32 to index
      %parallel_loop3A_556 = tpu.vector_load %arg5[%parallel_loop3A_554, %parallel_loop3A_555] {strides = array<i32>} : memref<4x2048xi32, #tpu.memory_space<vmem>>, vector<16xi32>,
      %parallel_loop3A_557 = arith.constant 3 : i32
      %parallel_loop3A_558 = arith.index_cast %parallel_loop3A_557 : i32 to index
      %parallel_loop3A_559 = arith.index_cast %parallel_loop3A_544 : i32 to index
      %parallel_loop3A_560 = tpu.vector_load %arg5[%parallel_loop3A_558, %parallel_loop3A_559] {strides = array<i32>} : memref<4x2048xi32, #tpu.memory_space<vmem>>, vector<16xi32>,
      %parallel_loop3A_561 = tpu.vector_load_idx %arg7[%broadcast_in_dim3A_3, %parallel_loop3A_548] : memref<4x4096xf32, #tpu.memory_space<vmem>>[vector<16xi32>, vector<16xi32>], vector<16xf32>,
      %parallel_loop3A_562 = tpu.vector_load_idx %arg7[%broadcast_in_dim3A_5, %parallel_loop3A_548] : memref<4x4096xf32, #tpu.memory_space<vmem>>[vector<16xi32>, vector<16xi32>], vector<16xf32>,
      %parallel_loop3A_563 = tpu.vector_load_idx %arg7[%broadcast_in_dim3A_7, %parallel_loop3A_548] : memref<4x4096xf32, #tpu.memory_space<vmem>>[vector<16xi32>, vector<16xi32>], vector<16xf32>,
      %parallel_loop3A_564 = tpu.vector_load_idx %arg7[%broadcast_in_dim3A_9, %parallel_loop3A_548] : memref<4x4096xf32, #tpu.memory_space<vmem>>[vector<16xi32>, vector<16xi32>], vector<16xf32>,
      %parallel_loop3A_565 = tpu.vector_load_idx %arg7[%broadcast_in_dim3A_3, %parallel_loop3A_552] : memref<4x4096xf32, #tpu.memory_space<vmem>>[vector<16xi32>, vector<16xi32>], vector<16xf32>,
      %parallel_loop3A_566 = tpu.vector_load_idx %arg7[%broadcast_in_dim3A_5, %parallel_loop3A_552] : memref<4x4096xf32, #tpu.memory_space<vmem>>[vector<16xi32>, vector<16xi32>], vector<16xf32>,
      %parallel_loop3A_567 = tpu.vector_load_idx %arg7[%broadcast_in_dim3A_7, %parallel_loop3A_552] : memref<4x4096xf32, #tpu.memory_space<vmem>>[vector<16xi32>, vector<16xi32>], vector<16xf32>,
      %parallel_loop3A_568 = tpu.vector_load_idx %arg7[%broadcast_in_dim3A_9, %parallel_loop3A_552] : memref<4x4096xf32, #tpu.memory_space<vmem>>[vector<16xi32>, vector<16xi32>], vector<16xf32>,
      %parallel_loop3A_569 = tpu.vector_load_idx %arg7[%broadcast_in_dim3A_3, %parallel_loop3A_556] : memref<4x4096xf32, #tpu.memory_space<vmem>>[vector<16xi32>, vector<16xi32>], vector<16xf32>,
      %parallel_loop3A_570 = tpu.vector_load_idx %arg7[%broadcast_in_dim3A_5, %parallel_loop3A_556] : memref<4x4096xf32, #tpu.memory_space<vmem>>[vector<16xi32>, vector<16xi32>], vector<16xf32>,
      %parallel_loop3A_571 = tpu.vector_load_idx %arg7[%broadcast_in_dim3A_7, %parallel_loop3A_556] : memref<4x4096xf32, #tpu.memory_space<vmem>>[vector<16xi32>, vector<16xi32>], vector<16xf32>,
      %parallel_loop3A_572 = tpu.vector_load_idx %arg7[%broadcast_in_dim3A_9, %parallel_loop3A_556] : memref<4x4096xf32, #tpu.memory_space<vmem>>[vector<16xi32>, vector<16xi32>], vector<16xf32>,
      %parallel_loop3A_573 = tpu.vector_load_idx %arg7[%broadcast_in_dim3A_3, %parallel_loop3A_560] : memref<4x4096xf32, #tpu.memory_space<vmem>>[vector<16xi32>, vector<16xi32>], vector<16xf32>,
      %parallel_loop3A_574 = tpu.vector_load_idx %arg7[%broadcast_in_dim3A_5, %parallel_loop3A_560] : memref<4x4096xf32, #tpu.memory_space<vmem>>[vector<16xi32>, vector<16xi32>], vector<16xf32>,
      %parallel_loop3A_575 = tpu.vector_load_idx %arg7[%broadcast_in_dim3A_7, %parallel_loop3A_560] : memref<4x4096xf32, #tpu.memory_space<vmem>>[vector<16xi32>, vector<16xi32>], vector<16xf32>,
      %parallel_loop3A_576 = tpu.vector_load_idx %arg7[%broadcast_in_dim3A_9, %parallel_loop3A_560] : memref<4x4096xf32, #tpu.memory_space<vmem>>[vector<16xi32>, vector<16xi32>], vector<16xf32>,
      %parallel_loop3A_577 = arith.constant 0 : i32
      %parallel_loop3A_578 = arith.constant 0 : i32
      %parallel_loop3A_579 = arith.index_cast %parallel_loop3A_577 : i32 to index
      %parallel_loop3A_580 = arith.index_cast %parallel_loop3A_578 : i32 to index
      %parallel_loop3A_581 = arith.index_cast %parallel_loop3A_544 : i32 to index
      %parallel_loop3A_582 = tpu.vector_load %arg9[%parallel_loop3A_579, %parallel_loop3A_580, %parallel_loop3A_581] {strides = array<i32>} : memref<4x4x2048xf32, #tpu.memory_space<vmem>>, vector<16xf32>,
      tpu.vector_store %arg9[%parallel_loop3A_579, %parallel_loop3A_580, %parallel_loop3A_581], %parallel_loop3A_561 {strides = array<i32>} : memref<4x4x2048xf32, #tpu.memory_space<vmem>>, vector<16xf32>,
      %parallel_loop3A_583 = arith.constant 0 : i32
      %parallel_loop3A_584 = arith.constant 1 : i32
      %parallel_loop3A_585 = arith.index_cast %parallel_loop3A_583 : i32 to index
      %parallel_loop3A_586 = arith.index_cast %parallel_loop3A_584 : i32 to index
      %parallel_loop3A_587 = arith.index_cast %parallel_loop3A_544 : i32 to index
      %parallel_loop3A_588 = tpu.vector_load %arg9[%parallel_loop3A_585, %parallel_loop3A_586, %parallel_loop3A_587] {strides = array<i32>} : memref<4x4x2048xf32, #tpu.memory_space<vmem>>, vector<16xf32>,
      tpu.vector_store %arg9[%parallel_loop3A_585, %parallel_loop3A_586, %parallel_loop3A_587], %parallel_loop3A_562 {strides = array<i32>} : memref<4x4x2048xf32, #tpu.memory_space<vmem>>, vector<16xf32>,
      %parallel_loop3A_589 = arith.constant 0 : i32
      %parallel_loop3A_590 = arith.constant 2 : i32
      %parallel_loop3A_591 = arith.index_cast %parallel_loop3A_589 : i32 to index
      %parallel_loop3A_592 = arith.index_cast %parallel_loop3A_590 : i32 to index
      %parallel_loop3A_593 = arith.index_cast %parallel_loop3A_544 : i32 to index
      %parallel_loop3A_594 = tpu.vector_load %arg9[%parallel_loop3A_591, %parallel_loop3A_592, %parallel_loop3A_593] {strides = array<i32>} : memref<4x4x2048xf32, #tpu.memory_space<vmem>>, vector<16xf32>,
      tpu.vector_store %arg9[%parallel_loop3A_591, %parallel_loop3A_592, %parallel_loop3A_593], %parallel_loop3A_563 {strides = array<i32>} : memref<4x4x2048xf32, #tpu.memory_space<vmem>>, vector<16xf32>,
      %parallel_loop3A_595 = arith.constant 0 : i32
      %parallel_loop3A_596 = arith.constant 3 : i32
      %parallel_loop3A_597 = arith.index_cast %parallel_loop3A_595 : i32 to index
      %parallel_loop3A_598 = arith.index_cast %parallel_loop3A_596 : i32 to index
      %parallel_loop3A_599 = arith.index_cast %parallel_loop3A_544 : i32 to index
      %parallel_loop3A_600 = tpu.vector_load %arg9[%parallel_loop3A_597, %parallel_loop3A_598, %parallel_loop3A_599] {strides = array<i32>} : memref<4x4x2048xf32, #tpu.memory_space<vmem>>, vector<16xf32>,
      tpu.vector_store %arg9[%parallel_loop3A_597, %parallel_loop3A_598, %parallel_loop3A_599], %parallel_loop3A_564 {strides = array<i32>} : memref<4x4x2048xf32, #tpu.memory_space<vmem>>, vector<16xf32>,
      %parallel_loop3A_601 = arith.constant 1 : i32
      %parallel_loop3A_602 = arith.constant 0 : i32
      %parallel_loop3A_603 = arith.index_cast %parallel_loop3A_601 : i32 to index
      %parallel_loop3A_604 = arith.index_cast %parallel_loop3A_602 : i32 to index
      %parallel_loop3A_605 = arith.index_cast %parallel_loop3A_544 : i32 to index
      %parallel_loop3A_606 = tpu.vector_load %arg9[%parallel_loop3A_603, %parallel_loop3A_604, %parallel_loop3A_605] {strides = array<i32>} : memref<4x4x2048xf32, #tpu.memory_space<vmem>>, vector<16xf32>,
      tpu.vector_store %arg9[%parallel_loop3A_603, %parallel_loop3A_604, %parallel_loop3A_605], %parallel_loop3A_565 {strides = array<i32>} : memref<4x4x2048xf32, #tpu.memory_space<vmem>>, vector<16xf32>,
      %parallel_loop3A_607 = arith.constant 1 : i32
      %parallel_loop3A_608 = arith.constant 1 : i32
      %parallel_loop3A_609 = arith.index_cast %parallel_loop3A_607 : i32 to index
      %parallel_loop3A_610 = arith.index_cast %parallel_loop3A_608 : i32 to index
      %parallel_loop3A_611 = arith.index_cast %parallel_loop3A_544 : i32 to index
      %parallel_loop3A_612 = tpu.vector_load %arg9[%parallel_loop3A_609, %parallel_loop3A_610, %parallel_loop3A_611] {strides = array<i32>} : memref<4x4x2048xf32, #tpu.memory_space<vmem>>, vector<16xf32>,
      tpu.vector_store %arg9[%parallel_loop3A_609, %parallel_loop3A_610, %parallel_loop3A_611], %parallel_loop3A_566 {strides = array<i32>} : memref<4x4x2048xf32, #tpu.memory_space<vmem>>, vector<16xf32>,
      %parallel_loop3A_613 = arith.constant 1 : i32
      %parallel_loop3A_614 = arith.constant 2 : i32
      %parallel_loop3A_615 = arith.index_cast %parallel_loop3A_613 : i32 to index
      %parallel_loop3A_616 = arith.index_cast %parallel_loop3A_614 : i32 to index
      %parallel_loop3A_617 = arith.index_cast %parallel_loop3A_544 : i32 to index
      %parallel_loop3A_618 = tpu.vector_load %arg9[%parallel_loop3A_615, %parallel_loop3A_616, %parallel_loop3A_617] {strides = array<i32>} : memref<4x4x2048xf32, #tpu.memory_space<vmem>>, vector<16xf32>,
      tpu.vector_store %arg9[%parallel_loop3A_615, %parallel_loop3A_616, %parallel_loop3A_617], %parallel_loop3A_567 {strides = array<i32>} : memref<4x4x2048xf32, #tpu.memory_space<vmem>>, vector<16xf32>,
      %parallel_loop3A_619 = arith.constant 1 : i32
      %parallel_loop3A_620 = arith.constant 3 : i32
      %parallel_loop3A_621 = arith.index_cast %parallel_loop3A_619 : i32 to index
      %parallel_loop3A_622 = arith.index_cast %parallel_loop3A_620 : i32 to index
      %parallel_loop3A_623 = arith.index_cast %parallel_loop3A_544 : i32 to index
      %parallel_loop3A_624 = tpu.vector_load %arg9[%parallel_loop3A_621, %parallel_loop3A_622, %parallel_loop3A_623] {strides = array<i32>} : memref<4x4x2048xf32, #tpu.memory_space<vmem>>, vector<16xf32>,
      tpu.vector_store %arg9[%parallel_loop3A_621, %parallel_loop3A_622, %parallel_loop3A_623], %parallel_loop3A_568 {strides = array<i32>} : memref<4x4x2048xf32, #tpu.memory_space<vmem>>, vector<16xf32>,
      %parallel_loop3A_625 = arith.constant 2 : i32
      %parallel_loop3A_626 = arith.constant 0 : i32
      %parallel_loop3A_627 = arith.index_cast %parallel_loop3A_625 : i32 to index
      %parallel_loop3A_628 = arith.index_cast %parallel_loop3A_626 : i32 to index
      %parallel_loop3A_629 = arith.index_cast %parallel_loop3A_544 : i32 to index
      %parallel_loop3A_630 = tpu.vector_load %arg9[%parallel_loop3A_627, %parallel_loop3A_628, %parallel_loop3A_629] {strides = array<i32>} : memref<4x4x2048xf32, #tpu.memory_space<vmem>>, vector<16xf32>,
      tpu.vector_store %arg9[%parallel_loop3A_627, %parallel_loop3A_628, %parallel_loop3A_629], %parallel_loop3A_569 {strides = array<i32>} : memref<4x4x2048xf32, #tpu.memory_space<vmem>>, vector<16xf32>,
      %parallel_loop3A_631 = arith.constant 2 : i32
      %parallel_loop3A_632 = arith.constant 1 : i32
      %parallel_loop3A_633 = arith.index_cast %parallel_loop3A_631 : i32 to index
      %parallel_loop3A_634 = arith.index_cast %parallel_loop3A_632 : i32 to index
      %parallel_loop3A_635 = arith.index_cast %parallel_loop3A_544 : i32 to index
      %parallel_loop3A_636 = tpu.vector_load %arg9[%parallel_loop3A_633, %parallel_loop3A_634, %parallel_loop3A_635] {strides = array<i32>} : memref<4x4x2048xf32, #tpu.memory_space<vmem>>, vector<16xf32>,
      tpu.vector_store %arg9[%parallel_loop3A_633, %parallel_loop3A_634, %parallel_loop3A_635], %parallel_loop3A_570 {strides = array<i32>} : memref<4x4x2048xf32, #tpu.memory_space<vmem>>, vector<16xf32>,
      %parallel_loop3A_637 = arith.constant 2 : i32
      %parallel_loop3A_638 = arith.constant 2 : i32
      %parallel_loop3A_639 = arith.index_cast %parallel_loop3A_637 : i32 to index
      %parallel_loop3A_640 = arith.index_cast %parallel_loop3A_638 : i32 to index
      %parallel_loop3A_641 = arith.index_cast %parallel_loop3A_544 : i32 to index
      %parallel_loop3A_642 = tpu.vector_load %arg9[%parallel_loop3A_639, %parallel_loop3A_640, %parallel_loop3A_641] {strides = array<i32>} : memref<4x4x2048xf32, #tpu.memory_space<vmem>>, vector<16xf32>,
      tpu.vector_store %arg9[%parallel_loop3A_639, %parallel_loop3A_640, %parallel_loop3A_641], %parallel_loop3A_571 {strides = array<i32>} : memref<4x4x2048xf32, #tpu.memory_space<vmem>>, vector<16xf32>,
      %parallel_loop3A_643 = arith.constant 2 : i32
      %parallel_loop3A_644 = arith.constant 3 : i32
      %parallel_loop3A_645 = arith.index_cast %parallel_loop3A_643 : i32 to index
      %parallel_loop3A_646 = arith.index_cast %parallel_loop3A_644 : i32 to index
      %parallel_loop3A_647 = arith.index_cast %parallel_loop3A_544 : i32 to index
      %parallel_loop3A_648 = tpu.vector_load %arg9[%parallel_loop3A_645, %parallel_loop3A_646, %parallel_loop3A_647] {strides = array<i32>} : memref<4x4x2048xf32, #tpu.memory_space<vmem>>, vector<16xf32>,
      tpu.vector_store %arg9[%parallel_loop3A_645, %parallel_loop3A_646, %parallel_loop3A_647], %parallel_loop3A_572 {strides = array<i32>} : memref<4x4x2048xf32, #tpu.memory_space<vmem>>, vector<16xf32>,
      %parallel_loop3A_649 = arith.constant 3 : i32
      %parallel_loop3A_650 = arith.constant 0 : i32
      %parallel_loop3A_651 = arith.index_cast %parallel_loop3A_649 : i32 to index
      %parallel_loop3A_652 = arith.index_cast %parallel_loop3A_650 : i32 to index
      %parallel_loop3A_653 = arith.index_cast %parallel_loop3A_544 : i32 to index
      %parallel_loop3A_654 = tpu.vector_load %arg9[%parallel_loop3A_651, %parallel_loop3A_652, %parallel_loop3A_653] {strides = array<i32>} : memref<4x4x2048xf32, #tpu.memory_space<vmem>>, vector<16xf32>,
      tpu.vector_store %arg9[%parallel_loop3A_651, %parallel_loop3A_652, %parallel_loop3A_653], %parallel_loop3A_573 {strides = array<i32>} : memref<4x4x2048xf32, #tpu.memory_space<vmem>>, vector<16xf32>,
      %parallel_loop3A_655 = arith.constant 3 : i32
      %parallel_loop3A_656 = arith.constant 1 : i32
      %parallel_loop3A_657 = arith.index_cast %parallel_loop3A_655 : i32 to index
      %parallel_loop3A_658 = arith.index_cast %parallel_loop3A_656 : i32 to index
      %parallel_loop3A_659 = arith.index_cast %parallel_loop3A_544 : i32 to index
      %parallel_loop3A_660 = tpu.vector_load %arg9[%parallel_loop3A_657, %parallel_loop3A_658, %parallel_loop3A_659] {strides = array<i32>} : memref<4x4x2048xf32, #tpu.memory_space<vmem>>, vector<16xf32>,
      tpu.vector_store %arg9[%parallel_loop3A_657, %parallel_loop3A_658, %parallel_loop3A_659], %parallel_loop3A_574 {strides = array<i32>} : memref<4x4x2048xf32, #tpu.memory_space<vmem>>, vector<16xf32>,
      %parallel_loop3A_661 = arith.constant 3 : i32
      %parallel_loop3A_662 = arith.constant 2 : i32
      %parallel_loop3A_663 = arith.index_cast %parallel_loop3A_661 : i32 to index
      %parallel_loop3A_664 = arith.index_cast %parallel_loop3A_662 : i32 to index
      %parallel_loop3A_665 = arith.index_cast %parallel_loop3A_544 : i32 to index
      %parallel_loop3A_666 = tpu.vector_load %arg9[%parallel_loop3A_663, %parallel_loop3A_664, %parallel_loop3A_665] {strides = array<i32>} : memref<4x4x2048xf32, #tpu.memory_space<vmem>>, vector<16xf32>,
      tpu.vector_store %arg9[%parallel_loop3A_663, %parallel_loop3A_664, %parallel_loop3A_665], %parallel_loop3A_575 {strides = array<i32>} : memref<4x4x2048xf32, #tpu.memory_space<vmem>>, vector<16xf32>,
      %parallel_loop3A_667 = arith.constant 3 : i32
      %parallel_loop3A_668 = arith.constant 3 : i32
      %parallel_loop3A_669 = arith.index_cast %parallel_loop3A_667 : i32 to index
      %parallel_loop3A_670 = arith.index_cast %parallel_loop3A_668 : i32 to index
      %parallel_loop3A_671 = arith.index_cast %parallel_loop3A_544 : i32 to index
      %parallel_loop3A_672 = tpu.vector_load %arg9[%parallel_loop3A_669, %parallel_loop3A_670, %parallel_loop3A_671] {strides = array<i32>} : memref<4x4x2048xf32, #tpu.memory_space<vmem>>, vector<16xf32>,
      tpu.vector_store %arg9[%parallel_loop3A_669, %parallel_loop3A_670, %parallel_loop3A_671], %parallel_loop3A_576 {strides = array<i32>} : memref<4x4x2048xf32, #tpu.memory_space<vmem>>, vector<16xf32>,
    } {sc.loop_unroll_factor = 2 : i64, sc.parallel_access}
    %add3A_103 = arith.constant 4 : i32
    %add3A_104 = arith.addi %mul3A_2, %add3A_103 : i32
    %dma_start3A_105 = arith.constant 0 : i32
    %dma_start3A_106 = arith.constant 0 : i32
    %dma_start3A_107 = arith.constant 0 : i32
    %dma_start3A_108 = tpu.memref_slice %arg9[%dma_start3A_105, %dma_start3A_106, %dma_start3A_107] : memref<4x4x2048xf32, #tpu.memory_space<vmem>> -> memref<1x4x2048xf32, #tpu.memory_space<vmem>>
    %dma_start3A_109 = arith.constant 0 : i32
    %dma_start3A_110 = arith.constant 0 : i32
    %dma_start3A_111 = tpu.memref_slice %arg4[%dma_start3A_109, %add3A_104, %dma_start3A_110] : memref<4x8192x2048xf32, #tpu.memory_space<hbm>> -> memref<1x4x2048xf32, #tpu.memory_space<hbm>>
    %dma_start3A_112 = arith.constant 0 : i32
    %dma_start3A_113 = arith.constant 0 : i32
    %dma_start3A_114 = tpu.memref_slice %arg4[%dma_start3A_112, %add3A_104, %dma_start3A_113] : memref<4x8192x2048xf32, #tpu.memory_space<hbm>> -> memref<1x4x2048xf32, #tpu.memory_space<hbm>>
    %dma_start3A_115 = arith.constant 0 : i32
    %dma_start3A_116 = arith.constant 0 : i32
    %dma_start3A_117 = arith.constant 0 : i32
    %dma_start3A_118 = tpu.memref_slice %arg9[%dma_start3A_115, %dma_start3A_116, %dma_start3A_117] : memref<4x4x2048xf32, #tpu.memory_space<vmem>> -> memref<1x4x2048xf32, #tpu.memory_space<vmem>>
    tpu.enqueue_dma source(%dma_start3A_118 : memref<1x4x2048xf32, #tpu.memory_space<vmem>>) target(%dma_start3A_114 : memref<1x4x2048xf32, #tpu.memory_space<hbm>>) target_semaphore(%arg13 : memref<!tpu.dma_semaphore, #tpu.memory_space<semaphore_mem>>)
    %add3A_119 = arith.constant 4 : i32
    %add3A_120 = arith.addi %mul3A_2, %add3A_119 : i32
    %dma_start3A_121 = arith.constant 1 : i32
    %dma_start3A_122 = arith.constant 0 : i32
    %dma_start3A_123 = arith.constant 0 : i32
    %dma_start3A_124 = tpu.memref_slice %arg9[%dma_start3A_121, %dma_start3A_122, %dma_start3A_123] : memref<4x4x2048xf32, #tpu.memory_space<vmem>> -> memref<1x4x2048xf32, #tpu.memory_space<vmem>>
    %dma_start3A_125 = arith.constant 1 : i32
    %dma_start3A_126 = arith.constant 0 : i32
    %dma_start3A_127 = tpu.memref_slice %arg4[%dma_start3A_125, %add3A_120, %dma_start3A_126] : memref<4x8192x2048xf32, #tpu.memory_space<hbm>> -> memref<1x4x2048xf32, #tpu.memory_space<hbm>>
    %dma_start3A_128 = arith.constant 1 : i32
    %dma_start3A_129 = arith.constant 0 : i32
    %dma_start3A_130 = tpu.memref_slice %arg4[%dma_start3A_128, %add3A_120, %dma_start3A_129] : memref<4x8192x2048xf32, #tpu.memory_space<hbm>> -> memref<1x4x2048xf32, #tpu.memory_space<hbm>>
    %dma_start3A_131 = arith.constant 1 : i32
    %dma_start3A_132 = arith.constant 0 : i32
    %dma_start3A_133 = arith.constant 0 : i32
    %dma_start3A_134 = tpu.memref_slice %arg9[%dma_start3A_131, %dma_start3A_132, %dma_start3A_133] : memref<4x4x2048xf32, #tpu.memory_space<vmem>> -> memref<1x4x2048xf32, #tpu.memory_space<vmem>>
    tpu.enqueue_dma source(%dma_start3A_134 : memref<1x4x2048xf32, #tpu.memory_space<vmem>>) target(%dma_start3A_130 : memref<1x4x2048xf32, #tpu.memory_space<hbm>>) target_semaphore(%arg13 : memref<!tpu.dma_semaphore, #tpu.memory_space<semaphore_mem>>)
    %add3A_135 = arith.constant 4 : i32
    %add3A_136 = arith.addi %mul3A_2, %add3A_135 : i32
    %dma_start3A_137 = arith.constant 2 : i32
    %dma_start3A_138 = arith.constant 0 : i32
    %dma_start3A_139 = arith.constant 0 : i32
    %dma_start3A_140 = tpu.memref_slice %arg9[%dma_start3A_137, %dma_start3A_138, %dma_start3A_139] : memref<4x4x2048xf32, #tpu.memory_space<vmem>> -> memref<1x4x2048xf32, #tpu.memory_space<vmem>>
    %dma_start3A_141 = arith.constant 2 : i32
    %dma_start3A_142 = arith.constant 0 : i32
    %dma_start3A_143 = tpu.memref_slice %arg4[%dma_start3A_141, %add3A_136, %dma_start3A_142] : memref<4x8192x2048xf32, #tpu.memory_space<hbm>> -> memref<1x4x2048xf32, #tpu.memory_space<hbm>>
    %dma_start3A_144 = arith.constant 2 : i32
    %dma_start3A_145 = arith.constant 0 : i32
    %dma_start3A_146 = tpu.memref_slice %arg4[%dma_start3A_144, %add3A_136, %dma_start3A_145] : memref<4x8192x2048xf32, #tpu.memory_space<hbm>> -> memref<1x4x2048xf32, #tpu.memory_space<hbm>>
    %dma_start3A_147 = arith.constant 2 : i32
    %dma_start3A_148 = arith.constant 0 : i32
    %dma_start3A_149 = arith.constant 0 : i32
    %dma_start3A_150 = tpu.memref_slice %arg9[%dma_start3A_147, %dma_start3A_148, %dma_start3A_149] : memref<4x4x2048xf32, #tpu.memory_space<vmem>> -> memref<1x4x2048xf32, #tpu.memory_space<vmem>>
    tpu.enqueue_dma source(%dma_start3A_150 : memref<1x4x2048xf32, #tpu.memory_space<vmem>>) target(%dma_start3A_146 : memref<1x4x2048xf32, #tpu.memory_space<hbm>>) target_semaphore(%arg13 : memref<!tpu.dma_semaphore, #tpu.memory_space<semaphore_mem>>)
    %add3A_151 = arith.constant 4 : i32
    %add3A_152 = arith.addi %mul3A_2, %add3A_151 : i32
    %dma_start3A_153 = arith.constant 3 : i32
    %dma_start3A_154 = arith.constant 0 : i32
    %dma_start3A_155 = arith.constant 0 : i32
    %dma_start3A_156 = tpu.memref_slice %arg9[%dma_start3A_153, %dma_start3A_154, %dma_start3A_155] : memref<4x4x2048xf32, #tpu.memory_space<vmem>> -> memref<1x4x2048xf32, #tpu.memory_space<vmem>>
    %dma_start3A_157 = arith.constant 3 : i32
    %dma_start3A_158 = arith.constant 0 : i32
    %dma_start3A_159 = tpu.memref_slice %arg4[%dma_start3A_157, %add3A_152, %dma_start3A_158] : memref<4x8192x2048xf32, #tpu.memory_space<hbm>> -> memref<1x4x2048xf32, #tpu.memory_space<hbm>>
    %dma_start3A_160 = arith.constant 3 : i32
    %dma_start3A_161 = arith.constant 0 : i32
    %dma_start3A_162 = tpu.memref_slice %arg4[%dma_start3A_160, %add3A_152, %dma_start3A_161] : memref<4x8192x2048xf32, #tpu.memory_space<hbm>> -> memref<1x4x2048xf32, #tpu.memory_space<hbm>>
    %dma_start3A_163 = arith.constant 3 : i32
    %dma_start3A_164 = arith.constant 0 : i32
    %dma_start3A_165 = arith.constant 0 : i32
    %dma_start3A_166 = tpu.memref_slice %arg9[%dma_start3A_163, %dma_start3A_164, %dma_start3A_165] : memref<4x4x2048xf32, #tpu.memory_space<vmem>> -> memref<1x4x2048xf32, #tpu.memory_space<vmem>>
    tpu.enqueue_dma source(%dma_start3A_166 : memref<1x4x2048xf32, #tpu.memory_space<vmem>>) target(%dma_start3A_162 : memref<1x4x2048xf32, #tpu.memory_space<hbm>>) target_semaphore(%arg13 : memref<!tpu.dma_semaphore, #tpu.memory_space<semaphore_mem>>)
    %add3A_167 = arith.constant 12 : i32
    %add3A_168 = arith.addi %mul3A_2, %add3A_167 : i32
    %dma_start3A_169 = arith.constant 0 : i32
    %dma_start3A_170 = tpu.memref_slice %arg2[%add3A_168, %dma_start3A_169] : memref<8192x4096xf32, #tpu.memory_space<hbm>> -> memref<4x4096xf32, #tpu.memory_space<hbm>>
    %dma_start3A_171 = arith.constant 0 : i32
    %dma_start3A_172 = tpu.memref_slice %arg2[%add3A_168, %dma_start3A_171] : memref<8192x4096xf32, #tpu.memory_space<hbm>> -> memref<4x4096xf32, #tpu.memory_space<hbm>>
    tpu.enqueue_dma source(%dma_start3A_172 : memref<4x4096xf32, #tpu.memory_space<hbm>>) target(%arg7 : memref<4x4096xf32, #tpu.memory_space<vmem>>) target_semaphore(%arg11 : memref<!tpu.dma_semaphore, #tpu.memory_space<semaphore_mem>>)
    %scan3A = arith.constant 0 : i32
    %scan3A_173 = arith.constant 0 : i32
    %scan3A_174 = arith.constant 30 : i32
    %scan3A_175 = arith.addi %scan3A_173, %scan3A_174 : i32
    %scan3A_176 = arith.constant 1 : i32
    scf.for %scan3A_544 = %scan3A_173 to %scan3A_175 step %scan3A_176  : i32 {
      %mul3A_545 = arith.constant 2 : i32
      %mul3A_546 = arith.muli %mul3A_545, %scan3A_544 : i32
      %add3A_547 = arith.constant 2 : i32
      %add3A_548 = arith.addi %mul3A_546, %add3A_547 : i32
      %add3A_549 = arith.constant 0 : i32
      %add3A_550 = arith.addi %add3A_548, %add3A_549 : i32
      %dma_wait3A_551 = arith.constant 0 : i32
      %dma_wait3A_552 = tpu.memref_slice %arg2[%mul3A_2, %dma_wait3A_551] : memref<8192x4096xf32, #tpu.memory_space<hbm>> -> memref<4x4096xf32, #tpu.memory_space<hbm>>
      %dma_wait3A_553 = arith.constant 0 : i32
      %dma_wait3A_554 = tpu.memref_slice %arg2[%mul3A_2, %dma_wait3A_553] : memref<8192x4096xf32, #tpu.memory_space<hbm>> -> memref<4x4096xf32, #tpu.memory_space<hbm>>
      tpu.wait_dma2 semaphore(%arg10 : memref<!tpu.dma_semaphore, #tpu.memory_space<semaphore_mem>>) src(%dma_wait3A_554 : memref<4x4096xf32, #tpu.memory_space<hbm>>) dst(%arg6 : memref<4x4096xf32, #tpu.memory_space<vmem>>)
      %dma_wait3A_555 = arith.constant 0 : i32
      %dma_wait3A_556 = arith.constant 0 : i32
      %dma_wait3A_557 = arith.constant 0 : i32
      %dma_wait3A_558 = tpu.memref_slice %arg8[%dma_wait3A_555, %dma_wait3A_556, %dma_wait3A_557] : memref<4x4x2048xf32, #tpu.memory_space<vmem>> -> memref<1x4x2048xf32, #tpu.memory_space<vmem>>
      %dma_wait3A_559 = arith.constant 0 : i32
      %dma_wait3A_560 = arith.constant 0 : i32
      %dma_wait3A_561 = tpu.memref_slice %arg4[%dma_wait3A_559, %mul3A_2, %dma_wait3A_560] : memref<4x8192x2048xf32, #tpu.memory_space<hbm>> -> memref<1x4x2048xf32, #tpu.memory_space<hbm>>
      %dma_wait3A_562 = arith.constant 0 : i32
      %dma_wait3A_563 = arith.constant 0 : i32
      %dma_wait3A_564 = tpu.memref_slice %arg4[%dma_wait3A_562, %mul3A_2, %dma_wait3A_563] : memref<4x8192x2048xf32, #tpu.memory_space<hbm>> -> memref<1x4x2048xf32, #tpu.memory_space<hbm>>
      %dma_wait3A_565 = arith.constant 0 : i32
      %dma_wait3A_566 = arith.constant 0 : i32
      %dma_wait3A_567 = arith.constant 0 : i32
      %dma_wait3A_568 = tpu.memref_slice %arg8[%dma_wait3A_565, %dma_wait3A_566, %dma_wait3A_567] : memref<4x4x2048xf32, #tpu.memory_space<vmem>> -> memref<1x4x2048xf32, #tpu.memory_space<vmem>>
      tpu.wait_dma2 semaphore(%arg12 : memref<!tpu.dma_semaphore, #tpu.memory_space<semaphore_mem>>) src(%dma_wait3A_568 : memref<1x4x2048xf32, #tpu.memory_space<vmem>>) dst(%dma_wait3A_564 : memref<1x4x2048xf32, #tpu.memory_space<hbm>>)
      %dma_wait3A_569 = arith.constant 1 : i32
      %dma_wait3A_570 = arith.constant 0 : i32
      %dma_wait3A_571 = arith.constant 0 : i32
      %dma_wait3A_572 = tpu.memref_slice %arg8[%dma_wait3A_569, %dma_wait3A_570, %dma_wait3A_571] : memref<4x4x2048xf32, #tpu.memory_space<vmem>> -> memref<1x4x2048xf32, #tpu.memory_space<vmem>>
      %dma_wait3A_573 = arith.constant 0 : i32
      %dma_wait3A_574 = arith.constant 0 : i32
      %dma_wait3A_575 = tpu.memref_slice %arg4[%dma_wait3A_573, %mul3A_2, %dma_wait3A_574] : memref<4x8192x2048xf32, #tpu.memory_space<hbm>> -> memref<1x4x2048xf32, #tpu.memory_space<hbm>>
      %dma_wait3A_576 = arith.constant 0 : i32
      %dma_wait3A_577 = arith.constant 0 : i32
      %dma_wait3A_578 = tpu.memref_slice %arg4[%dma_wait3A_576, %mul3A_2, %dma_wait3A_577] : memref<4x8192x2048xf32, #tpu.memory_space<hbm>> -> memref<1x4x2048xf32, #tpu.memory_space<hbm>>
      %dma_wait3A_579 = arith.constant 1 : i32
      %dma_wait3A_580 = arith.constant 0 : i32
      %dma_wait3A_581 = arith.constant 0 : i32
      %dma_wait3A_582 = tpu.memref_slice %arg8[%dma_wait3A_579, %dma_wait3A_580, %dma_wait3A_581] : memref<4x4x2048xf32, #tpu.memory_space<vmem>> -> memref<1x4x2048xf32, #tpu.memory_space<vmem>>
      tpu.wait_dma2 semaphore(%arg12 : memref<!tpu.dma_semaphore, #tpu.memory_space<semaphore_mem>>) src(%dma_wait3A_582 : memref<1x4x2048xf32, #tpu.memory_space<vmem>>) dst(%dma_wait3A_578 : memref<1x4x2048xf32, #tpu.memory_space<hbm>>)
      %dma_wait3A_583 = arith.constant 2 : i32
      %dma_wait3A_584 = arith.constant 0 : i32
      %dma_wait3A_585 = arith.constant 0 : i32
      %dma_wait3A_586 = tpu.memref_slice %arg8[%dma_wait3A_583, %dma_wait3A_584, %dma_wait3A_585] : memref<4x4x2048xf32, #tpu.memory_space<vmem>> -> memref<1x4x2048xf32, #tpu.memory_space<vmem>>
      %dma_wait3A_587 = arith.constant 0 : i32
      %dma_wait3A_588 = arith.constant 0 : i32
      %dma_wait3A_589 = tpu.memref_slice %arg4[%dma_wait3A_587, %mul3A_2, %dma_wait3A_588] : memref<4x8192x2048xf32, #tpu.memory_space<hbm>> -> memref<1x4x2048xf32, #tpu.memory_space<hbm>>
      %dma_wait3A_590 = arith.constant 0 : i32
      %dma_wait3A_591 = arith.constant 0 : i32
      %dma_wait3A_592 = tpu.memref_slice %arg4[%dma_wait3A_590, %mul3A_2, %dma_wait3A_591] : memref<4x8192x2048xf32, #tpu.memory_space<hbm>> -> memref<1x4x2048xf32, #tpu.memory_space<hbm>>
      %dma_wait3A_593 = arith.constant 2 : i32
      %dma_wait3A_594 = arith.constant 0 : i32
      %dma_wait3A_595 = arith.constant 0 : i32
      %dma_wait3A_596 = tpu.memref_slice %arg8[%dma_wait3A_593, %dma_wait3A_594, %dma_wait3A_595] : memref<4x4x2048xf32, #tpu.memory_space<vmem>> -> memref<1x4x2048xf32, #tpu.memory_space<vmem>>
      tpu.wait_dma2 semaphore(%arg12 : memref<!tpu.dma_semaphore, #tpu.memory_space<semaphore_mem>>) src(%dma_wait3A_596 : memref<1x4x2048xf32, #tpu.memory_space<vmem>>) dst(%dma_wait3A_592 : memref<1x4x2048xf32, #tpu.memory_space<hbm>>)
      %dma_wait3A_597 = arith.constant 3 : i32
      %dma_wait3A_598 = arith.constant 0 : i32
      %dma_wait3A_599 = arith.constant 0 : i32
      %dma_wait3A_600 = tpu.memref_slice %arg8[%dma_wait3A_597, %dma_wait3A_598, %dma_wait3A_599] : memref<4x4x2048xf32, #tpu.memory_space<vmem>> -> memref<1x4x2048xf32, #tpu.memory_space<vmem>>
      %dma_wait3A_601 = arith.constant 0 : i32
      %dma_wait3A_602 = arith.constant 0 : i32
      %dma_wait3A_603 = tpu.memref_slice %arg4[%dma_wait3A_601, %mul3A_2, %dma_wait3A_602] : memref<4x8192x2048xf32, #tpu.memory_space<hbm>> -> memref<1x4x2048xf32, #tpu.memory_space<hbm>>
      %dma_wait3A_604 = arith.constant 0 : i32
      %dma_wait3A_605 = arith.constant 0 : i32
      %dma_wait3A_606 = tpu.memref_slice %arg4[%dma_wait3A_604, %mul3A_2, %dma_wait3A_605] : memref<4x8192x2048xf32, #tpu.memory_space<hbm>> -> memref<1x4x2048xf32, #tpu.memory_space<hbm>>
      %dma_wait3A_607 = arith.constant 3 : i32
      %dma_wait3A_608 = arith.constant 0 : i32
      %dma_wait3A_609 = arith.constant 0 : i32
      %dma_wait3A_610 = tpu.memref_slice %arg8[%dma_wait3A_607, %dma_wait3A_608, %dma_wait3A_609] : memref<4x4x2048xf32, #tpu.memory_space<vmem>> -> memref<1x4x2048xf32, #tpu.memory_space<vmem>>
      tpu.wait_dma2 semaphore(%arg12 : memref<!tpu.dma_semaphore, #tpu.memory_space<semaphore_mem>>) src(%dma_wait3A_610 : memref<1x4x2048xf32, #tpu.memory_space<vmem>>) dst(%dma_wait3A_606 : memref<1x4x2048xf32, #tpu.memory_space<hbm>>)
      %parallel_loop3A_611 = arith.constant 0 : i32
      %parallel_loop3A_612 = arith.constant 2048 : i32
      %parallel_loop3A_613 = arith.constant 16 : i32
      scf.for %parallel_loop3A_837 = %parallel_loop3A_611 to %parallel_loop3A_612 step %parallel_loop3A_613  : i32 {
        %parallel_loop3A_838 = arith.constant 0 : i32
        %parallel_loop3A_839 = arith.index_cast %parallel_loop3A_838 : i32 to index
        %parallel_loop3A_840 = arith.index_cast %parallel_loop3A_837 : i32 to index
        %parallel_loop3A_841 = tpu.vector_load %arg5[%parallel_loop3A_839, %parallel_loop3A_840] {strides = array<i32>} : memref<4x2048xi32, #tpu.memory_space<vmem>>, vector<16xi32>,
        %parallel_loop3A_842 = arith.constant 1 : i32
        %parallel_loop3A_843 = arith.index_cast %parallel_loop3A_842 : i32 to index
        %parallel_loop3A_844 = arith.index_cast %parallel_loop3A_837 : i32 to index
        %parallel_loop3A_845 = tpu.vector_load %arg5[%parallel_loop3A_843, %parallel_loop3A_844] {strides = array<i32>} : memref<4x2048xi32, #tpu.memory_space<vmem>>, vector<16xi32>,
        %parallel_loop3A_846 = arith.constant 2 : i32
        %parallel_loop3A_847 = arith.index_cast %parallel_loop3A_846 : i32 to index
        %parallel_loop3A_848 = arith.index_cast %parallel_loop3A_837 : i32 to index
        %parallel_loop3A_849 = tpu.vector_load %arg5[%parallel_loop3A_847, %parallel_loop3A_848] {strides = array<i32>} : memref<4x2048xi32, #tpu.memory_space<vmem>>, vector<16xi32>,
        %parallel_loop3A_850 = arith.constant 3 : i32
        %parallel_loop3A_851 = arith.index_cast %parallel_loop3A_850 : i32 to index
        %parallel_loop3A_852 = arith.index_cast %parallel_loop3A_837 : i32 to index
        %parallel_loop3A_853 = tpu.vector_load %arg5[%parallel_loop3A_851, %parallel_loop3A_852] {strides = array<i32>} : memref<4x2048xi32, #tpu.memory_space<vmem>>, vector<16xi32>,
        %parallel_loop3A_854 = tpu.vector_load_idx %arg6[%broadcast_in_dim3A_3, %parallel_loop3A_841] : memref<4x4096xf32, #tpu.memory_space<vmem>>[vector<16xi32>, vector<16xi32>], vector<16xf32>,
        %parallel_loop3A_855 = tpu.vector_load_idx %arg6[%broadcast_in_dim3A_5, %parallel_loop3A_841] : memref<4x4096xf32, #tpu.memory_space<vmem>>[vector<16xi32>, vector<16xi32>], vector<16xf32>,
        %parallel_loop3A_856 = tpu.vector_load_idx %arg6[%broadcast_in_dim3A_7, %parallel_loop3A_841] : memref<4x4096xf32, #tpu.memory_space<vmem>>[vector<16xi32>, vector<16xi32>], vector<16xf32>,
        %parallel_loop3A_857 = tpu.vector_load_idx %arg6[%broadcast_in_dim3A_9, %parallel_loop3A_841] : memref<4x4096xf32, #tpu.memory_space<vmem>>[vector<16xi32>, vector<16xi32>], vector<16xf32>,
        %parallel_loop3A_858 = tpu.vector_load_idx %arg6[%broadcast_in_dim3A_3, %parallel_loop3A_845] : memref<4x4096xf32, #tpu.memory_space<vmem>>[vector<16xi32>, vector<16xi32>], vector<16xf32>,
        %parallel_loop3A_859 = tpu.vector_load_idx %arg6[%broadcast_in_dim3A_5, %parallel_loop3A_845] : memref<4x4096xf32, #tpu.memory_space<vmem>>[vector<16xi32>, vector<16xi32>], vector<16xf32>,
        %parallel_loop3A_860 = tpu.vector_load_idx %arg6[%broadcast_in_dim3A_7, %parallel_loop3A_845] : memref<4x4096xf32, #tpu.memory_space<vmem>>[vector<16xi32>, vector<16xi32>], vector<16xf32>,
        %parallel_loop3A_861 = tpu.vector_load_idx %arg6[%broadcast_in_dim3A_9, %parallel_loop3A_845] : memref<4x4096xf32, #tpu.memory_space<vmem>>[vector<16xi32>, vector<16xi32>], vector<16xf32>,
        %parallel_loop3A_862 = tpu.vector_load_idx %arg6[%broadcast_in_dim3A_3, %parallel_loop3A_849] : memref<4x4096xf32, #tpu.memory_space<vmem>>[vector<16xi32>, vector<16xi32>], vector<16xf32>,
        %parallel_loop3A_863 = tpu.vector_load_idx %arg6[%broadcast_in_dim3A_5, %parallel_loop3A_849] : memref<4x4096xf32, #tpu.memory_space<vmem>>[vector<16xi32>, vector<16xi32>], vector<16xf32>,
        %parallel_loop3A_864 = tpu.vector_load_idx %arg6[%broadcast_in_dim3A_7, %parallel_loop3A_849] : memref<4x4096xf32, #tpu.memory_space<vmem>>[vector<16xi32>, vector<16xi32>], vector<16xf32>,
        %parallel_loop3A_865 = tpu.vector_load_idx %arg6[%broadcast_in_dim3A_9, %parallel_loop3A_849] : memref<4x4096xf32, #tpu.memory_space<vmem>>[vector<16xi32>, vector<16xi32>], vector<16xf32>,
        %parallel_loop3A_866 = tpu.vector_load_idx %arg6[%broadcast_in_dim3A_3, %parallel_loop3A_853] : memref<4x4096xf32, #tpu.memory_space<vmem>>[vector<16xi32>, vector<16xi32>], vector<16xf32>,
        %parallel_loop3A_867 = tpu.vector_load_idx %arg6[%broadcast_in_dim3A_5, %parallel_loop3A_853] : memref<4x4096xf32, #tpu.memory_space<vmem>>[vector<16xi32>, vector<16xi32>], vector<16xf32>,
        %parallel_loop3A_868 = tpu.vector_load_idx %arg6[%broadcast_in_dim3A_7, %parallel_loop3A_853] : memref<4x4096xf32, #tpu.memory_space<vmem>>[vector<16xi32>, vector<16xi32>], vector<16xf32>,
        %parallel_loop3A_869 = tpu.vector_load_idx %arg6[%broadcast_in_dim3A_9, %parallel_loop3A_853] : memref<4x4096xf32, #tpu.memory_space<vmem>>[vector<16xi32>, vector<16xi32>], vector<16xf32>,
        %parallel_loop3A_870 = arith.constant 0 : i32
        %parallel_loop3A_871 = arith.constant 0 : i32
        %parallel_loop3A_872 = arith.index_cast %parallel_loop3A_870 : i32 to index
        %parallel_loop3A_873 = arith.index_cast %parallel_loop3A_871 : i32 to index
        %parallel_loop3A_874 = arith.index_cast %parallel_loop3A_837 : i32 to index
        %parallel_loop3A_875 = tpu.vector_load %arg8[%parallel_loop3A_872, %parallel_loop3A_873, %parallel_loop3A_874] {strides = array<i32>} : memref<4x4x2048xf32, #tpu.memory_space<vmem>>, vector<16xf32>,
        tpu.vector_store %arg8[%parallel_loop3A_872, %parallel_loop3A_873, %parallel_loop3A_874], %parallel_loop3A_854 {strides = array<i32>} : memref<4x4x2048xf32, #tpu.memory_space<vmem>>, vector<16xf32>,
        %parallel_loop3A_876 = arith.constant 0 : i32
        %parallel_loop3A_877 = arith.constant 1 : i32
        %parallel_loop3A_878 = arith.index_cast %parallel_loop3A_876 : i32 to index
        %parallel_loop3A_879 = arith.index_cast %parallel_loop3A_877 : i32 to index
        %parallel_loop3A_880 = arith.index_cast %parallel_loop3A_837 : i32 to index
        %parallel_loop3A_881 = tpu.vector_load %arg8[%parallel_loop3A_878, %parallel_loop3A_879, %parallel_loop3A_880] {strides = array<i32>} : memref<4x4x2048xf32, #tpu.memory_space<vmem>>, vector<16xf32>,
        tpu.vector_store %arg8[%parallel_loop3A_878, %parallel_loop3A_879, %parallel_loop3A_880], %parallel_loop3A_855 {strides = array<i32>} : memref<4x4x2048xf32, #tpu.memory_space<vmem>>, vector<16xf32>,
        %parallel_loop3A_882 = arith.constant 0 : i32
        %parallel_loop3A_883 = arith.constant 2 : i32
        %parallel_loop3A_884 = arith.index_cast %parallel_loop3A_882 : i32 to index
        %parallel_loop3A_885 = arith.index_cast %parallel_loop3A_883 : i32 to index
        %parallel_loop3A_886 = arith.index_cast %parallel_loop3A_837 : i32 to index
        %parallel_loop3A_887 = tpu.vector_load %arg8[%parallel_loop3A_884, %parallel_loop3A_885, %parallel_loop3A_886] {strides = array<i32>} : memref<4x4x2048xf32, #tpu.memory_space<vmem>>, vector<16xf32>,
        tpu.vector_store %arg8[%parallel_loop3A_884, %parallel_loop3A_885, %parallel_loop3A_886], %parallel_loop3A_856 {strides = array<i32>} : memref<4x4x2048xf32, #tpu.memory_space<vmem>>, vector<16xf32>,
        %parallel_loop3A_888 = arith.constant 0 : i32
        %parallel_loop3A_889 = arith.constant 3 : i32
        %parallel_loop3A_890 = arith.index_cast %parallel_loop3A_888 : i32 to index
        %parallel_loop3A_891 = arith.index_cast %parallel_loop3A_889 : i32 to index
        %parallel_loop3A_892 = arith.index_cast %parallel_loop3A_837 : i32 to index
        %parallel_loop3A_893 = tpu.vector_load %arg8[%parallel_loop3A_890, %parallel_loop3A_891, %parallel_loop3A_892] {strides = array<i32>} : memref<4x4x2048xf32, #tpu.memory_space<vmem>>, vector<16xf32>,
        tpu.vector_store %arg8[%parallel_loop3A_890, %parallel_loop3A_891, %parallel_loop3A_892], %parallel_loop3A_857 {strides = array<i32>} : memref<4x4x2048xf32, #tpu.memory_space<vmem>>, vector<16xf32>,
        %parallel_loop3A_894 = arith.constant 1 : i32
        %parallel_loop3A_895 = arith.constant 0 : i32
        %parallel_loop3A_896 = arith.index_cast %parallel_loop3A_894 : i32 to index
        %parallel_loop3A_897 = arith.index_cast %parallel_loop3A_895 : i32 to index
        %parallel_loop3A_898 = arith.index_cast %parallel_loop3A_837 : i32 to index
        %parallel_loop3A_899 = tpu.vector_load %arg8[%parallel_loop3A_896, %parallel_loop3A_897, %parallel_loop3A_898] {strides = array<i32>} : memref<4x4x2048xf32, #tpu.memory_space<vmem>>, vector<16xf32>,
        tpu.vector_store %arg8[%parallel_loop3A_896, %parallel_loop3A_897, %parallel_loop3A_898], %parallel_loop3A_858 {strides = array<i32>} : memref<4x4x2048xf32, #tpu.memory_space<vmem>>, vector<16xf32>,
        %parallel_loop3A_900 = arith.constant 1 : i32
        %parallel_loop3A_901 = arith.constant 1 : i32
        %parallel_loop3A_902 = arith.index_cast %parallel_loop3A_900 : i32 to index
        %parallel_loop3A_903 = arith.index_cast %parallel_loop3A_901 : i32 to index
        %parallel_loop3A_904 = arith.index_cast %parallel_loop3A_837 : i32 to index
        %parallel_loop3A_905 = tpu.vector_load %arg8[%parallel_loop3A_902, %parallel_loop3A_903, %parallel_loop3A_904] {strides = array<i32>} : memref<4x4x2048xf32, #tpu.memory_space<vmem>>, vector<16xf32>,
        tpu.vector_store %arg8[%parallel_loop3A_902, %parallel_loop3A_903, %parallel_loop3A_904], %parallel_loop3A_859 {strides = array<i32>} : memref<4x4x2048xf32, #tpu.memory_space<vmem>>, vector<16xf32>,
        %parallel_loop3A_906 = arith.constant 1 : i32
        %parallel_loop3A_907 = arith.constant 2 : i32
        %parallel_loop3A_908 = arith.index_cast %parallel_loop3A_906 : i32 to index
        %parallel_loop3A_909 = arith.index_cast %parallel_loop3A_907 : i32 to index
        %parallel_loop3A_910 = arith.index_cast %parallel_loop3A_837 : i32 to index
        %parallel_loop3A_911 = tpu.vector_load %arg8[%parallel_loop3A_908, %parallel_loop3A_909, %parallel_loop3A_910] {strides = array<i32>} : memref<4x4x2048xf32, #tpu.memory_space<vmem>>, vector<16xf32>,
        tpu.vector_store %arg8[%parallel_loop3A_908, %parallel_loop3A_909, %parallel_loop3A_910], %parallel_loop3A_860 {strides = array<i32>} : memref<4x4x2048xf32, #tpu.memory_space<vmem>>, vector<16xf32>,
        %parallel_loop3A_912 = arith.constant 1 : i32
        %parallel_loop3A_913 = arith.constant 3 : i32
        %parallel_loop3A_914 = arith.index_cast %parallel_loop3A_912 : i32 to index
        %parallel_loop3A_915 = arith.index_cast %parallel_loop3A_913 : i32 to index
        %parallel_loop3A_916 = arith.index_cast %parallel_loop3A_837 : i32 to index
        %parallel_loop3A_917 = tpu.vector_load %arg8[%parallel_loop3A_914, %parallel_loop3A_915, %parallel_loop3A_916] {strides = array<i32>} : memref<4x4x2048xf32, #tpu.memory_space<vmem>>, vector<16xf32>,
        tpu.vector_store %arg8[%parallel_loop3A_914, %parallel_loop3A_915, %parallel_loop3A_916], %parallel_loop3A_861 {strides = array<i32>} : memref<4x4x2048xf32, #tpu.memory_space<vmem>>, vector<16xf32>,
        %parallel_loop3A_918 = arith.constant 2 : i32
        %parallel_loop3A_919 = arith.constant 0 : i32
        %parallel_loop3A_920 = arith.index_cast %parallel_loop3A_918 : i32 to index
        %parallel_loop3A_921 = arith.index_cast %parallel_loop3A_919 : i32 to index
        %parallel_loop3A_922 = arith.index_cast %parallel_loop3A_837 : i32 to index
        %parallel_loop3A_923 = tpu.vector_load %arg8[%parallel_loop3A_920, %parallel_loop3A_921, %parallel_loop3A_922] {strides = array<i32>} : memref<4x4x2048xf32, #tpu.memory_space<vmem>>, vector<16xf32>,
        tpu.vector_store %arg8[%parallel_loop3A_920, %parallel_loop3A_921, %parallel_loop3A_922], %parallel_loop3A_862 {strides = array<i32>} : memref<4x4x2048xf32, #tpu.memory_space<vmem>>, vector<16xf32>,
        %parallel_loop3A_924 = arith.constant 2 : i32
        %parallel_loop3A_925 = arith.constant 1 : i32
        %parallel_loop3A_926 = arith.index_cast %parallel_loop3A_924 : i32 to index
        %parallel_loop3A_927 = arith.index_cast %parallel_loop3A_925 : i32 to index
        %parallel_loop3A_928 = arith.index_cast %parallel_loop3A_837 : i32 to index
        %parallel_loop3A_929 = tpu.vector_load %arg8[%parallel_loop3A_926, %parallel_loop3A_927, %parallel_loop3A_928] {strides = array<i32>} : memref<4x4x2048xf32, #tpu.memory_space<vmem>>, vector<16xf32>,
        tpu.vector_store %arg8[%parallel_loop3A_926, %parallel_loop3A_927, %parallel_loop3A_928], %parallel_loop3A_863 {strides = array<i32>} : memref<4x4x2048xf32, #tpu.memory_space<vmem>>, vector<16xf32>,
        %parallel_loop3A_930 = arith.constant 2 : i32
        %parallel_loop3A_931 = arith.constant 2 : i32
        %parallel_loop3A_932 = arith.index_cast %parallel_loop3A_930 : i32 to index
        %parallel_loop3A_933 = arith.index_cast %parallel_loop3A_931 : i32 to index
        %parallel_loop3A_934 = arith.index_cast %parallel_loop3A_837 : i32 to index
        %parallel_loop3A_935 = tpu.vector_load %arg8[%parallel_loop3A_932, %parallel_loop3A_933, %parallel_loop3A_934] {strides = array<i32>} : memref<4x4x2048xf32, #tpu.memory_space<vmem>>, vector<16xf32>,
        tpu.vector_store %arg8[%parallel_loop3A_932, %parallel_loop3A_933, %parallel_loop3A_934], %parallel_loop3A_864 {strides = array<i32>} : memref<4x4x2048xf32, #tpu.memory_space<vmem>>, vector<16xf32>,
        %parallel_loop3A_936 = arith.constant 2 : i32
        %parallel_loop3A_937 = arith.constant 3 : i32
        %parallel_loop3A_938 = arith.index_cast %parallel_loop3A_936 : i32 to index
        %parallel_loop3A_939 = arith.index_cast %parallel_loop3A_937 : i32 to index
        %parallel_loop3A_940 = arith.index_cast %parallel_loop3A_837 : i32 to index
        %parallel_loop3A_941 = tpu.vector_load %arg8[%parallel_loop3A_938, %parallel_loop3A_939, %parallel_loop3A_940] {strides = array<i32>} : memref<4x4x2048xf32, #tpu.memory_space<vmem>>, vector<16xf32>,
        tpu.vector_store %arg8[%parallel_loop3A_938, %parallel_loop3A_939, %parallel_loop3A_940], %parallel_loop3A_865 {strides = array<i32>} : memref<4x4x2048xf32, #tpu.memory_space<vmem>>, vector<16xf32>,
        %parallel_loop3A_942 = arith.constant 3 : i32
        %parallel_loop3A_943 = arith.constant 0 : i32
        %parallel_loop3A_944 = arith.index_cast %parallel_loop3A_942 : i32 to index
        %parallel_loop3A_945 = arith.index_cast %parallel_loop3A_943 : i32 to index
        %parallel_loop3A_946 = arith.index_cast %parallel_loop3A_837 : i32 to index
        %parallel_loop3A_947 = tpu.vector_load %arg8[%parallel_loop3A_944, %parallel_loop3A_945, %parallel_loop3A_946] {strides = array<i32>} : memref<4x4x2048xf32, #tpu.memory_space<vmem>>, vector<16xf32>,
        tpu.vector_store %arg8[%parallel_loop3A_944, %parallel_loop3A_945, %parallel_loop3A_946], %parallel_loop3A_866 {strides = array<i32>} : memref<4x4x2048xf32, #tpu.memory_space<vmem>>, vector<16xf32>,
        %parallel_loop3A_948 = arith.constant 3 : i32
        %parallel_loop3A_949 = arith.constant 1 : i32
        %parallel_loop3A_950 = arith.index_cast %parallel_loop3A_948 : i32 to index
        %parallel_loop3A_951 = arith.index_cast %parallel_loop3A_949 : i32 to index
        %parallel_loop3A_952 = arith.index_cast %parallel_loop3A_837 : i32 to index
        %parallel_loop3A_953 = tpu.vector_load %arg8[%parallel_loop3A_950, %parallel_loop3A_951, %parallel_loop3A_952] {strides = array<i32>} : memref<4x4x2048xf32, #tpu.memory_space<vmem>>, vector<16xf32>,
        tpu.vector_store %arg8[%parallel_loop3A_950, %parallel_loop3A_951, %parallel_loop3A_952], %parallel_loop3A_867 {strides = array<i32>} : memref<4x4x2048xf32, #tpu.memory_space<vmem>>, vector<16xf32>,
        %parallel_loop3A_954 = arith.constant 3 : i32
        %parallel_loop3A_955 = arith.constant 2 : i32
        %parallel_loop3A_956 = arith.index_cast %parallel_loop3A_954 : i32 to index
        %parallel_loop3A_957 = arith.index_cast %parallel_loop3A_955 : i32 to index
        %parallel_loop3A_958 = arith.index_cast %parallel_loop3A_837 : i32 to index
        %parallel_loop3A_959 = tpu.vector_load %arg8[%parallel_loop3A_956, %parallel_loop3A_957, %parallel_loop3A_958] {strides = array<i32>} : memref<4x4x2048xf32, #tpu.memory_space<vmem>>, vector<16xf32>,
        tpu.vector_store %arg8[%parallel_loop3A_956, %parallel_loop3A_957, %parallel_loop3A_958], %parallel_loop3A_868 {strides = array<i32>} : memref<4x4x2048xf32, #tpu.memory_space<vmem>>, vector<16xf32>,
        %parallel_loop3A_960 = arith.constant 3 : i32
        %parallel_loop3A_961 = arith.constant 3 : i32
        %parallel_loop3A_962 = arith.index_cast %parallel_loop3A_960 : i32 to index
        %parallel_loop3A_963 = arith.index_cast %parallel_loop3A_961 : i32 to index
        %parallel_loop3A_964 = arith.index_cast %parallel_loop3A_837 : i32 to index
        %parallel_loop3A_965 = tpu.vector_load %arg8[%parallel_loop3A_962, %parallel_loop3A_963, %parallel_loop3A_964] {strides = array<i32>} : memref<4x4x2048xf32, #tpu.memory_space<vmem>>, vector<16xf32>,
        tpu.vector_store %arg8[%parallel_loop3A_962, %parallel_loop3A_963, %parallel_loop3A_964], %parallel_loop3A_869 {strides = array<i32>} : memref<4x4x2048xf32, #tpu.memory_space<vmem>>, vector<16xf32>,
      } {sc.loop_unroll_factor = 2 : i64, sc.parallel_access}
      %mul3A_614 = arith.constant 4 : i32
      %mul3A_615 = arith.muli %add3A_550, %mul3A_614 : i32
      %add3A_616 = arith.addi %mul3A_2, %mul3A_615 : i32
      %dma_start3A_617 = arith.constant 0 : i32
      %dma_start3A_618 = arith.constant 0 : i32
      %dma_start3A_619 = arith.constant 0 : i32
      %dma_start3A_620 = tpu.memref_slice %arg8[%dma_start3A_617, %dma_start3A_618, %dma_start3A_619] : memref<4x4x2048xf32, #tpu.memory_space<vmem>> -> memref<1x4x2048xf32, #tpu.memory_space<vmem>>
      %dma_start3A_621 = arith.constant 0 : i32
      %dma_start3A_622 = arith.constant 0 : i32
      %dma_start3A_623 = tpu.memref_slice %arg4[%dma_start3A_621, %add3A_616, %dma_start3A_622] : memref<4x8192x2048xf32, #tpu.memory_space<hbm>> -> memref<1x4x2048xf32, #tpu.memory_space<hbm>>
      %dma_start3A_624 = arith.constant 0 : i32
      %dma_start3A_625 = arith.constant 0 : i32
      %dma_start3A_626 = tpu.memref_slice %arg4[%dma_start3A_624, %add3A_616, %dma_start3A_625] : memref<4x8192x2048xf32, #tpu.memory_space<hbm>> -> memref<1x4x2048xf32, #tpu.memory_space<hbm>>
      %dma_start3A_627 = arith.constant 0 : i32
      %dma_start3A_628 = arith.constant 0 : i32
      %dma_start3A_629 = arith.constant 0 : i32
      %dma_start3A_630 = tpu.memref_slice %arg8[%dma_start3A_627, %dma_start3A_628, %dma_start3A_629] : memref<4x4x2048xf32, #tpu.memory_space<vmem>> -> memref<1x4x2048xf32, #tpu.memory_space<vmem>>
      tpu.enqueue_dma source(%dma_start3A_630 : memref<1x4x2048xf32, #tpu.memory_space<vmem>>) target(%dma_start3A_626 : memref<1x4x2048xf32, #tpu.memory_space<hbm>>) target_semaphore(%arg12 : memref<!tpu.dma_semaphore, #tpu.memory_space<semaphore_mem>>)
      %mul3A_631 = arith.constant 4 : i32
      %mul3A_632 = arith.muli %add3A_550, %mul3A_631 : i32
      %add3A_633 = arith.addi %mul3A_2, %mul3A_632 : i32
      %dma_start3A_634 = arith.constant 1 : i32
      %dma_start3A_635 = arith.constant 0 : i32
      %dma_start3A_636 = arith.constant 0 : i32
      %dma_start3A_637 = tpu.memref_slice %arg8[%dma_start3A_634, %dma_start3A_635, %dma_start3A_636] : memref<4x4x2048xf32, #tpu.memory_space<vmem>> -> memref<1x4x2048xf32, #tpu.memory_space<vmem>>
      %dma_start3A_638 = arith.constant 1 : i32
      %dma_start3A_639 = arith.constant 0 : i32
      %dma_start3A_640 = tpu.memref_slice %arg4[%dma_start3A_638, %add3A_633, %dma_start3A_639] : memref<4x8192x2048xf32, #tpu.memory_space<hbm>> -> memref<1x4x2048xf32, #tpu.memory_space<hbm>>
      %dma_start3A_641 = arith.constant 1 : i32
      %dma_start3A_642 = arith.constant 0 : i32
      %dma_start3A_643 = tpu.memref_slice %arg4[%dma_start3A_641, %add3A_633, %dma_start3A_642] : memref<4x8192x2048xf32, #tpu.memory_space<hbm>> -> memref<1x4x2048xf32, #tpu.memory_space<hbm>>
      %dma_start3A_644 = arith.constant 1 : i32
      %dma_start3A_645 = arith.constant 0 : i32
      %dma_start3A_646 = arith.constant 0 : i32
      %dma_start3A_647 = tpu.memref_slice %arg8[%dma_start3A_644, %dma_start3A_645, %dma_start3A_646] : memref<4x4x2048xf32, #tpu.memory_space<vmem>> -> memref<1x4x2048xf32, #tpu.memory_space<vmem>>
      tpu.enqueue_dma source(%dma_start3A_647 : memref<1x4x2048xf32, #tpu.memory_space<vmem>>) target(%dma_start3A_643 : memref<1x4x2048xf32, #tpu.memory_space<hbm>>) target_semaphore(%arg12 : memref<!tpu.dma_semaphore, #tpu.memory_space<semaphore_mem>>)
      %mul3A_648 = arith.constant 4 : i32
      %mul3A_649 = arith.muli %add3A_550, %mul3A_648 : i32
      %add3A_650 = arith.addi %mul3A_2, %mul3A_649 : i32
      %dma_start3A_651 = arith.constant 2 : i32
      %dma_start3A_652 = arith.constant 0 : i32
      %dma_start3A_653 = arith.constant 0 : i32
      %dma_start3A_654 = tpu.memref_slice %arg8[%dma_start3A_651, %dma_start3A_652, %dma_start3A_653] : memref<4x4x2048xf32, #tpu.memory_space<vmem>> -> memref<1x4x2048xf32, #tpu.memory_space<vmem>>
      %dma_start3A_655 = arith.constant 2 : i32
      %dma_start3A_656 = arith.constant 0 : i32
      %dma_start3A_657 = tpu.memref_slice %arg4[%dma_start3A_655, %add3A_650, %dma_start3A_656] : memref<4x8192x2048xf32, #tpu.memory_space<hbm>> -> memref<1x4x2048xf32, #tpu.memory_space<hbm>>
      %dma_start3A_658 = arith.constant 2 : i32
      %dma_start3A_659 = arith.constant 0 : i32
      %dma_start3A_660 = tpu.memref_slice %arg4[%dma_start3A_658, %add3A_650, %dma_start3A_659] : memref<4x8192x2048xf32, #tpu.memory_space<hbm>> -> memref<1x4x2048xf32, #tpu.memory_space<hbm>>
      %dma_start3A_661 = arith.constant 2 : i32
      %dma_start3A_662 = arith.constant 0 : i32
      %dma_start3A_663 = arith.constant 0 : i32
      %dma_start3A_664 = tpu.memref_slice %arg8[%dma_start3A_661, %dma_start3A_662, %dma_start3A_663] : memref<4x4x2048xf32, #tpu.memory_space<vmem>> -> memref<1x4x2048xf32, #tpu.memory_space<vmem>>
      tpu.enqueue_dma source(%dma_start3A_664 : memref<1x4x2048xf32, #tpu.memory_space<vmem>>) target(%dma_start3A_660 : memref<1x4x2048xf32, #tpu.memory_space<hbm>>) target_semaphore(%arg12 : memref<!tpu.dma_semaphore, #tpu.memory_space<semaphore_mem>>)
      %mul3A_665 = arith.constant 4 : i32
      %mul3A_666 = arith.muli %add3A_550, %mul3A_665 : i32
      %add3A_667 = arith.addi %mul3A_2, %mul3A_666 : i32
      %dma_start3A_668 = arith.constant 3 : i32
      %dma_start3A_669 = arith.constant 0 : i32
      %dma_start3A_670 = arith.constant 0 : i32
      %dma_start3A_671 = tpu.memref_slice %arg8[%dma_start3A_668, %dma_start3A_669, %dma_start3A_670] : memref<4x4x2048xf32, #tpu.memory_space<vmem>> -> memref<1x4x2048xf32, #tpu.memory_space<vmem>>
      %dma_start3A_672 = arith.constant 3 : i32
      %dma_start3A_673 = arith.constant 0 : i32
      %dma_start3A_674 = tpu.memref_slice %arg4[%dma_start3A_672, %add3A_667, %dma_start3A_673] : memref<4x8192x2048xf32, #tpu.memory_space<hbm>> -> memref<1x4x2048xf32, #tpu.memory_space<hbm>>
      %dma_start3A_675 = arith.constant 3 : i32
      %dma_start3A_676 = arith.constant 0 : i32
      %dma_start3A_677 = tpu.memref_slice %arg4[%dma_start3A_675, %add3A_667, %dma_start3A_676] : memref<4x8192x2048xf32, #tpu.memory_space<hbm>> -> memref<1x4x2048xf32, #tpu.memory_space<hbm>>
      %dma_start3A_678 = arith.constant 3 : i32
      %dma_start3A_679 = arith.constant 0 : i32
      %dma_start3A_680 = arith.constant 0 : i32
      %dma_start3A_681 = tpu.memref_slice %arg8[%dma_start3A_678, %dma_start3A_679, %dma_start3A_680] : memref<4x4x2048xf32, #tpu.memory_space<vmem>> -> memref<1x4x2048xf32, #tpu.memory_space<vmem>>
      tpu.enqueue_dma source(%dma_start3A_681 : memref<1x4x2048xf32, #tpu.memory_space<vmem>>) target(%dma_start3A_677 : memref<1x4x2048xf32, #tpu.memory_space<hbm>>) target_semaphore(%arg12 : memref<!tpu.dma_semaphore, #tpu.memory_space<semaphore_mem>>)
      %add3A_682 = arith.constant 2 : i32
      %add3A_683 = arith.addi %add3A_550, %add3A_682 : i32
      %mul3A_684 = arith.constant 4 : i32
      %mul3A_685 = arith.muli %add3A_683, %mul3A_684 : i32
      %add3A_686 = arith.addi %mul3A_2, %mul3A_685 : i32
      %dma_start3A_687 = arith.constant 0 : i32
      %dma_start3A_688 = tpu.memref_slice %arg2[%add3A_686, %dma_start3A_687] : memref<8192x4096xf32, #tpu.memory_space<hbm>> -> memref<4x4096xf32, #tpu.memory_space<hbm>>
      %dma_start3A_689 = arith.constant 0 : i32
      %dma_start3A_690 = tpu.memref_slice %arg2[%add3A_686, %dma_start3A_689] : memref<8192x4096xf32, #tpu.memory_space<hbm>> -> memref<4x4096xf32, #tpu.memory_space<hbm>>
      tpu.enqueue_dma source(%dma_start3A_690 : memref<4x4096xf32, #tpu.memory_space<hbm>>) target(%arg6 : memref<4x4096xf32, #tpu.memory_space<vmem>>) target_semaphore(%arg10 : memref<!tpu.dma_semaphore, #tpu.memory_space<semaphore_mem>>)
      %mul3A_691 = arith.constant 2 : i32
      %mul3A_692 = arith.muli %mul3A_691, %scan3A_544 : i32
      %add3A_693 = arith.constant 2 : i32
      %add3A_694 = arith.addi %mul3A_692, %add3A_693 : i32
      %add3A_695 = arith.constant 1 : i32
      %add3A_696 = arith.addi %add3A_694, %add3A_695 : i32
      %dma_wait3A_697 = arith.constant 0 : i32
      %dma_wait3A_698 = tpu.memref_slice %arg2[%mul3A_2, %dma_wait3A_697] : memref<8192x4096xf32, #tpu.memory_space<hbm>> -> memref<4x4096xf32, #tpu.memory_space<hbm>>
      %dma_wait3A_699 = arith.constant 0 : i32
      %dma_wait3A_700 = tpu.memref_slice %arg2[%mul3A_2, %dma_wait3A_699] : memref<8192x4096xf32, #tpu.memory_space<hbm>> -> memref<4x4096xf32, #tpu.memory_space<hbm>>
      tpu.wait_dma2 semaphore(%arg11 : memref<!tpu.dma_semaphore, #tpu.memory_space<semaphore_mem>>) src(%dma_wait3A_700 : memref<4x4096xf32, #tpu.memory_space<hbm>>) dst(%arg7 : memref<4x4096xf32, #tpu.memory_space<vmem>>)
      %dma_wait3A_701 = arith.constant 0 : i32
      %dma_wait3A_702 = arith.constant 0 : i32
      %dma_wait3A_703 = arith.constant 0 : i32
      %dma_wait3A_704 = tpu.memref_slice %arg9[%dma_wait3A_701, %dma_wait3A_702, %dma_wait3A_703] : memref<4x4x2048xf32, #tpu.memory_space<vmem>> -> memref<1x4x2048xf32, #tpu.memory_space<vmem>>
      %dma_wait3A_705 = arith.constant 0 : i32
      %dma_wait3A_706 = arith.constant 0 : i32
      %dma_wait3A_707 = tpu.memref_slice %arg4[%dma_wait3A_705, %mul3A_2, %dma_wait3A_706] : memref<4x8192x2048xf32, #tpu.memory_space<hbm>> -> memref<1x4x2048xf32, #tpu.memory_space<hbm>>
      %dma_wait3A_708 = arith.constant 0 : i32
      %dma_wait3A_709 = arith.constant 0 : i32
      %dma_wait3A_710 = tpu.memref_slice %arg4[%dma_wait3A_708, %mul3A_2, %dma_wait3A_709] : memref<4x8192x2048xf32, #tpu.memory_space<hbm>> -> memref<1x4x2048xf32, #tpu.memory_space<hbm>>
      %dma_wait3A_711 = arith.constant 0 : i32
      %dma_wait3A_712 = arith.constant 0 : i32
      %dma_wait3A_713 = arith.constant 0 : i32
      %dma_wait3A_714 = tpu.memref_slice %arg9[%dma_wait3A_711, %dma_wait3A_712, %dma_wait3A_713] : memref<4x4x2048xf32, #tpu.memory_space<vmem>> -> memref<1x4x2048xf32, #tpu.memory_space<vmem>>
      tpu.wait_dma2 semaphore(%arg13 : memref<!tpu.dma_semaphore, #tpu.memory_space<semaphore_mem>>) src(%dma_wait3A_714 : memref<1x4x2048xf32, #tpu.memory_space<vmem>>) dst(%dma_wait3A_710 : memref<1x4x2048xf32, #tpu.memory_space<hbm>>)
      %dma_wait3A_715 = arith.constant 1 : i32
      %dma_wait3A_716 = arith.constant 0 : i32
      %dma_wait3A_717 = arith.constant 0 : i32
      %dma_wait3A_718 = tpu.memref_slice %arg9[%dma_wait3A_715, %dma_wait3A_716, %dma_wait3A_717] : memref<4x4x2048xf32, #tpu.memory_space<vmem>> -> memref<1x4x2048xf32, #tpu.memory_space<vmem>>
      %dma_wait3A_719 = arith.constant 0 : i32
      %dma_wait3A_720 = arith.constant 0 : i32
      %dma_wait3A_721 = tpu.memref_slice %arg4[%dma_wait3A_719, %mul3A_2, %dma_wait3A_720] : memref<4x8192x2048xf32, #tpu.memory_space<hbm>> -> memref<1x4x2048xf32, #tpu.memory_space<hbm>>
      %dma_wait3A_722 = arith.constant 0 : i32
      %dma_wait3A_723 = arith.constant 0 : i32
      %dma_wait3A_724 = tpu.memref_slice %arg4[%dma_wait3A_722, %mul3A_2, %dma_wait3A_723] : memref<4x8192x2048xf32, #tpu.memory_space<hbm>> -> memref<1x4x2048xf32, #tpu.memory_space<hbm>>
      %dma_wait3A_725 = arith.constant 1 : i32
      %dma_wait3A_726 = arith.constant 0 : i32
      %dma_wait3A_727 = arith.constant 0 : i32
      %dma_wait3A_728 = tpu.memref_slice %arg9[%dma_wait3A_725, %dma_wait3A_726, %dma_wait3A_727] : memref<4x4x2048xf32, #tpu.memory_space<vmem>> -> memref<1x4x2048xf32, #tpu.memory_space<vmem>>
      tpu.wait_dma2 semaphore(%arg13 : memref<!tpu.dma_semaphore, #tpu.memory_space<semaphore_mem>>) src(%dma_wait3A_728 : memref<1x4x2048xf32, #tpu.memory_space<vmem>>) dst(%dma_wait3A_724 : memref<1x4x2048xf32, #tpu.memory_space<hbm>>)
      %dma_wait3A_729 = arith.constant 2 : i32
      %dma_wait3A_730 = arith.constant 0 : i32
      %dma_wait3A_731 = arith.constant 0 : i32
      %dma_wait3A_732 = tpu.memref_slice %arg9[%dma_wait3A_729, %dma_wait3A_730, %dma_wait3A_731] : memref<4x4x2048xf32, #tpu.memory_space<vmem>> -> memref<1x4x2048xf32, #tpu.memory_space<vmem>>
      %dma_wait3A_733 = arith.constant 0 : i32
      %dma_wait3A_734 = arith.constant 0 : i32
      %dma_wait3A_735 = tpu.memref_slice %arg4[%dma_wait3A_733, %mul3A_2, %dma_wait3A_734] : memref<4x8192x2048xf32, #tpu.memory_space<hbm>> -> memref<1x4x2048xf32, #tpu.memory_space<hbm>>
      %dma_wait3A_736 = arith.constant 0 : i32
      %dma_wait3A_737 = arith.constant 0 : i32
      %dma_wait3A_738 = tpu.memref_slice %arg4[%dma_wait3A_736, %mul3A_2, %dma_wait3A_737] : memref<4x8192x2048xf32, #tpu.memory_space<hbm>> -> memref<1x4x2048xf32, #tpu.memory_space<hbm>>
      %dma_wait3A_739 = arith.constant 2 : i32
      %dma_wait3A_740 = arith.constant 0 : i32
      %dma_wait3A_741 = arith.constant 0 : i32
      %dma_wait3A_742 = tpu.memref_slice %arg9[%dma_wait3A_739, %dma_wait3A_740, %dma_wait3A_741] : memref<4x4x2048xf32, #tpu.memory_space<vmem>> -> memref<1x4x2048xf32, #tpu.memory_space<vmem>>
      tpu.wait_dma2 semaphore(%arg13 : memref<!tpu.dma_semaphore, #tpu.memory_space<semaphore_mem>>) src(%dma_wait3A_742 : memref<1x4x2048xf32, #tpu.memory_space<vmem>>) dst(%dma_wait3A_738 : memref<1x4x2048xf32, #tpu.memory_space<hbm>>)
      %dma_wait3A_743 = arith.constant 3 : i32
      %dma_wait3A_744 = arith.constant 0 : i32
      %dma_wait3A_745 = arith.constant 0 : i32
      %dma_wait3A_746 = tpu.memref_slice %arg9[%dma_wait3A_743, %dma_wait3A_744, %dma_wait3A_745] : memref<4x4x2048xf32, #tpu.memory_space<vmem>> -> memref<1x4x2048xf32, #tpu.memory_space<vmem>>
      %dma_wait3A_747 = arith.constant 0 : i32
      %dma_wait3A_748 = arith.constant 0 : i32
      %dma_wait3A_749 = tpu.memref_slice %arg4[%dma_wait3A_747, %mul3A_2, %dma_wait3A_748] : memref<4x8192x2048xf32, #tpu.memory_space<hbm>> -> memref<1x4x2048xf32, #tpu.memory_space<hbm>>
      %dma_wait3A_750 = arith.constant 0 : i32
      %dma_wait3A_751 = arith.constant 0 : i32
      %dma_wait3A_752 = tpu.memref_slice %arg4[%dma_wait3A_750, %mul3A_2, %dma_wait3A_751] : memref<4x8192x2048xf32, #tpu.memory_space<hbm>> -> memref<1x4x2048xf32, #tpu.memory_space<hbm>>
      %dma_wait3A_753 = arith.constant 3 : i32
      %dma_wait3A_754 = arith.constant 0 : i32
      %dma_wait3A_755 = arith.constant 0 : i32
      %dma_wait3A_756 = tpu.memref_slice %arg9[%dma_wait3A_753, %dma_wait3A_754, %dma_wait3A_755] : memref<4x4x2048xf32, #tpu.memory_space<vmem>> -> memref<1x4x2048xf32, #tpu.memory_space<vmem>>
      tpu.wait_dma2 semaphore(%arg13 : memref<!tpu.dma_semaphore, #tpu.memory_space<semaphore_mem>>) src(%dma_wait3A_756 : memref<1x4x2048xf32, #tpu.memory_space<vmem>>) dst(%dma_wait3A_752 : memref<1x4x2048xf32, #tpu.memory_space<hbm>>)
      %parallel_loop3A_757 = arith.constant 0 : i32
      %parallel_loop3A_758 = arith.constant 2048 : i32
      %parallel_loop3A_759 = arith.constant 16 : i32
      scf.for %parallel_loop3A_837 = %parallel_loop3A_757 to %parallel_loop3A_758 step %parallel_loop3A_759  : i32 {
        %parallel_loop3A_838 = arith.constant 0 : i32
        %parallel_loop3A_839 = arith.index_cast %parallel_loop3A_838 : i32 to index
        %parallel_loop3A_840 = arith.index_cast %parallel_loop3A_837 : i32 to index
        %parallel_loop3A_841 = tpu.vector_load %arg5[%parallel_loop3A_839, %parallel_loop3A_840] {strides = array<i32>} : memref<4x2048xi32, #tpu.memory_space<vmem>>, vector<16xi32>,
        %parallel_loop3A_842 = arith.constant 1 : i32
        %parallel_loop3A_843 = arith.index_cast %parallel_loop3A_842 : i32 to index
        %parallel_loop3A_844 = arith.index_cast %parallel_loop3A_837 : i32 to index
        %parallel_loop3A_845 = tpu.vector_load %arg5[%parallel_loop3A_843, %parallel_loop3A_844] {strides = array<i32>} : memref<4x2048xi32, #tpu.memory_space<vmem>>, vector<16xi32>,
        %parallel_loop3A_846 = arith.constant 2 : i32
        %parallel_loop3A_847 = arith.index_cast %parallel_loop3A_846 : i32 to index
        %parallel_loop3A_848 = arith.index_cast %parallel_loop3A_837 : i32 to index
        %parallel_loop3A_849 = tpu.vector_load %arg5[%parallel_loop3A_847, %parallel_loop3A_848] {strides = array<i32>} : memref<4x2048xi32, #tpu.memory_space<vmem>>, vector<16xi32>,
        %parallel_loop3A_850 = arith.constant 3 : i32
        %parallel_loop3A_851 = arith.index_cast %parallel_loop3A_850 : i32 to index
        %parallel_loop3A_852 = arith.index_cast %parallel_loop3A_837 : i32 to index
        %parallel_loop3A_853 = tpu.vector_load %arg5[%parallel_loop3A_851, %parallel_loop3A_852] {strides = array<i32>} : memref<4x2048xi32, #tpu.memory_space<vmem>>, vector<16xi32>,
        %parallel_loop3A_854 = tpu.vector_load_idx %arg7[%broadcast_in_dim3A_3, %parallel_loop3A_841] : memref<4x4096xf32, #tpu.memory_space<vmem>>[vector<16xi32>, vector<16xi32>], vector<16xf32>,
        %parallel_loop3A_855 = tpu.vector_load_idx %arg7[%broadcast_in_dim3A_5, %parallel_loop3A_841] : memref<4x4096xf32, #tpu.memory_space<vmem>>[vector<16xi32>, vector<16xi32>], vector<16xf32>,
        %parallel_loop3A_856 = tpu.vector_load_idx %arg7[%broadcast_in_dim3A_7, %parallel_loop3A_841] : memref<4x4096xf32, #tpu.memory_space<vmem>>[vector<16xi32>, vector<16xi32>], vector<16xf32>,
        %parallel_loop3A_857 = tpu.vector_load_idx %arg7[%broadcast_in_dim3A_9, %parallel_loop3A_841] : memref<4x4096xf32, #tpu.memory_space<vmem>>[vector<16xi32>, vector<16xi32>], vector<16xf32>,
        %parallel_loop3A_858 = tpu.vector_load_idx %arg7[%broadcast_in_dim3A_3, %parallel_loop3A_845] : memref<4x4096xf32, #tpu.memory_space<vmem>>[vector<16xi32>, vector<16xi32>], vector<16xf32>,
        %parallel_loop3A_859 = tpu.vector_load_idx %arg7[%broadcast_in_dim3A_5, %parallel_loop3A_845] : memref<4x4096xf32, #tpu.memory_space<vmem>>[vector<16xi32>, vector<16xi32>], vector<16xf32>,
        %parallel_loop3A_860 = tpu.vector_load_idx %arg7[%broadcast_in_dim3A_7, %parallel_loop3A_845] : memref<4x4096xf32, #tpu.memory_space<vmem>>[vector<16xi32>, vector<16xi32>], vector<16xf32>,
        %parallel_loop3A_861 = tpu.vector_load_idx %arg7[%broadcast_in_dim3A_9, %parallel_loop3A_845] : memref<4x4096xf32, #tpu.memory_space<vmem>>[vector<16xi32>, vector<16xi32>], vector<16xf32>,
        %parallel_loop3A_862 = tpu.vector_load_idx %arg7[%broadcast_in_dim3A_3, %parallel_loop3A_849] : memref<4x4096xf32, #tpu.memory_space<vmem>>[vector<16xi32>, vector<16xi32>], vector<16xf32>,
        %parallel_loop3A_863 = tpu.vector_load_idx %arg7[%broadcast_in_dim3A_5, %parallel_loop3A_849] : memref<4x4096xf32, #tpu.memory_space<vmem>>[vector<16xi32>, vector<16xi32>], vector<16xf32>,
        %parallel_loop3A_864 = tpu.vector_load_idx %arg7[%broadcast_in_dim3A_7, %parallel_loop3A_849] : memref<4x4096xf32, #tpu.memory_space<vmem>>[vector<16xi32>, vector<16xi32>], vector<16xf32>,
        %parallel_loop3A_865 = tpu.vector_load_idx %arg7[%broadcast_in_dim3A_9, %parallel_loop3A_849] : memref<4x4096xf32, #tpu.memory_space<vmem>>[vector<16xi32>, vector<16xi32>], vector<16xf32>,
        %parallel_loop3A_866 = tpu.vector_load_idx %arg7[%broadcast_in_dim3A_3, %parallel_loop3A_853] : memref<4x4096xf32, #tpu.memory_space<vmem>>[vector<16xi32>, vector<16xi32>], vector<16xf32>,
        %parallel_loop3A_867 = tpu.vector_load_idx %arg7[%broadcast_in_dim3A_5, %parallel_loop3A_853] : memref<4x4096xf32, #tpu.memory_space<vmem>>[vector<16xi32>, vector<16xi32>], vector<16xf32>,
        %parallel_loop3A_868 = tpu.vector_load_idx %arg7[%broadcast_in_dim3A_7, %parallel_loop3A_853] : memref<4x4096xf32, #tpu.memory_space<vmem>>[vector<16xi32>, vector<16xi32>], vector<16xf32>,
        %parallel_loop3A_869 = tpu.vector_load_idx %arg7[%broadcast_in_dim3A_9, %parallel_loop3A_853] : memref<4x4096xf32, #tpu.memory_space<vmem>>[vector<16xi32>, vector<16xi32>], vector<16xf32>,
        %parallel_loop3A_870 = arith.constant 0 : i32
        %parallel_loop3A_871 = arith.constant 0 : i32
        %parallel_loop3A_872 = arith.index_cast %parallel_loop3A_870 : i32 to index
        %parallel_loop3A_873 = arith.index_cast %parallel_loop3A_871 : i32 to index
        %parallel_loop3A_874 = arith.index_cast %parallel_loop3A_837 : i32 to index
        %parallel_loop3A_875 = tpu.vector_load %arg9[%parallel_loop3A_872, %parallel_loop3A_873, %parallel_loop3A_874] {strides = array<i32>} : memref<4x4x2048xf32, #tpu.memory_space<vmem>>, vector<16xf32>,
        tpu.vector_store %arg9[%parallel_loop3A_872, %parallel_loop3A_873, %parallel_loop3A_874], %parallel_loop3A_854 {strides = array<i32>} : memref<4x4x2048xf32, #tpu.memory_space<vmem>>, vector<16xf32>,
        %parallel_loop3A_876 = arith.constant 0 : i32
        %parallel_loop3A_877 = arith.constant 1 : i32
        %parallel_loop3A_878 = arith.index_cast %parallel_loop3A_876 : i32 to index
        %parallel_loop3A_879 = arith.index_cast %parallel_loop3A_877 : i32 to index
        %parallel_loop3A_880 = arith.index_cast %parallel_loop3A_837 : i32 to index
        %parallel_loop3A_881 = tpu.vector_load %arg9[%parallel_loop3A_878, %parallel_loop3A_879, %parallel_loop3A_880] {strides = array<i32>} : memref<4x4x2048xf32, #tpu.memory_space<vmem>>, vector<16xf32>,
        tpu.vector_store %arg9[%parallel_loop3A_878, %parallel_loop3A_879, %parallel_loop3A_880], %parallel_loop3A_855 {strides = array<i32>} : memref<4x4x2048xf32, #tpu.memory_space<vmem>>, vector<16xf32>,
        %parallel_loop3A_882 = arith.constant 0 : i32
        %parallel_loop3A_883 = arith.constant 2 : i32
        %parallel_loop3A_884 = arith.index_cast %parallel_loop3A_882 : i32 to index
        %parallel_loop3A_885 = arith.index_cast %parallel_loop3A_883 : i32 to index
        %parallel_loop3A_886 = arith.index_cast %parallel_loop3A_837 : i32 to index
        %parallel_loop3A_887 = tpu.vector_load %arg9[%parallel_loop3A_884, %parallel_loop3A_885, %parallel_loop3A_886] {strides = array<i32>} : memref<4x4x2048xf32, #tpu.memory_space<vmem>>, vector<16xf32>,
        tpu.vector_store %arg9[%parallel_loop3A_884, %parallel_loop3A_885, %parallel_loop3A_886], %parallel_loop3A_856 {strides = array<i32>} : memref<4x4x2048xf32, #tpu.memory_space<vmem>>, vector<16xf32>,
        %parallel_loop3A_888 = arith.constant 0 : i32
        %parallel_loop3A_889 = arith.constant 3 : i32
        %parallel_loop3A_890 = arith.index_cast %parallel_loop3A_888 : i32 to index
        %parallel_loop3A_891 = arith.index_cast %parallel_loop3A_889 : i32 to index
        %parallel_loop3A_892 = arith.index_cast %parallel_loop3A_837 : i32 to index
        %parallel_loop3A_893 = tpu.vector_load %arg9[%parallel_loop3A_890, %parallel_loop3A_891, %parallel_loop3A_892] {strides = array<i32>} : memref<4x4x2048xf32, #tpu.memory_space<vmem>>, vector<16xf32>,
        tpu.vector_store %arg9[%parallel_loop3A_890, %parallel_loop3A_891, %parallel_loop3A_892], %parallel_loop3A_857 {strides = array<i32>} : memref<4x4x2048xf32, #tpu.memory_space<vmem>>, vector<16xf32>,
        %parallel_loop3A_894 = arith.constant 1 : i32
        %parallel_loop3A_895 = arith.constant 0 : i32
        %parallel_loop3A_896 = arith.index_cast %parallel_loop3A_894 : i32 to index
        %parallel_loop3A_897 = arith.index_cast %parallel_loop3A_895 : i32 to index
        %parallel_loop3A_898 = arith.index_cast %parallel_loop3A_837 : i32 to index
        %parallel_loop3A_899 = tpu.vector_load %arg9[%parallel_loop3A_896, %parallel_loop3A_897, %parallel_loop3A_898] {strides = array<i32>} : memref<4x4x2048xf32, #tpu.memory_space<vmem>>, vector<16xf32>,
        tpu.vector_store %arg9[%parallel_loop3A_896, %parallel_loop3A_897, %parallel_loop3A_898], %parallel_loop3A_858 {strides = array<i32>} : memref<4x4x2048xf32, #tpu.memory_space<vmem>>, vector<16xf32>,
        %parallel_loop3A_900 = arith.constant 1 : i32
        %parallel_loop3A_901 = arith.constant 1 : i32
        %parallel_loop3A_902 = arith.index_cast %parallel_loop3A_900 : i32 to index
        %parallel_loop3A_903 = arith.index_cast %parallel_loop3A_901 : i32 to index
        %parallel_loop3A_904 = arith.index_cast %parallel_loop3A_837 : i32 to index
        %parallel_loop3A_905 = tpu.vector_load %arg9[%parallel_loop3A_902, %parallel_loop3A_903, %parallel_loop3A_904] {strides = array<i32>} : memref<4x4x2048xf32, #tpu.memory_space<vmem>>, vector<16xf32>,
        tpu.vector_store %arg9[%parallel_loop3A_902, %parallel_loop3A_903, %parallel_loop3A_904], %parallel_loop3A_859 {strides = array<i32>} : memref<4x4x2048xf32, #tpu.memory_space<vmem>>, vector<16xf32>,
        %parallel_loop3A_906 = arith.constant 1 : i32
        %parallel_loop3A_907 = arith.constant 2 : i32
        %parallel_loop3A_908 = arith.index_cast %parallel_loop3A_906 : i32 to index
        %parallel_loop3A_909 = arith.index_cast %parallel_loop3A_907 : i32 to index
        %parallel_loop3A_910 = arith.index_cast %parallel_loop3A_837 : i32 to index
        %parallel_loop3A_911 = tpu.vector_load %arg9[%parallel_loop3A_908, %parallel_loop3A_909, %parallel_loop3A_910] {strides = array<i32>} : memref<4x4x2048xf32, #tpu.memory_space<vmem>>, vector<16xf32>,
        tpu.vector_store %arg9[%parallel_loop3A_908, %parallel_loop3A_909, %parallel_loop3A_910], %parallel_loop3A_860 {strides = array<i32>} : memref<4x4x2048xf32, #tpu.memory_space<vmem>>, vector<16xf32>,
        %parallel_loop3A_912 = arith.constant 1 : i32
        %parallel_loop3A_913 = arith.constant 3 : i32
        %parallel_loop3A_914 = arith.index_cast %parallel_loop3A_912 : i32 to index
        %parallel_loop3A_915 = arith.index_cast %parallel_loop3A_913 : i32 to index
        %parallel_loop3A_916 = arith.index_cast %parallel_loop3A_837 : i32 to index
        %parallel_loop3A_917 = tpu.vector_load %arg9[%parallel_loop3A_914, %parallel_loop3A_915, %parallel_loop3A_916] {strides = array<i32>} : memref<4x4x2048xf32, #tpu.memory_space<vmem>>, vector<16xf32>,
        tpu.vector_store %arg9[%parallel_loop3A_914, %parallel_loop3A_915, %parallel_loop3A_916], %parallel_loop3A_861 {strides = array<i32>} : memref<4x4x2048xf32, #tpu.memory_space<vmem>>, vector<16xf32>,
        %parallel_loop3A_918 = arith.constant 2 : i32
        %parallel_loop3A_919 = arith.constant 0 : i32
        %parallel_loop3A_920 = arith.index_cast %parallel_loop3A_918 : i32 to index
        %parallel_loop3A_921 = arith.index_cast %parallel_loop3A_919 : i32 to index
        %parallel_loop3A_922 = arith.index_cast %parallel_loop3A_837 : i32 to index
        %parallel_loop3A_923 = tpu.vector_load %arg9[%parallel_loop3A_920, %parallel_loop3A_921, %parallel_loop3A_922] {strides = array<i32>} : memref<4x4x2048xf32, #tpu.memory_space<vmem>>, vector<16xf32>,
        tpu.vector_store %arg9[%parallel_loop3A_920, %parallel_loop3A_921, %parallel_loop3A_922], %parallel_loop3A_862 {strides = array<i32>} : memref<4x4x2048xf32, #tpu.memory_space<vmem>>, vector<16xf32>,
        %parallel_loop3A_924 = arith.constant 2 : i32
        %parallel_loop3A_925 = arith.constant 1 : i32
        %parallel_loop3A_926 = arith.index_cast %parallel_loop3A_924 : i32 to index
        %parallel_loop3A_927 = arith.index_cast %parallel_loop3A_925 : i32 to index
        %parallel_loop3A_928 = arith.index_cast %parallel_loop3A_837 : i32 to index
        %parallel_loop3A_929 = tpu.vector_load %arg9[%parallel_loop3A_926, %parallel_loop3A_927, %parallel_loop3A_928] {strides = array<i32>} : memref<4x4x2048xf32, #tpu.memory_space<vmem>>, vector<16xf32>,
        tpu.vector_store %arg9[%parallel_loop3A_926, %parallel_loop3A_927, %parallel_loop3A_928], %parallel_loop3A_863 {strides = array<i32>} : memref<4x4x2048xf32, #tpu.memory_space<vmem>>, vector<16xf32>,
        %parallel_loop3A_930 = arith.constant 2 : i32
        %parallel_loop3A_931 = arith.constant 2 : i32
        %parallel_loop3A_932 = arith.index_cast %parallel_loop3A_930 : i32 to index
        %parallel_loop3A_933 = arith.index_cast %parallel_loop3A_931 : i32 to index
        %parallel_loop3A_934 = arith.index_cast %parallel_loop3A_837 : i32 to index
        %parallel_loop3A_935 = tpu.vector_load %arg9[%parallel_loop3A_932, %parallel_loop3A_933, %parallel_loop3A_934] {strides = array<i32>} : memref<4x4x2048xf32, #tpu.memory_space<vmem>>, vector<16xf32>,
        tpu.vector_store %arg9[%parallel_loop3A_932, %parallel_loop3A_933, %parallel_loop3A_934], %parallel_loop3A_864 {strides = array<i32>} : memref<4x4x2048xf32, #tpu.memory_space<vmem>>, vector<16xf32>,
        %parallel_loop3A_936 = arith.constant 2 : i32
        %parallel_loop3A_937 = arith.constant 3 : i32
        %parallel_loop3A_938 = arith.index_cast %parallel_loop3A_936 : i32 to index
        %parallel_loop3A_939 = arith.index_cast %parallel_loop3A_937 : i32 to index
        %parallel_loop3A_940 = arith.index_cast %parallel_loop3A_837 : i32 to index
        %parallel_loop3A_941 = tpu.vector_load %arg9[%parallel_loop3A_938, %parallel_loop3A_939, %parallel_loop3A_940] {strides = array<i32>} : memref<4x4x2048xf32, #tpu.memory_space<vmem>>, vector<16xf32>,
        tpu.vector_store %arg9[%parallel_loop3A_938, %parallel_loop3A_939, %parallel_loop3A_940], %parallel_loop3A_865 {strides = array<i32>} : memref<4x4x2048xf32, #tpu.memory_space<vmem>>, vector<16xf32>,
        %parallel_loop3A_942 = arith.constant 3 : i32
        %parallel_loop3A_943 = arith.constant 0 : i32
        %parallel_loop3A_944 = arith.index_cast %parallel_loop3A_942 : i32 to index
        %parallel_loop3A_945 = arith.index_cast %parallel_loop3A_943 : i32 to index
        %parallel_loop3A_946 = arith.index_cast %parallel_loop3A_837 : i32 to index
        %parallel_loop3A_947 = tpu.vector_load %arg9[%parallel_loop3A_944, %parallel_loop3A_945, %parallel_loop3A_946] {strides = array<i32>} : memref<4x4x2048xf32, #tpu.memory_space<vmem>>, vector<16xf32>,
        tpu.vector_store %arg9[%parallel_loop3A_944, %parallel_loop3A_945, %parallel_loop3A_946], %parallel_loop3A_866 {strides = array<i32>} : memref<4x4x2048xf32, #tpu.memory_space<vmem>>, vector<16xf32>,
        %parallel_loop3A_948 = arith.constant 3 : i32
        %parallel_loop3A_949 = arith.constant 1 : i32
        %parallel_loop3A_950 = arith.index_cast %parallel_loop3A_948 : i32 to index
        %parallel_loop3A_951 = arith.index_cast %parallel_loop3A_949 : i32 to index
        %parallel_loop3A_952 = arith.index_cast %parallel_loop3A_837 : i32 to index
        %parallel_loop3A_953 = tpu.vector_load %arg9[%parallel_loop3A_950, %parallel_loop3A_951, %parallel_loop3A_952] {strides = array<i32>} : memref<4x4x2048xf32, #tpu.memory_space<vmem>>, vector<16xf32>,
        tpu.vector_store %arg9[%parallel_loop3A_950, %parallel_loop3A_951, %parallel_loop3A_952], %parallel_loop3A_867 {strides = array<i32>} : memref<4x4x2048xf32, #tpu.memory_space<vmem>>, vector<16xf32>,
        %parallel_loop3A_954 = arith.constant 3 : i32
        %parallel_loop3A_955 = arith.constant 2 : i32
        %parallel_loop3A_956 = arith.index_cast %parallel_loop3A_954 : i32 to index
        %parallel_loop3A_957 = arith.index_cast %parallel_loop3A_955 : i32 to index
        %parallel_loop3A_958 = arith.index_cast %parallel_loop3A_837 : i32 to index
        %parallel_loop3A_959 = tpu.vector_load %arg9[%parallel_loop3A_956, %parallel_loop3A_957, %parallel_loop3A_958] {strides = array<i32>} : memref<4x4x2048xf32, #tpu.memory_space<vmem>>, vector<16xf32>,
        tpu.vector_store %arg9[%parallel_loop3A_956, %parallel_loop3A_957, %parallel_loop3A_958], %parallel_loop3A_868 {strides = array<i32>} : memref<4x4x2048xf32, #tpu.memory_space<vmem>>, vector<16xf32>,
        %parallel_loop3A_960 = arith.constant 3 : i32
        %parallel_loop3A_961 = arith.constant 3 : i32
        %parallel_loop3A_962 = arith.index_cast %parallel_loop3A_960 : i32 to index
        %parallel_loop3A_963 = arith.index_cast %parallel_loop3A_961 : i32 to index
        %parallel_loop3A_964 = arith.index_cast %parallel_loop3A_837 : i32 to index
        %parallel_loop3A_965 = tpu.vector_load %arg9[%parallel_loop3A_962, %parallel_loop3A_963, %parallel_loop3A_964] {strides = array<i32>} : memref<4x4x2048xf32, #tpu.memory_space<vmem>>, vector<16xf32>,
        tpu.vector_store %arg9[%parallel_loop3A_962, %parallel_loop3A_963, %parallel_loop3A_964], %parallel_loop3A_869 {strides = array<i32>} : memref<4x4x2048xf32, #tpu.memory_space<vmem>>, vector<16xf32>,
      } {sc.loop_unroll_factor = 2 : i64, sc.parallel_access}
      %mul3A_760 = arith.constant 4 : i32
      %mul3A_761 = arith.muli %add3A_696, %mul3A_760 : i32
      %add3A_762 = arith.addi %mul3A_2, %mul3A_761 : i32
      %dma_start3A_763 = arith.constant 0 : i32
      %dma_start3A_764 = arith.constant 0 : i32
      %dma_start3A_765 = arith.constant 0 : i32
      %dma_start3A_766 = tpu.memref_slice %arg9[%dma_start3A_763, %dma_start3A_764, %dma_start3A_765] : memref<4x4x2048xf32, #tpu.memory_space<vmem>> -> memref<1x4x2048xf32, #tpu.memory_space<vmem>>
      %dma_start3A_767 = arith.constant 0 : i32
      %dma_start3A_768 = arith.constant 0 : i32
      %dma_start3A_769 = tpu.memref_slice %arg4[%dma_start3A_767, %add3A_762, %dma_start3A_768] : memref<4x8192x2048xf32, #tpu.memory_space<hbm>> -> memref<1x4x2048xf32, #tpu.memory_space<hbm>>
      %dma_start3A_770 = arith.constant 0 : i32
      %dma_start3A_771 = arith.constant 0 : i32
      %dma_start3A_772 = tpu.memref_slice %arg4[%dma_start3A_770, %add3A_762, %dma_start3A_771] : memref<4x8192x2048xf32, #tpu.memory_space<hbm>> -> memref<1x4x2048xf32, #tpu.memory_space<hbm>>
      %dma_start3A_773 = arith.constant 0 : i32
      %dma_start3A_774 = arith.constant 0 : i32
      %dma_start3A_775 = arith.constant 0 : i32
      %dma_start3A_776 = tpu.memref_slice %arg9[%dma_start3A_773, %dma_start3A_774, %dma_start3A_775] : memref<4x4x2048xf32, #tpu.memory_space<vmem>> -> memref<1x4x2048xf32, #tpu.memory_space<vmem>>
      tpu.enqueue_dma source(%dma_start3A_776 : memref<1x4x2048xf32, #tpu.memory_space<vmem>>) target(%dma_start3A_772 : memref<1x4x2048xf32, #tpu.memory_space<hbm>>) target_semaphore(%arg13 : memref<!tpu.dma_semaphore, #tpu.memory_space<semaphore_mem>>)
      %mul3A_777 = arith.constant 4 : i32
      %mul3A_778 = arith.muli %add3A_696, %mul3A_777 : i32
      %add3A_779 = arith.addi %mul3A_2, %mul3A_778 : i32
      %dma_start3A_780 = arith.constant 1 : i32
      %dma_start3A_781 = arith.constant 0 : i32
      %dma_start3A_782 = arith.constant 0 : i32
      %dma_start3A_783 = tpu.memref_slice %arg9[%dma_start3A_780, %dma_start3A_781, %dma_start3A_782] : memref<4x4x2048xf32, #tpu.memory_space<vmem>> -> memref<1x4x2048xf32, #tpu.memory_space<vmem>>
      %dma_start3A_784 = arith.constant 1 : i32
      %dma_start3A_785 = arith.constant 0 : i32
      %dma_start3A_786 = tpu.memref_slice %arg4[%dma_start3A_784, %add3A_779, %dma_start3A_785] : memref<4x8192x2048xf32, #tpu.memory_space<hbm>> -> memref<1x4x2048xf32, #tpu.memory_space<hbm>>
      %dma_start3A_787 = arith.constant 1 : i32
      %dma_start3A_788 = arith.constant 0 : i32
      %dma_start3A_789 = tpu.memref_slice %arg4[%dma_start3A_787, %add3A_779, %dma_start3A_788] : memref<4x8192x2048xf32, #tpu.memory_space<hbm>> -> memref<1x4x2048xf32, #tpu.memory_space<hbm>>
      %dma_start3A_790 = arith.constant 1 : i32
      %dma_start3A_791 = arith.constant 0 : i32
      %dma_start3A_792 = arith.constant 0 : i32
      %dma_start3A_793 = tpu.memref_slice %arg9[%dma_start3A_790, %dma_start3A_791, %dma_start3A_792] : memref<4x4x2048xf32, #tpu.memory_space<vmem>> -> memref<1x4x2048xf32, #tpu.memory_space<vmem>>
      tpu.enqueue_dma source(%dma_start3A_793 : memref<1x4x2048xf32, #tpu.memory_space<vmem>>) target(%dma_start3A_789 : memref<1x4x2048xf32, #tpu.memory_space<hbm>>) target_semaphore(%arg13 : memref<!tpu.dma_semaphore, #tpu.memory_space<semaphore_mem>>)
      %mul3A_794 = arith.constant 4 : i32
      %mul3A_795 = arith.muli %add3A_696, %mul3A_794 : i32
      %add3A_796 = arith.addi %mul3A_2, %mul3A_795 : i32
      %dma_start3A_797 = arith.constant 2 : i32
      %dma_start3A_798 = arith.constant 0 : i32
      %dma_start3A_799 = arith.constant 0 : i32
      %dma_start3A_800 = tpu.memref_slice %arg9[%dma_start3A_797, %dma_start3A_798, %dma_start3A_799] : memref<4x4x2048xf32, #tpu.memory_space<vmem>> -> memref<1x4x2048xf32, #tpu.memory_space<vmem>>
      %dma_start3A_801 = arith.constant 2 : i32
      %dma_start3A_802 = arith.constant 0 : i32
      %dma_start3A_803 = tpu.memref_slice %arg4[%dma_start3A_801, %add3A_796, %dma_start3A_802] : memref<4x8192x2048xf32, #tpu.memory_space<hbm>> -> memref<1x4x2048xf32, #tpu.memory_space<hbm>>
      %dma_start3A_804 = arith.constant 2 : i32
      %dma_start3A_805 = arith.constant 0 : i32
      %dma_start3A_806 = tpu.memref_slice %arg4[%dma_start3A_804, %add3A_796, %dma_start3A_805] : memref<4x8192x2048xf32, #tpu.memory_space<hbm>> -> memref<1x4x2048xf32, #tpu.memory_space<hbm>>
      %dma_start3A_807 = arith.constant 2 : i32
      %dma_start3A_808 = arith.constant 0 : i32
      %dma_start3A_809 = arith.constant 0 : i32
      %dma_start3A_810 = tpu.memref_slice %arg9[%dma_start3A_807, %dma_start3A_808, %dma_start3A_809] : memref<4x4x2048xf32, #tpu.memory_space<vmem>> -> memref<1x4x2048xf32, #tpu.memory_space<vmem>>
      tpu.enqueue_dma source(%dma_start3A_810 : memref<1x4x2048xf32, #tpu.memory_space<vmem>>) target(%dma_start3A_806 : memref<1x4x2048xf32, #tpu.memory_space<hbm>>) target_semaphore(%arg13 : memref<!tpu.dma_semaphore, #tpu.memory_space<semaphore_mem>>)
      %mul3A_811 = arith.constant 4 : i32
      %mul3A_812 = arith.muli %add3A_696, %mul3A_811 : i32
      %add3A_813 = arith.addi %mul3A_2, %mul3A_812 : i32
      %dma_start3A_814 = arith.constant 3 : i32
      %dma_start3A_815 = arith.constant 0 : i32
      %dma_start3A_816 = arith.constant 0 : i32
      %dma_start3A_817 = tpu.memref_slice %arg9[%dma_start3A_814, %dma_start3A_815, %dma_start3A_816] : memref<4x4x2048xf32, #tpu.memory_space<vmem>> -> memref<1x4x2048xf32, #tpu.memory_space<vmem>>
      %dma_start3A_818 = arith.constant 3 : i32
      %dma_start3A_819 = arith.constant 0 : i32
      %dma_start3A_820 = tpu.memref_slice %arg4[%dma_start3A_818, %add3A_813, %dma_start3A_819] : memref<4x8192x2048xf32, #tpu.memory_space<hbm>> -> memref<1x4x2048xf32, #tpu.memory_space<hbm>>
      %dma_start3A_821 = arith.constant 3 : i32
      %dma_start3A_822 = arith.constant 0 : i32
      %dma_start3A_823 = tpu.memref_slice %arg4[%dma_start3A_821, %add3A_813, %dma_start3A_822] : memref<4x8192x2048xf32, #tpu.memory_space<hbm>> -> memref<1x4x2048xf32, #tpu.memory_space<hbm>>
      %dma_start3A_824 = arith.constant 3 : i32
      %dma_start3A_825 = arith.constant 0 : i32
      %dma_start3A_826 = arith.constant 0 : i32
      %dma_start3A_827 = tpu.memref_slice %arg9[%dma_start3A_824, %dma_start3A_825, %dma_start3A_826] : memref<4x4x2048xf32, #tpu.memory_space<vmem>> -> memref<1x4x2048xf32, #tpu.memory_space<vmem>>
      tpu.enqueue_dma source(%dma_start3A_827 : memref<1x4x2048xf32, #tpu.memory_space<vmem>>) target(%dma_start3A_823 : memref<1x4x2048xf32, #tpu.memory_space<hbm>>) target_semaphore(%arg13 : memref<!tpu.dma_semaphore, #tpu.memory_space<semaphore_mem>>)
      %add3A_828 = arith.constant 2 : i32
      %add3A_829 = arith.addi %add3A_696, %add3A_828 : i32
      %mul3A_830 = arith.constant 4 : i32
      %mul3A_831 = arith.muli %add3A_829, %mul3A_830 : i32
      %add3A_832 = arith.addi %mul3A_2, %mul3A_831 : i32
      %dma_start3A_833 = arith.constant 0 : i32
      %dma_start3A_834 = tpu.memref_slice %arg2[%add3A_832, %dma_start3A_833] : memref<8192x4096xf32, #tpu.memory_space<hbm>> -> memref<4x4096xf32, #tpu.memory_space<hbm>>
      %dma_start3A_835 = arith.constant 0 : i32
      %dma_start3A_836 = tpu.memref_slice %arg2[%add3A_832, %dma_start3A_835] : memref<8192x4096xf32, #tpu.memory_space<hbm>> -> memref<4x4096xf32, #tpu.memory_space<hbm>>
      tpu.enqueue_dma source(%dma_start3A_836 : memref<4x4096xf32, #tpu.memory_space<hbm>>) target(%arg7 : memref<4x4096xf32, #tpu.memory_space<vmem>>) target_semaphore(%arg11 : memref<!tpu.dma_semaphore, #tpu.memory_space<semaphore_mem>>)
    }
    %scan3A_177 = arith.constant 30 : i32
    %dma_wait3A_178 = arith.constant 0 : i32
    %dma_wait3A_179 = tpu.memref_slice %arg2[%mul3A_2, %dma_wait3A_178] : memref<8192x4096xf32, #tpu.memory_space<hbm>> -> memref<4x4096xf32, #tpu.memory_space<hbm>>
    %dma_wait3A_180 = arith.constant 0 : i32
    %dma_wait3A_181 = tpu.memref_slice %arg2[%mul3A_2, %dma_wait3A_180] : memref<8192x4096xf32, #tpu.memory_space<hbm>> -> memref<4x4096xf32, #tpu.memory_space<hbm>>
    tpu.wait_dma2 semaphore(%arg10 : memref<!tpu.dma_semaphore, #tpu.memory_space<semaphore_mem>>) src(%dma_wait3A_181 : memref<4x4096xf32, #tpu.memory_space<hbm>>) dst(%arg6 : memref<4x4096xf32, #tpu.memory_space<vmem>>)
    %dma_wait3A_182 = arith.constant 0 : i32
    %dma_wait3A_183 = arith.constant 0 : i32
    %dma_wait3A_184 = arith.constant 0 : i32
    %dma_wait3A_185 = tpu.memref_slice %arg8[%dma_wait3A_182, %dma_wait3A_183, %dma_wait3A_184] : memref<4x4x2048xf32, #tpu.memory_space<vmem>> -> memref<1x4x2048xf32, #tpu.memory_space<vmem>>
    %dma_wait3A_186 = arith.constant 0 : i32
    %dma_wait3A_187 = arith.constant 0 : i32
    %dma_wait3A_188 = tpu.memref_slice %arg4[%dma_wait3A_186, %mul3A_2, %dma_wait3A_187] : memref<4x8192x2048xf32, #tpu.memory_space<hbm>> -> memref<1x4x2048xf32, #tpu.memory_space<hbm>>
    %dma_wait3A_189 = arith.constant 0 : i32
    %dma_wait3A_190 = arith.constant 0 : i32
    %dma_wait3A_191 = tpu.memref_slice %arg4[%dma_wait3A_189, %mul3A_2, %dma_wait3A_190] : memref<4x8192x2048xf32, #tpu.memory_space<hbm>> -> memref<1x4x2048xf32, #tpu.memory_space<hbm>>
    %dma_wait3A_192 = arith.constant 0 : i32
    %dma_wait3A_193 = arith.constant 0 : i32
    %dma_wait3A_194 = arith.constant 0 : i32
    %dma_wait3A_195 = tpu.memref_slice %arg8[%dma_wait3A_192, %dma_wait3A_193, %dma_wait3A_194] : memref<4x4x2048xf32, #tpu.memory_space<vmem>> -> memref<1x4x2048xf32, #tpu.memory_space<vmem>>
    tpu.wait_dma2 semaphore(%arg12 : memref<!tpu.dma_semaphore, #tpu.memory_space<semaphore_mem>>) src(%dma_wait3A_195 : memref<1x4x2048xf32, #tpu.memory_space<vmem>>) dst(%dma_wait3A_191 : memref<1x4x2048xf32, #tpu.memory_space<hbm>>)
    %dma_wait3A_196 = arith.constant 1 : i32
    %dma_wait3A_197 = arith.constant 0 : i32
    %dma_wait3A_198 = arith.constant 0 : i32
    %dma_wait3A_199 = tpu.memref_slice %arg8[%dma_wait3A_196, %dma_wait3A_197, %dma_wait3A_198] : memref<4x4x2048xf32, #tpu.memory_space<vmem>> -> memref<1x4x2048xf32, #tpu.memory_space<vmem>>
    %dma_wait3A_200 = arith.constant 0 : i32
    %dma_wait3A_201 = arith.constant 0 : i32
    %dma_wait3A_202 = tpu.memref_slice %arg4[%dma_wait3A_200, %mul3A_2, %dma_wait3A_201] : memref<4x8192x2048xf32, #tpu.memory_space<hbm>> -> memref<1x4x2048xf32, #tpu.memory_space<hbm>>
    %dma_wait3A_203 = arith.constant 0 : i32
    %dma_wait3A_204 = arith.constant 0 : i32
    %dma_wait3A_205 = tpu.memref_slice %arg4[%dma_wait3A_203, %mul3A_2, %dma_wait3A_204] : memref<4x8192x2048xf32, #tpu.memory_space<hbm>> -> memref<1x4x2048xf32, #tpu.memory_space<hbm>>
    %dma_wait3A_206 = arith.constant 1 : i32
    %dma_wait3A_207 = arith.constant 0 : i32
    %dma_wait3A_208 = arith.constant 0 : i32
    %dma_wait3A_209 = tpu.memref_slice %arg8[%dma_wait3A_206, %dma_wait3A_207, %dma_wait3A_208] : memref<4x4x2048xf32, #tpu.memory_space<vmem>> -> memref<1x4x2048xf32, #tpu.memory_space<vmem>>
    tpu.wait_dma2 semaphore(%arg12 : memref<!tpu.dma_semaphore, #tpu.memory_space<semaphore_mem>>) src(%dma_wait3A_209 : memref<1x4x2048xf32, #tpu.memory_space<vmem>>) dst(%dma_wait3A_205 : memref<1x4x2048xf32, #tpu.memory_space<hbm>>)
    %dma_wait3A_210 = arith.constant 2 : i32
    %dma_wait3A_211 = arith.constant 0 : i32
    %dma_wait3A_212 = arith.constant 0 : i32
    %dma_wait3A_213 = tpu.memref_slice %arg8[%dma_wait3A_210, %dma_wait3A_211, %dma_wait3A_212] : memref<4x4x2048xf32, #tpu.memory_space<vmem>> -> memref<1x4x2048xf32, #tpu.memory_space<vmem>>
    %dma_wait3A_214 = arith.constant 0 : i32
    %dma_wait3A_215 = arith.constant 0 : i32
    %dma_wait3A_216 = tpu.memref_slice %arg4[%dma_wait3A_214, %mul3A_2, %dma_wait3A_215] : memref<4x8192x2048xf32, #tpu.memory_space<hbm>> -> memref<1x4x2048xf32, #tpu.memory_space<hbm>>
    %dma_wait3A_217 = arith.constant 0 : i32
    %dma_wait3A_218 = arith.constant 0 : i32
    %dma_wait3A_219 = tpu.memref_slice %arg4[%dma_wait3A_217, %mul3A_2, %dma_wait3A_218] : memref<4x8192x2048xf32, #tpu.memory_space<hbm>> -> memref<1x4x2048xf32, #tpu.memory_space<hbm>>
    %dma_wait3A_220 = arith.constant 2 : i32
    %dma_wait3A_221 = arith.constant 0 : i32
    %dma_wait3A_222 = arith.constant 0 : i32
    %dma_wait3A_223 = tpu.memref_slice %arg8[%dma_wait3A_220, %dma_wait3A_221, %dma_wait3A_222] : memref<4x4x2048xf32, #tpu.memory_space<vmem>> -> memref<1x4x2048xf32, #tpu.memory_space<vmem>>
    tpu.wait_dma2 semaphore(%arg12 : memref<!tpu.dma_semaphore, #tpu.memory_space<semaphore_mem>>) src(%dma_wait3A_223 : memref<1x4x2048xf32, #tpu.memory_space<vmem>>) dst(%dma_wait3A_219 : memref<1x4x2048xf32, #tpu.memory_space<hbm>>)
    %dma_wait3A_224 = arith.constant 3 : i32
    %dma_wait3A_225 = arith.constant 0 : i32
    %dma_wait3A_226 = arith.constant 0 : i32
    %dma_wait3A_227 = tpu.memref_slice %arg8[%dma_wait3A_224, %dma_wait3A_225, %dma_wait3A_226] : memref<4x4x2048xf32, #tpu.memory_space<vmem>> -> memref<1x4x2048xf32, #tpu.memory_space<vmem>>
    %dma_wait3A_228 = arith.constant 0 : i32
    %dma_wait3A_229 = arith.constant 0 : i32
    %dma_wait3A_230 = tpu.memref_slice %arg4[%dma_wait3A_228, %mul3A_2, %dma_wait3A_229] : memref<4x8192x2048xf32, #tpu.memory_space<hbm>> -> memref<1x4x2048xf32, #tpu.memory_space<hbm>>
    %dma_wait3A_231 = arith.constant 0 : i32
    %dma_wait3A_232 = arith.constant 0 : i32
    %dma_wait3A_233 = tpu.memref_slice %arg4[%dma_wait3A_231, %mul3A_2, %dma_wait3A_232] : memref<4x8192x2048xf32, #tpu.memory_space<hbm>> -> memref<1x4x2048xf32, #tpu.memory_space<hbm>>
    %dma_wait3A_234 = arith.constant 3 : i32
    %dma_wait3A_235 = arith.constant 0 : i32
    %dma_wait3A_236 = arith.constant 0 : i32
    %dma_wait3A_237 = tpu.memref_slice %arg8[%dma_wait3A_234, %dma_wait3A_235, %dma_wait3A_236] : memref<4x4x2048xf32, #tpu.memory_space<vmem>> -> memref<1x4x2048xf32, #tpu.memory_space<vmem>>
    tpu.wait_dma2 semaphore(%arg12 : memref<!tpu.dma_semaphore, #tpu.memory_space<semaphore_mem>>) src(%dma_wait3A_237 : memref<1x4x2048xf32, #tpu.memory_space<vmem>>) dst(%dma_wait3A_233 : memref<1x4x2048xf32, #tpu.memory_space<hbm>>)
    %parallel_loop3A_238 = arith.constant 0 : i32
    %parallel_loop3A_239 = arith.constant 2048 : i32
    %parallel_loop3A_240 = arith.constant 16 : i32
    scf.for %parallel_loop3A_544 = %parallel_loop3A_238 to %parallel_loop3A_239 step %parallel_loop3A_240  : i32 {
      %parallel_loop3A_545 = arith.constant 0 : i32
      %parallel_loop3A_546 = arith.index_cast %parallel_loop3A_545 : i32 to index
      %parallel_loop3A_547 = arith.index_cast %parallel_loop3A_544 : i32 to index
      %parallel_loop3A_548 = tpu.vector_load %arg5[%parallel_loop3A_546, %parallel_loop3A_547] {strides = array<i32>} : memref<4x2048xi32, #tpu.memory_space<vmem>>, vector<16xi32>,
      %parallel_loop3A_549 = arith.constant 1 : i32
      %parallel_loop3A_550 = arith.index_cast %parallel_loop3A_549 : i32 to index
      %parallel_loop3A_551 = arith.index_cast %parallel_loop3A_544 : i32 to index
      %parallel_loop3A_552 = tpu.vector_load %arg5[%parallel_loop3A_550, %parallel_loop3A_551] {strides = array<i32>} : memref<4x2048xi32, #tpu.memory_space<vmem>>, vector<16xi32>,
      %parallel_loop3A_553 = arith.constant 2 : i32
      %parallel_loop3A_554 = arith.index_cast %parallel_loop3A_553 : i32 to index
      %parallel_loop3A_555 = arith.index_cast %parallel_loop3A_544 : i32 to index
      %parallel_loop3A_556 = tpu.vector_load %arg5[%parallel_loop3A_554, %parallel_loop3A_555] {strides = array<i32>} : memref<4x2048xi32, #tpu.memory_space<vmem>>, vector<16xi32>,
      %parallel_loop3A_557 = arith.constant 3 : i32
      %parallel_loop3A_558 = arith.index_cast %parallel_loop3A_557 : i32 to index
      %parallel_loop3A_559 = arith.index_cast %parallel_loop3A_544 : i32 to index
      %parallel_loop3A_560 = tpu.vector_load %arg5[%parallel_loop3A_558, %parallel_loop3A_559] {strides = array<i32>} : memref<4x2048xi32, #tpu.memory_space<vmem>>, vector<16xi32>,
      %parallel_loop3A_561 = tpu.vector_load_idx %arg6[%broadcast_in_dim3A_3, %parallel_loop3A_548] : memref<4x4096xf32, #tpu.memory_space<vmem>>[vector<16xi32>, vector<16xi32>], vector<16xf32>,
      %parallel_loop3A_562 = tpu.vector_load_idx %arg6[%broadcast_in_dim3A_5, %parallel_loop3A_548] : memref<4x4096xf32, #tpu.memory_space<vmem>>[vector<16xi32>, vector<16xi32>], vector<16xf32>,
      %parallel_loop3A_563 = tpu.vector_load_idx %arg6[%broadcast_in_dim3A_7, %parallel_loop3A_548] : memref<4x4096xf32, #tpu.memory_space<vmem>>[vector<16xi32>, vector<16xi32>], vector<16xf32>,
      %parallel_loop3A_564 = tpu.vector_load_idx %arg6[%broadcast_in_dim3A_9, %parallel_loop3A_548] : memref<4x4096xf32, #tpu.memory_space<vmem>>[vector<16xi32>, vector<16xi32>], vector<16xf32>,
      %parallel_loop3A_565 = tpu.vector_load_idx %arg6[%broadcast_in_dim3A_3, %parallel_loop3A_552] : memref<4x4096xf32, #tpu.memory_space<vmem>>[vector<16xi32>, vector<16xi32>], vector<16xf32>,
      %parallel_loop3A_566 = tpu.vector_load_idx %arg6[%broadcast_in_dim3A_5, %parallel_loop3A_552] : memref<4x4096xf32, #tpu.memory_space<vmem>>[vector<16xi32>, vector<16xi32>], vector<16xf32>,
      %parallel_loop3A_567 = tpu.vector_load_idx %arg6[%broadcast_in_dim3A_7, %parallel_loop3A_552] : memref<4x4096xf32, #tpu.memory_space<vmem>>[vector<16xi32>, vector<16xi32>], vector<16xf32>,
      %parallel_loop3A_568 = tpu.vector_load_idx %arg6[%broadcast_in_dim3A_9, %parallel_loop3A_552] : memref<4x4096xf32, #tpu.memory_space<vmem>>[vector<16xi32>, vector<16xi32>], vector<16xf32>,
      %parallel_loop3A_569 = tpu.vector_load_idx %arg6[%broadcast_in_dim3A_3, %parallel_loop3A_556] : memref<4x4096xf32, #tpu.memory_space<vmem>>[vector<16xi32>, vector<16xi32>], vector<16xf32>,
      %parallel_loop3A_570 = tpu.vector_load_idx %arg6[%broadcast_in_dim3A_5, %parallel_loop3A_556] : memref<4x4096xf32, #tpu.memory_space<vmem>>[vector<16xi32>, vector<16xi32>], vector<16xf32>,
      %parallel_loop3A_571 = tpu.vector_load_idx %arg6[%broadcast_in_dim3A_7, %parallel_loop3A_556] : memref<4x4096xf32, #tpu.memory_space<vmem>>[vector<16xi32>, vector<16xi32>], vector<16xf32>,
      %parallel_loop3A_572 = tpu.vector_load_idx %arg6[%broadcast_in_dim3A_9, %parallel_loop3A_556] : memref<4x4096xf32, #tpu.memory_space<vmem>>[vector<16xi32>, vector<16xi32>], vector<16xf32>,
      %parallel_loop3A_573 = tpu.vector_load_idx %arg6[%broadcast_in_dim3A_3, %parallel_loop3A_560] : memref<4x4096xf32, #tpu.memory_space<vmem>>[vector<16xi32>, vector<16xi32>], vector<16xf32>,
      %parallel_loop3A_574 = tpu.vector_load_idx %arg6[%broadcast_in_dim3A_5, %parallel_loop3A_560] : memref<4x4096xf32, #tpu.memory_space<vmem>>[vector<16xi32>, vector<16xi32>], vector<16xf32>,
      %parallel_loop3A_575 = tpu.vector_load_idx %arg6[%broadcast_in_dim3A_7, %parallel_loop3A_560] : memref<4x4096xf32, #tpu.memory_space<vmem>>[vector<16xi32>, vector<16xi32>], vector<16xf32>,
      %parallel_loop3A_576 = tpu.vector_load_idx %arg6[%broadcast_in_dim3A_9, %parallel_loop3A_560] : memref<4x4096xf32, #tpu.memory_space<vmem>>[vector<16xi32>, vector<16xi32>], vector<16xf32>,
      %parallel_loop3A_577 = arith.constant 0 : i32
      %parallel_loop3A_578 = arith.constant 0 : i32
      %parallel_loop3A_579 = arith.index_cast %parallel_loop3A_577 : i32 to index
      %parallel_loop3A_580 = arith.index_cast %parallel_loop3A_578 : i32 to index
      %parallel_loop3A_581 = arith.index_cast %parallel_loop3A_544 : i32 to index
      %parallel_loop3A_582 = tpu.vector_load %arg8[%parallel_loop3A_579, %parallel_loop3A_580, %parallel_loop3A_581] {strides = array<i32>} : memref<4x4x2048xf32, #tpu.memory_space<vmem>>, vector<16xf32>,
      tpu.vector_store %arg8[%parallel_loop3A_579, %parallel_loop3A_580, %parallel_loop3A_581], %parallel_loop3A_561 {strides = array<i32>} : memref<4x4x2048xf32, #tpu.memory_space<vmem>>, vector<16xf32>,
      %parallel_loop3A_583 = arith.constant 0 : i32
      %parallel_loop3A_584 = arith.constant 1 : i32
      %parallel_loop3A_585 = arith.index_cast %parallel_loop3A_583 : i32 to index
      %parallel_loop3A_586 = arith.index_cast %parallel_loop3A_584 : i32 to index
      %parallel_loop3A_587 = arith.index_cast %parallel_loop3A_544 : i32 to index
      %parallel_loop3A_588 = tpu.vector_load %arg8[%parallel_loop3A_585, %parallel_loop3A_586, %parallel_loop3A_587] {strides = array<i32>} : memref<4x4x2048xf32, #tpu.memory_space<vmem>>, vector<16xf32>,
      tpu.vector_store %arg8[%parallel_loop3A_585, %parallel_loop3A_586, %parallel_loop3A_587], %parallel_loop3A_562 {strides = array<i32>} : memref<4x4x2048xf32, #tpu.memory_space<vmem>>, vector<16xf32>,
      %parallel_loop3A_589 = arith.constant 0 : i32
      %parallel_loop3A_590 = arith.constant 2 : i32
      %parallel_loop3A_591 = arith.index_cast %parallel_loop3A_589 : i32 to index
      %parallel_loop3A_592 = arith.index_cast %parallel_loop3A_590 : i32 to index
      %parallel_loop3A_593 = arith.index_cast %parallel_loop3A_544 : i32 to index
      %parallel_loop3A_594 = tpu.vector_load %arg8[%parallel_loop3A_591, %parallel_loop3A_592, %parallel_loop3A_593] {strides = array<i32>} : memref<4x4x2048xf32, #tpu.memory_space<vmem>>, vector<16xf32>,
      tpu.vector_store %arg8[%parallel_loop3A_591, %parallel_loop3A_592, %parallel_loop3A_593], %parallel_loop3A_563 {strides = array<i32>} : memref<4x4x2048xf32, #tpu.memory_space<vmem>>, vector<16xf32>,
      %parallel_loop3A_595 = arith.constant 0 : i32
      %parallel_loop3A_596 = arith.constant 3 : i32
      %parallel_loop3A_597 = arith.index_cast %parallel_loop3A_595 : i32 to index
      %parallel_loop3A_598 = arith.index_cast %parallel_loop3A_596 : i32 to index
      %parallel_loop3A_599 = arith.index_cast %parallel_loop3A_544 : i32 to index
      %parallel_loop3A_600 = tpu.vector_load %arg8[%parallel_loop3A_597, %parallel_loop3A_598, %parallel_loop3A_599] {strides = array<i32>} : memref<4x4x2048xf32, #tpu.memory_space<vmem>>, vector<16xf32>,
      tpu.vector_store %arg8[%parallel_loop3A_597, %parallel_loop3A_598, %parallel_loop3A_599], %parallel_loop3A_564 {strides = array<i32>} : memref<4x4x2048xf32, #tpu.memory_space<vmem>>, vector<16xf32>,
      %parallel_loop3A_601 = arith.constant 1 : i32
      %parallel_loop3A_602 = arith.constant 0 : i32
      %parallel_loop3A_603 = arith.index_cast %parallel_loop3A_601 : i32 to index
      %parallel_loop3A_604 = arith.index_cast %parallel_loop3A_602 : i32 to index
      %parallel_loop3A_605 = arith.index_cast %parallel_loop3A_544 : i32 to index
      %parallel_loop3A_606 = tpu.vector_load %arg8[%parallel_loop3A_603, %parallel_loop3A_604, %parallel_loop3A_605] {strides = array<i32>} : memref<4x4x2048xf32, #tpu.memory_space<vmem>>, vector<16xf32>,
      tpu.vector_store %arg8[%parallel_loop3A_603, %parallel_loop3A_604, %parallel_loop3A_605], %parallel_loop3A_565 {strides = array<i32>} : memref<4x4x2048xf32, #tpu.memory_space<vmem>>, vector<16xf32>,
      %parallel_loop3A_607 = arith.constant 1 : i32
      %parallel_loop3A_608 = arith.constant 1 : i32
      %parallel_loop3A_609 = arith.index_cast %parallel_loop3A_607 : i32 to index
      %parallel_loop3A_610 = arith.index_cast %parallel_loop3A_608 : i32 to index
      %parallel_loop3A_611 = arith.index_cast %parallel_loop3A_544 : i32 to index
      %parallel_loop3A_612 = tpu.vector_load %arg8[%parallel_loop3A_609, %parallel_loop3A_610, %parallel_loop3A_611] {strides = array<i32>} : memref<4x4x2048xf32, #tpu.memory_space<vmem>>, vector<16xf32>,
      tpu.vector_store %arg8[%parallel_loop3A_609, %parallel_loop3A_610, %parallel_loop3A_611], %parallel_loop3A_566 {strides = array<i32>} : memref<4x4x2048xf32, #tpu.memory_space<vmem>>, vector<16xf32>,
      %parallel_loop3A_613 = arith.constant 1 : i32
      %parallel_loop3A_614 = arith.constant 2 : i32
      %parallel_loop3A_615 = arith.index_cast %parallel_loop3A_613 : i32 to index
      %parallel_loop3A_616 = arith.index_cast %parallel_loop3A_614 : i32 to index
      %parallel_loop3A_617 = arith.index_cast %parallel_loop3A_544 : i32 to index
      %parallel_loop3A_618 = tpu.vector_load %arg8[%parallel_loop3A_615, %parallel_loop3A_616, %parallel_loop3A_617] {strides = array<i32>} : memref<4x4x2048xf32, #tpu.memory_space<vmem>>, vector<16xf32>,
      tpu.vector_store %arg8[%parallel_loop3A_615, %parallel_loop3A_616, %parallel_loop3A_617], %parallel_loop3A_567 {strides = array<i32>} : memref<4x4x2048xf32, #tpu.memory_space<vmem>>, vector<16xf32>,
      %parallel_loop3A_619 = arith.constant 1 : i32
      %parallel_loop3A_620 = arith.constant 3 : i32
      %parallel_loop3A_621 = arith.index_cast %parallel_loop3A_619 : i32 to index
      %parallel_loop3A_622 = arith.index_cast %parallel_loop3A_620 : i32 to index
      %parallel_loop3A_623 = arith.index_cast %parallel_loop3A_544 : i32 to index
      %parallel_loop3A_624 = tpu.vector_load %arg8[%parallel_loop3A_621, %parallel_loop3A_622, %parallel_loop3A_623] {strides = array<i32>} : memref<4x4x2048xf32, #tpu.memory_space<vmem>>, vector<16xf32>,
      tpu.vector_store %arg8[%parallel_loop3A_621, %parallel_loop3A_622, %parallel_loop3A_623], %parallel_loop3A_568 {strides = array<i32>} : memref<4x4x2048xf32, #tpu.memory_space<vmem>>, vector<16xf32>,
      %parallel_loop3A_625 = arith.constant 2 : i32
      %parallel_loop3A_626 = arith.constant 0 : i32
      %parallel_loop3A_627 = arith.index_cast %parallel_loop3A_625 : i32 to index
      %parallel_loop3A_628 = arith.index_cast %parallel_loop3A_626 : i32 to index
      %parallel_loop3A_629 = arith.index_cast %parallel_loop3A_544 : i32 to index
      %parallel_loop3A_630 = tpu.vector_load %arg8[%parallel_loop3A_627, %parallel_loop3A_628, %parallel_loop3A_629] {strides = array<i32>} : memref<4x4x2048xf32, #tpu.memory_space<vmem>>, vector<16xf32>,
      tpu.vector_store %arg8[%parallel_loop3A_627, %parallel_loop3A_628, %parallel_loop3A_629], %parallel_loop3A_569 {strides = array<i32>} : memref<4x4x2048xf32, #tpu.memory_space<vmem>>, vector<16xf32>,
      %parallel_loop3A_631 = arith.constant 2 : i32
      %parallel_loop3A_632 = arith.constant 1 : i32
      %parallel_loop3A_633 = arith.index_cast %parallel_loop3A_631 : i32 to index
      %parallel_loop3A_634 = arith.index_cast %parallel_loop3A_632 : i32 to index
      %parallel_loop3A_635 = arith.index_cast %parallel_loop3A_544 : i32 to index
      %parallel_loop3A_636 = tpu.vector_load %arg8[%parallel_loop3A_633, %parallel_loop3A_634, %parallel_loop3A_635] {strides = array<i32>} : memref<4x4x2048xf32, #tpu.memory_space<vmem>>, vector<16xf32>,
      tpu.vector_store %arg8[%parallel_loop3A_633, %parallel_loop3A_634, %parallel_loop3A_635], %parallel_loop3A_570 {strides = array<i32>} : memref<4x4x2048xf32, #tpu.memory_space<vmem>>, vector<16xf32>,
      %parallel_loop3A_637 = arith.constant 2 : i32
      %parallel_loop3A_638 = arith.constant 2 : i32
      %parallel_loop3A_639 = arith.index_cast %parallel_loop3A_637 : i32 to index
      %parallel_loop3A_640 = arith.index_cast %parallel_loop3A_638 : i32 to index
      %parallel_loop3A_641 = arith.index_cast %parallel_loop3A_544 : i32 to index
      %parallel_loop3A_642 = tpu.vector_load %arg8[%parallel_loop3A_639, %parallel_loop3A_640, %parallel_loop3A_641] {strides = array<i32>} : memref<4x4x2048xf32, #tpu.memory_space<vmem>>, vector<16xf32>,
      tpu.vector_store %arg8[%parallel_loop3A_639, %parallel_loop3A_640, %parallel_loop3A_641], %parallel_loop3A_571 {strides = array<i32>} : memref<4x4x2048xf32, #tpu.memory_space<vmem>>, vector<16xf32>,
      %parallel_loop3A_643 = arith.constant 2 : i32
      %parallel_loop3A_644 = arith.constant 3 : i32
      %parallel_loop3A_645 = arith.index_cast %parallel_loop3A_643 : i32 to index
      %parallel_loop3A_646 = arith.index_cast %parallel_loop3A_644 : i32 to index
      %parallel_loop3A_647 = arith.index_cast %parallel_loop3A_544 : i32 to index
      %parallel_loop3A_648 = tpu.vector_load %arg8[%parallel_loop3A_645, %parallel_loop3A_646, %parallel_loop3A_647] {strides = array<i32>} : memref<4x4x2048xf32, #tpu.memory_space<vmem>>, vector<16xf32>,
      tpu.vector_store %arg8[%parallel_loop3A_645, %parallel_loop3A_646, %parallel_loop3A_647], %parallel_loop3A_572 {strides = array<i32>} : memref<4x4x2048xf32, #tpu.memory_space<vmem>>, vector<16xf32>,
      %parallel_loop3A_649 = arith.constant 3 : i32
      %parallel_loop3A_650 = arith.constant 0 : i32
      %parallel_loop3A_651 = arith.index_cast %parallel_loop3A_649 : i32 to index
      %parallel_loop3A_652 = arith.index_cast %parallel_loop3A_650 : i32 to index
      %parallel_loop3A_653 = arith.index_cast %parallel_loop3A_544 : i32 to index
      %parallel_loop3A_654 = tpu.vector_load %arg8[%parallel_loop3A_651, %parallel_loop3A_652, %parallel_loop3A_653] {strides = array<i32>} : memref<4x4x2048xf32, #tpu.memory_space<vmem>>, vector<16xf32>,
      tpu.vector_store %arg8[%parallel_loop3A_651, %parallel_loop3A_652, %parallel_loop3A_653], %parallel_loop3A_573 {strides = array<i32>} : memref<4x4x2048xf32, #tpu.memory_space<vmem>>, vector<16xf32>,
      %parallel_loop3A_655 = arith.constant 3 : i32
      %parallel_loop3A_656 = arith.constant 1 : i32
      %parallel_loop3A_657 = arith.index_cast %parallel_loop3A_655 : i32 to index
      %parallel_loop3A_658 = arith.index_cast %parallel_loop3A_656 : i32 to index
      %parallel_loop3A_659 = arith.index_cast %parallel_loop3A_544 : i32 to index
      %parallel_loop3A_660 = tpu.vector_load %arg8[%parallel_loop3A_657, %parallel_loop3A_658, %parallel_loop3A_659] {strides = array<i32>} : memref<4x4x2048xf32, #tpu.memory_space<vmem>>, vector<16xf32>,
      tpu.vector_store %arg8[%parallel_loop3A_657, %parallel_loop3A_658, %parallel_loop3A_659], %parallel_loop3A_574 {strides = array<i32>} : memref<4x4x2048xf32, #tpu.memory_space<vmem>>, vector<16xf32>,
      %parallel_loop3A_661 = arith.constant 3 : i32
      %parallel_loop3A_662 = arith.constant 2 : i32
      %parallel_loop3A_663 = arith.index_cast %parallel_loop3A_661 : i32 to index
      %parallel_loop3A_664 = arith.index_cast %parallel_loop3A_662 : i32 to index
      %parallel_loop3A_665 = arith.index_cast %parallel_loop3A_544 : i32 to index
      %parallel_loop3A_666 = tpu.vector_load %arg8[%parallel_loop3A_663, %parallel_loop3A_664, %parallel_loop3A_665] {strides = array<i32>} : memref<4x4x2048xf32, #tpu.memory_space<vmem>>, vector<16xf32>,
      tpu.vector_store %arg8[%parallel_loop3A_663, %parallel_loop3A_664, %parallel_loop3A_665], %parallel_loop3A_575 {strides = array<i32>} : memref<4x4x2048xf32, #tpu.memory_space<vmem>>, vector<16xf32>,
      %parallel_loop3A_667 = arith.constant 3 : i32
      %parallel_loop3A_668 = arith.constant 3 : i32
      %parallel_loop3A_669 = arith.index_cast %parallel_loop3A_667 : i32 to index
      %parallel_loop3A_670 = arith.index_cast %parallel_loop3A_668 : i32 to index
      %parallel_loop3A_671 = arith.index_cast %parallel_loop3A_544 : i32 to index
      %parallel_loop3A_672 = tpu.vector_load %arg8[%parallel_loop3A_669, %parallel_loop3A_670, %parallel_loop3A_671] {strides = array<i32>} : memref<4x4x2048xf32, #tpu.memory_space<vmem>>, vector<16xf32>,
      tpu.vector_store %arg8[%parallel_loop3A_669, %parallel_loop3A_670, %parallel_loop3A_671], %parallel_loop3A_576 {strides = array<i32>} : memref<4x4x2048xf32, #tpu.memory_space<vmem>>, vector<16xf32>,
    } {sc.loop_unroll_factor = 2 : i64, sc.parallel_access}
    %add3A_241 = arith.constant 248 : i32
    %add3A_242 = arith.addi %mul3A_2, %add3A_241 : i32
    %dma_start3A_243 = arith.constant 0 : i32
    %dma_start3A_244 = arith.constant 0 : i32
    %dma_start3A_245 = arith.constant 0 : i32
    %dma_start3A_246 = tpu.memref_slice %arg8[%dma_start3A_243, %dma_start3A_244, %dma_start3A_245] : memref<4x4x2048xf32, #tpu.memory_space<vmem>> -> memref<1x4x2048xf32, #tpu.memory_space<vmem>>
    %dma_start3A_247 = arith.constant 0 : i32
    %dma_start3A_248 = arith.constant 0 : i32
    %dma_start3A_249 = tpu.memref_slice %arg4[%dma_start3A_247, %add3A_242, %dma_start3A_248] : memref<4x8192x2048xf32, #tpu.memory_space<hbm>> -> memref<1x4x2048xf32, #tpu.memory_space<hbm>>
    %dma_start3A_250 = arith.constant 0 : i32
    %dma_start3A_251 = arith.constant 0 : i32
    %dma_start3A_252 = tpu.memref_slice %arg4[%dma_start3A_250, %add3A_242, %dma_start3A_251] : memref<4x8192x2048xf32, #tpu.memory_space<hbm>> -> memref<1x4x2048xf32, #tpu.memory_space<hbm>>
    %dma_start3A_253 = arith.constant 0 : i32
    %dma_start3A_254 = arith.constant 0 : i32
    %dma_start3A_255 = arith.constant 0 : i32
    %dma_start3A_256 = tpu.memref_slice %arg8[%dma_start3A_253, %dma_start3A_254, %dma_start3A_255] : memref<4x4x2048xf32, #tpu.memory_space<vmem>> -> memref<1x4x2048xf32, #tpu.memory_space<vmem>>
    tpu.enqueue_dma source(%dma_start3A_256 : memref<1x4x2048xf32, #tpu.memory_space<vmem>>) target(%dma_start3A_252 : memref<1x4x2048xf32, #tpu.memory_space<hbm>>) target_semaphore(%arg12 : memref<!tpu.dma_semaphore, #tpu.memory_space<semaphore_mem>>)
    %add3A_257 = arith.constant 248 : i32
    %add3A_258 = arith.addi %mul3A_2, %add3A_257 : i32
    %dma_start3A_259 = arith.constant 1 : i32
    %dma_start3A_260 = arith.constant 0 : i32
    %dma_start3A_261 = arith.constant 0 : i32
    %dma_start3A_262 = tpu.memref_slice %arg8[%dma_start3A_259, %dma_start3A_260, %dma_start3A_261] : memref<4x4x2048xf32, #tpu.memory_space<vmem>> -> memref<1x4x2048xf32, #tpu.memory_space<vmem>>
    %dma_start3A_263 = arith.constant 1 : i32
    %dma_start3A_264 = arith.constant 0 : i32
    %dma_start3A_265 = tpu.memref_slice %arg4[%dma_start3A_263, %add3A_258, %dma_start3A_264] : memref<4x8192x2048xf32, #tpu.memory_space<hbm>> -> memref<1x4x2048xf32, #tpu.memory_space<hbm>>
    %dma_start3A_266 = arith.constant 1 : i32
    %dma_start3A_267 = arith.constant 0 : i32
    %dma_start3A_268 = tpu.memref_slice %arg4[%dma_start3A_266, %add3A_258, %dma_start3A_267] : memref<4x8192x2048xf32, #tpu.memory_space<hbm>> -> memref<1x4x2048xf32, #tpu.memory_space<hbm>>
    %dma_start3A_269 = arith.constant 1 : i32
    %dma_start3A_270 = arith.constant 0 : i32
    %dma_start3A_271 = arith.constant 0 : i32
    %dma_start3A_272 = tpu.memref_slice %arg8[%dma_start3A_269, %dma_start3A_270, %dma_start3A_271] : memref<4x4x2048xf32, #tpu.memory_space<vmem>> -> memref<1x4x2048xf32, #tpu.memory_space<vmem>>
    tpu.enqueue_dma source(%dma_start3A_272 : memref<1x4x2048xf32, #tpu.memory_space<vmem>>) target(%dma_start3A_268 : memref<1x4x2048xf32, #tpu.memory_space<hbm>>) target_semaphore(%arg12 : memref<!tpu.dma_semaphore, #tpu.memory_space<semaphore_mem>>)
    %add3A_273 = arith.constant 248 : i32
    %add3A_274 = arith.addi %mul3A_2, %add3A_273 : i32
    %dma_start3A_275 = arith.constant 2 : i32
    %dma_start3A_276 = arith.constant 0 : i32
    %dma_start3A_277 = arith.constant 0 : i32
    %dma_start3A_278 = tpu.memref_slice %arg8[%dma_start3A_275, %dma_start3A_276, %dma_start3A_277] : memref<4x4x2048xf32, #tpu.memory_space<vmem>> -> memref<1x4x2048xf32, #tpu.memory_space<vmem>>
    %dma_start3A_279 = arith.constant 2 : i32
    %dma_start3A_280 = arith.constant 0 : i32
    %dma_start3A_281 = tpu.memref_slice %arg4[%dma_start3A_279, %add3A_274, %dma_start3A_280] : memref<4x8192x2048xf32, #tpu.memory_space<hbm>> -> memref<1x4x2048xf32, #tpu.memory_space<hbm>>
    %dma_start3A_282 = arith.constant 2 : i32
    %dma_start3A_283 = arith.constant 0 : i32
    %dma_start3A_284 = tpu.memref_slice %arg4[%dma_start3A_282, %add3A_274, %dma_start3A_283] : memref<4x8192x2048xf32, #tpu.memory_space<hbm>> -> memref<1x4x2048xf32, #tpu.memory_space<hbm>>
    %dma_start3A_285 = arith.constant 2 : i32
    %dma_start3A_286 = arith.constant 0 : i32
    %dma_start3A_287 = arith.constant 0 : i32
    %dma_start3A_288 = tpu.memref_slice %arg8[%dma_start3A_285, %dma_start3A_286, %dma_start3A_287] : memref<4x4x2048xf32, #tpu.memory_space<vmem>> -> memref<1x4x2048xf32, #tpu.memory_space<vmem>>
    tpu.enqueue_dma source(%dma_start3A_288 : memref<1x4x2048xf32, #tpu.memory_space<vmem>>) target(%dma_start3A_284 : memref<1x4x2048xf32, #tpu.memory_space<hbm>>) target_semaphore(%arg12 : memref<!tpu.dma_semaphore, #tpu.memory_space<semaphore_mem>>)
    %add3A_289 = arith.constant 248 : i32
    %add3A_290 = arith.addi %mul3A_2, %add3A_289 : i32
    %dma_start3A_291 = arith.constant 3 : i32
    %dma_start3A_292 = arith.constant 0 : i32
    %dma_start3A_293 = arith.constant 0 : i32
    %dma_start3A_294 = tpu.memref_slice %arg8[%dma_start3A_291, %dma_start3A_292, %dma_start3A_293] : memref<4x4x2048xf32, #tpu.memory_space<vmem>> -> memref<1x4x2048xf32, #tpu.memory_space<vmem>>
    %dma_start3A_295 = arith.constant 3 : i32
    %dma_start3A_296 = arith.constant 0 : i32
    %dma_start3A_297 = tpu.memref_slice %arg4[%dma_start3A_295, %add3A_290, %dma_start3A_296] : memref<4x8192x2048xf32, #tpu.memory_space<hbm>> -> memref<1x4x2048xf32, #tpu.memory_space<hbm>>
    %dma_start3A_298 = arith.constant 3 : i32
    %dma_start3A_299 = arith.constant 0 : i32
    %dma_start3A_300 = tpu.memref_slice %arg4[%dma_start3A_298, %add3A_290, %dma_start3A_299] : memref<4x8192x2048xf32, #tpu.memory_space<hbm>> -> memref<1x4x2048xf32, #tpu.memory_space<hbm>>
    %dma_start3A_301 = arith.constant 3 : i32
    %dma_start3A_302 = arith.constant 0 : i32
    %dma_start3A_303 = arith.constant 0 : i32
    %dma_start3A_304 = tpu.memref_slice %arg8[%dma_start3A_301, %dma_start3A_302, %dma_start3A_303] : memref<4x4x2048xf32, #tpu.memory_space<vmem>> -> memref<1x4x2048xf32, #tpu.memory_space<vmem>>
    tpu.enqueue_dma source(%dma_start3A_304 : memref<1x4x2048xf32, #tpu.memory_space<vmem>>) target(%dma_start3A_300 : memref<1x4x2048xf32, #tpu.memory_space<hbm>>) target_semaphore(%arg12 : memref<!tpu.dma_semaphore, #tpu.memory_space<semaphore_mem>>)
    %dma_wait3A_305 = arith.constant 0 : i32
    %dma_wait3A_306 = tpu.memref_slice %arg2[%mul3A_2, %dma_wait3A_305] : memref<8192x4096xf32, #tpu.memory_space<hbm>> -> memref<4x4096xf32, #tpu.memory_space<hbm>>
    %dma_wait3A_307 = arith.constant 0 : i32
    %dma_wait3A_308 = tpu.memref_slice %arg2[%mul3A_2, %dma_wait3A_307] : memref<8192x4096xf32, #tpu.memory_space<hbm>> -> memref<4x4096xf32, #tpu.memory_space<hbm>>
    tpu.wait_dma2 semaphore(%arg11 : memref<!tpu.dma_semaphore, #tpu.memory_space<semaphore_mem>>) src(%dma_wait3A_308 : memref<4x4096xf32, #tpu.memory_space<hbm>>) dst(%arg7 : memref<4x4096xf32, #tpu.memory_space<vmem>>)
    %dma_wait3A_309 = arith.constant 0 : i32
    %dma_wait3A_310 = arith.constant 0 : i32
    %dma_wait3A_311 = arith.constant 0 : i32
    %dma_wait3A_312 = tpu.memref_slice %arg9[%dma_wait3A_309, %dma_wait3A_310, %dma_wait3A_311] : memref<4x4x2048xf32, #tpu.memory_space<vmem>> -> memref<1x4x2048xf32, #tpu.memory_space<vmem>>
    %dma_wait3A_313 = arith.constant 0 : i32
    %dma_wait3A_314 = arith.constant 0 : i32
    %dma_wait3A_315 = tpu.memref_slice %arg4[%dma_wait3A_313, %mul3A_2, %dma_wait3A_314] : memref<4x8192x2048xf32, #tpu.memory_space<hbm>> -> memref<1x4x2048xf32, #tpu.memory_space<hbm>>
    %dma_wait3A_316 = arith.constant 0 : i32
    %dma_wait3A_317 = arith.constant 0 : i32
    %dma_wait3A_318 = tpu.memref_slice %arg4[%dma_wait3A_316, %mul3A_2, %dma_wait3A_317] : memref<4x8192x2048xf32, #tpu.memory_space<hbm>> -> memref<1x4x2048xf32, #tpu.memory_space<hbm>>
    %dma_wait3A_319 = arith.constant 0 : i32
    %dma_wait3A_320 = arith.constant 0 : i32
    %dma_wait3A_321 = arith.constant 0 : i32
    %dma_wait3A_322 = tpu.memref_slice %arg9[%dma_wait3A_319, %dma_wait3A_320, %dma_wait3A_321] : memref<4x4x2048xf32, #tpu.memory_space<vmem>> -> memref<1x4x2048xf32, #tpu.memory_space<vmem>>
    tpu.wait_dma2 semaphore(%arg13 : memref<!tpu.dma_semaphore, #tpu.memory_space<semaphore_mem>>) src(%dma_wait3A_322 : memref<1x4x2048xf32, #tpu.memory_space<vmem>>) dst(%dma_wait3A_318 : memref<1x4x2048xf32, #tpu.memory_space<hbm>>)
    %dma_wait3A_323 = arith.constant 1 : i32
    %dma_wait3A_324 = arith.constant 0 : i32
    %dma_wait3A_325 = arith.constant 0 : i32
    %dma_wait3A_326 = tpu.memref_slice %arg9[%dma_wait3A_323, %dma_wait3A_324, %dma_wait3A_325] : memref<4x4x2048xf32, #tpu.memory_space<vmem>> -> memref<1x4x2048xf32, #tpu.memory_space<vmem>>
    %dma_wait3A_327 = arith.constant 0 : i32
    %dma_wait3A_328 = arith.constant 0 : i32
    %dma_wait3A_329 = tpu.memref_slice %arg4[%dma_wait3A_327, %mul3A_2, %dma_wait3A_328] : memref<4x8192x2048xf32, #tpu.memory_space<hbm>> -> memref<1x4x2048xf32, #tpu.memory_space<hbm>>
    %dma_wait3A_330 = arith.constant 0 : i32
    %dma_wait3A_331 = arith.constant 0 : i32
    %dma_wait3A_332 = tpu.memref_slice %arg4[%dma_wait3A_330, %mul3A_2, %dma_wait3A_331] : memref<4x8192x2048xf32, #tpu.memory_space<hbm>> -> memref<1x4x2048xf32, #tpu.memory_space<hbm>>
    %dma_wait3A_333 = arith.constant 1 : i32
    %dma_wait3A_334 = arith.constant 0 : i32
    %dma_wait3A_335 = arith.constant 0 : i32
    %dma_wait3A_336 = tpu.memref_slice %arg9[%dma_wait3A_333, %dma_wait3A_334, %dma_wait3A_335] : memref<4x4x2048xf32, #tpu.memory_space<vmem>> -> memref<1x4x2048xf32, #tpu.memory_space<vmem>>
    tpu.wait_dma2 semaphore(%arg13 : memref<!tpu.dma_semaphore, #tpu.memory_space<semaphore_mem>>) src(%dma_wait3A_336 : memref<1x4x2048xf32, #tpu.memory_space<vmem>>) dst(%dma_wait3A_332 : memref<1x4x2048xf32, #tpu.memory_space<hbm>>)
    %dma_wait3A_337 = arith.constant 2 : i32
    %dma_wait3A_338 = arith.constant 0 : i32
    %dma_wait3A_339 = arith.constant 0 : i32
    %dma_wait3A_340 = tpu.memref_slice %arg9[%dma_wait3A_337, %dma_wait3A_338, %dma_wait3A_339] : memref<4x4x2048xf32, #tpu.memory_space<vmem>> -> memref<1x4x2048xf32, #tpu.memory_space<vmem>>
    %dma_wait3A_341 = arith.constant 0 : i32
    %dma_wait3A_342 = arith.constant 0 : i32
    %dma_wait3A_343 = tpu.memref_slice %arg4[%dma_wait3A_341, %mul3A_2, %dma_wait3A_342] : memref<4x8192x2048xf32, #tpu.memory_space<hbm>> -> memref<1x4x2048xf32, #tpu.memory_space<hbm>>
    %dma_wait3A_344 = arith.constant 0 : i32
    %dma_wait3A_345 = arith.constant 0 : i32
    %dma_wait3A_346 = tpu.memref_slice %arg4[%dma_wait3A_344, %mul3A_2, %dma_wait3A_345] : memref<4x8192x2048xf32, #tpu.memory_space<hbm>> -> memref<1x4x2048xf32, #tpu.memory_space<hbm>>
    %dma_wait3A_347 = arith.constant 2 : i32
    %dma_wait3A_348 = arith.constant 0 : i32
    %dma_wait3A_349 = arith.constant 0 : i32
    %dma_wait3A_350 = tpu.memref_slice %arg9[%dma_wait3A_347, %dma_wait3A_348, %dma_wait3A_349] : memref<4x4x2048xf32, #tpu.memory_space<vmem>> -> memref<1x4x2048xf32, #tpu.memory_space<vmem>>
    tpu.wait_dma2 semaphore(%arg13 : memref<!tpu.dma_semaphore, #tpu.memory_space<semaphore_mem>>) src(%dma_wait3A_350 : memref<1x4x2048xf32, #tpu.memory_space<vmem>>) dst(%dma_wait3A_346 : memref<1x4x2048xf32, #tpu.memory_space<hbm>>)
    %dma_wait3A_351 = arith.constant 3 : i32
    %dma_wait3A_352 = arith.constant 0 : i32
    %dma_wait3A_353 = arith.constant 0 : i32
    %dma_wait3A_354 = tpu.memref_slice %arg9[%dma_wait3A_351, %dma_wait3A_352, %dma_wait3A_353] : memref<4x4x2048xf32, #tpu.memory_space<vmem>> -> memref<1x4x2048xf32, #tpu.memory_space<vmem>>
    %dma_wait3A_355 = arith.constant 0 : i32
    %dma_wait3A_356 = arith.constant 0 : i32
    %dma_wait3A_357 = tpu.memref_slice %arg4[%dma_wait3A_355, %mul3A_2, %dma_wait3A_356] : memref<4x8192x2048xf32, #tpu.memory_space<hbm>> -> memref<1x4x2048xf32, #tpu.memory_space<hbm>>
    %dma_wait3A_358 = arith.constant 0 : i32
    %dma_wait3A_359 = arith.constant 0 : i32
    %dma_wait3A_360 = tpu.memref_slice %arg4[%dma_wait3A_358, %mul3A_2, %dma_wait3A_359] : memref<4x8192x2048xf32, #tpu.memory_space<hbm>> -> memref<1x4x2048xf32, #tpu.memory_space<hbm>>
    %dma_wait3A_361 = arith.constant 3 : i32
    %dma_wait3A_362 = arith.constant 0 : i32
    %dma_wait3A_363 = arith.constant 0 : i32
    %dma_wait3A_364 = tpu.memref_slice %arg9[%dma_wait3A_361, %dma_wait3A_362, %dma_wait3A_363] : memref<4x4x2048xf32, #tpu.memory_space<vmem>> -> memref<1x4x2048xf32, #tpu.memory_space<vmem>>
    tpu.wait_dma2 semaphore(%arg13 : memref<!tpu.dma_semaphore, #tpu.memory_space<semaphore_mem>>) src(%dma_wait3A_364 : memref<1x4x2048xf32, #tpu.memory_space<vmem>>) dst(%dma_wait3A_360 : memref<1x4x2048xf32, #tpu.memory_space<hbm>>)
    %parallel_loop3A_365 = arith.constant 0 : i32
    %parallel_loop3A_366 = arith.constant 2048 : i32
    %parallel_loop3A_367 = arith.constant 16 : i32
    scf.for %parallel_loop3A_544 = %parallel_loop3A_365 to %parallel_loop3A_366 step %parallel_loop3A_367  : i32 {
      %parallel_loop3A_545 = arith.constant 0 : i32
      %parallel_loop3A_546 = arith.index_cast %parallel_loop3A_545 : i32 to index
      %parallel_loop3A_547 = arith.index_cast %parallel_loop3A_544 : i32 to index
      %parallel_loop3A_548 = tpu.vector_load %arg5[%parallel_loop3A_546, %parallel_loop3A_547] {strides = array<i32>} : memref<4x2048xi32, #tpu.memory_space<vmem>>, vector<16xi32>,
      %parallel_loop3A_549 = arith.constant 1 : i32
      %parallel_loop3A_550 = arith.index_cast %parallel_loop3A_549 : i32 to index
      %parallel_loop3A_551 = arith.index_cast %parallel_loop3A_544 : i32 to index
      %parallel_loop3A_552 = tpu.vector_load %arg5[%parallel_loop3A_550, %parallel_loop3A_551] {strides = array<i32>} : memref<4x2048xi32, #tpu.memory_space<vmem>>, vector<16xi32>,
      %parallel_loop3A_553 = arith.constant 2 : i32
      %parallel_loop3A_554 = arith.index_cast %parallel_loop3A_553 : i32 to index
      %parallel_loop3A_555 = arith.index_cast %parallel_loop3A_544 : i32 to index
      %parallel_loop3A_556 = tpu.vector_load %arg5[%parallel_loop3A_554, %parallel_loop3A_555] {strides = array<i32>} : memref<4x2048xi32, #tpu.memory_space<vmem>>, vector<16xi32>,
      %parallel_loop3A_557 = arith.constant 3 : i32
      %parallel_loop3A_558 = arith.index_cast %parallel_loop3A_557 : i32 to index
      %parallel_loop3A_559 = arith.index_cast %parallel_loop3A_544 : i32 to index
      %parallel_loop3A_560 = tpu.vector_load %arg5[%parallel_loop3A_558, %parallel_loop3A_559] {strides = array<i32>} : memref<4x2048xi32, #tpu.memory_space<vmem>>, vector<16xi32>,
      %parallel_loop3A_561 = tpu.vector_load_idx %arg7[%broadcast_in_dim3A_3, %parallel_loop3A_548] : memref<4x4096xf32, #tpu.memory_space<vmem>>[vector<16xi32>, vector<16xi32>], vector<16xf32>,
      %parallel_loop3A_562 = tpu.vector_load_idx %arg7[%broadcast_in_dim3A_5, %parallel_loop3A_548] : memref<4x4096xf32, #tpu.memory_space<vmem>>[vector<16xi32>, vector<16xi32>], vector<16xf32>,
      %parallel_loop3A_563 = tpu.vector_load_idx %arg7[%broadcast_in_dim3A_7, %parallel_loop3A_548] : memref<4x4096xf32, #tpu.memory_space<vmem>>[vector<16xi32>, vector<16xi32>], vector<16xf32>,
      %parallel_loop3A_564 = tpu.vector_load_idx %arg7[%broadcast_in_dim3A_9, %parallel_loop3A_548] : memref<4x4096xf32, #tpu.memory_space<vmem>>[vector<16xi32>, vector<16xi32>], vector<16xf32>,
      %parallel_loop3A_565 = tpu.vector_load_idx %arg7[%broadcast_in_dim3A_3, %parallel_loop3A_552] : memref<4x4096xf32, #tpu.memory_space<vmem>>[vector<16xi32>, vector<16xi32>], vector<16xf32>,
      %parallel_loop3A_566 = tpu.vector_load_idx %arg7[%broadcast_in_dim3A_5, %parallel_loop3A_552] : memref<4x4096xf32, #tpu.memory_space<vmem>>[vector<16xi32>, vector<16xi32>], vector<16xf32>,
      %parallel_loop3A_567 = tpu.vector_load_idx %arg7[%broadcast_in_dim3A_7, %parallel_loop3A_552] : memref<4x4096xf32, #tpu.memory_space<vmem>>[vector<16xi32>, vector<16xi32>], vector<16xf32>,
      %parallel_loop3A_568 = tpu.vector_load_idx %arg7[%broadcast_in_dim3A_9, %parallel_loop3A_552] : memref<4x4096xf32, #tpu.memory_space<vmem>>[vector<16xi32>, vector<16xi32>], vector<16xf32>,
      %parallel_loop3A_569 = tpu.vector_load_idx %arg7[%broadcast_in_dim3A_3, %parallel_loop3A_556] : memref<4x4096xf32, #tpu.memory_space<vmem>>[vector<16xi32>, vector<16xi32>], vector<16xf32>,
      %parallel_loop3A_570 = tpu.vector_load_idx %arg7[%broadcast_in_dim3A_5, %parallel_loop3A_556] : memref<4x4096xf32, #tpu.memory_space<vmem>>[vector<16xi32>, vector<16xi32>], vector<16xf32>,
      %parallel_loop3A_571 = tpu.vector_load_idx %arg7[%broadcast_in_dim3A_7, %parallel_loop3A_556] : memref<4x4096xf32, #tpu.memory_space<vmem>>[vector<16xi32>, vector<16xi32>], vector<16xf32>,
      %parallel_loop3A_572 = tpu.vector_load_idx %arg7[%broadcast_in_dim3A_9, %parallel_loop3A_556] : memref<4x4096xf32, #tpu.memory_space<vmem>>[vector<16xi32>, vector<16xi32>], vector<16xf32>,
      %parallel_loop3A_573 = tpu.vector_load_idx %arg7[%broadcast_in_dim3A_3, %parallel_loop3A_560] : memref<4x4096xf32, #tpu.memory_space<vmem>>[vector<16xi32>, vector<16xi32>], vector<16xf32>,
      %parallel_loop3A_574 = tpu.vector_load_idx %arg7[%broadcast_in_dim3A_5, %parallel_loop3A_560] : memref<4x4096xf32, #tpu.memory_space<vmem>>[vector<16xi32>, vector<16xi32>], vector<16xf32>,
      %parallel_loop3A_575 = tpu.vector_load_idx %arg7[%broadcast_in_dim3A_7, %parallel_loop3A_560] : memref<4x4096xf32, #tpu.memory_space<vmem>>[vector<16xi32>, vector<16xi32>], vector<16xf32>,
      %parallel_loop3A_576 = tpu.vector_load_idx %arg7[%broadcast_in_dim3A_9, %parallel_loop3A_560] : memref<4x4096xf32, #tpu.memory_space<vmem>>[vector<16xi32>, vector<16xi32>], vector<16xf32>,
      %parallel_loop3A_577 = arith.constant 0 : i32
      %parallel_loop3A_578 = arith.constant 0 : i32
      %parallel_loop3A_579 = arith.index_cast %parallel_loop3A_577 : i32 to index
      %parallel_loop3A_580 = arith.index_cast %parallel_loop3A_578 : i32 to index
      %parallel_loop3A_581 = arith.index_cast %parallel_loop3A_544 : i32 to index
      %parallel_loop3A_582 = tpu.vector_load %arg9[%parallel_loop3A_579, %parallel_loop3A_580, %parallel_loop3A_581] {strides = array<i32>} : memref<4x4x2048xf32, #tpu.memory_space<vmem>>, vector<16xf32>,
      tpu.vector_store %arg9[%parallel_loop3A_579, %parallel_loop3A_580, %parallel_loop3A_581], %parallel_loop3A_561 {strides = array<i32>} : memref<4x4x2048xf32, #tpu.memory_space<vmem>>, vector<16xf32>,
      %parallel_loop3A_583 = arith.constant 0 : i32
      %parallel_loop3A_584 = arith.constant 1 : i32
      %parallel_loop3A_585 = arith.index_cast %parallel_loop3A_583 : i32 to index
      %parallel_loop3A_586 = arith.index_cast %parallel_loop3A_584 : i32 to index
      %parallel_loop3A_587 = arith.index_cast %parallel_loop3A_544 : i32 to index
      %parallel_loop3A_588 = tpu.vector_load %arg9[%parallel_loop3A_585, %parallel_loop3A_586, %parallel_loop3A_587] {strides = array<i32>} : memref<4x4x2048xf32, #tpu.memory_space<vmem>>, vector<16xf32>,
      tpu.vector_store %arg9[%parallel_loop3A_585, %parallel_loop3A_586, %parallel_loop3A_587], %parallel_loop3A_562 {strides = array<i32>} : memref<4x4x2048xf32, #tpu.memory_space<vmem>>, vector<16xf32>,
      %parallel_loop3A_589 = arith.constant 0 : i32
      %parallel_loop3A_590 = arith.constant 2 : i32
      %parallel_loop3A_591 = arith.index_cast %parallel_loop3A_589 : i32 to index
      %parallel_loop3A_592 = arith.index_cast %parallel_loop3A_590 : i32 to index
      %parallel_loop3A_593 = arith.index_cast %parallel_loop3A_544 : i32 to index
      %parallel_loop3A_594 = tpu.vector_load %arg9[%parallel_loop3A_591, %parallel_loop3A_592, %parallel_loop3A_593] {strides = array<i32>} : memref<4x4x2048xf32, #tpu.memory_space<vmem>>, vector<16xf32>,
      tpu.vector_store %arg9[%parallel_loop3A_591, %parallel_loop3A_592, %parallel_loop3A_593], %parallel_loop3A_563 {strides = array<i32>} : memref<4x4x2048xf32, #tpu.memory_space<vmem>>, vector<16xf32>,
      %parallel_loop3A_595 = arith.constant 0 : i32
      %parallel_loop3A_596 = arith.constant 3 : i32
      %parallel_loop3A_597 = arith.index_cast %parallel_loop3A_595 : i32 to index
      %parallel_loop3A_598 = arith.index_cast %parallel_loop3A_596 : i32 to index
      %parallel_loop3A_599 = arith.index_cast %parallel_loop3A_544 : i32 to index
      %parallel_loop3A_600 = tpu.vector_load %arg9[%parallel_loop3A_597, %parallel_loop3A_598, %parallel_loop3A_599] {strides = array<i32>} : memref<4x4x2048xf32, #tpu.memory_space<vmem>>, vector<16xf32>,
      tpu.vector_store %arg9[%parallel_loop3A_597, %parallel_loop3A_598, %parallel_loop3A_599], %parallel_loop3A_564 {strides = array<i32>} : memref<4x4x2048xf32, #tpu.memory_space<vmem>>, vector<16xf32>,
      %parallel_loop3A_601 = arith.constant 1 : i32
      %parallel_loop3A_602 = arith.constant 0 : i32
      %parallel_loop3A_603 = arith.index_cast %parallel_loop3A_601 : i32 to index
      %parallel_loop3A_604 = arith.index_cast %parallel_loop3A_602 : i32 to index
      %parallel_loop3A_605 = arith.index_cast %parallel_loop3A_544 : i32 to index
      %parallel_loop3A_606 = tpu.vector_load %arg9[%parallel_loop3A_603, %parallel_loop3A_604, %parallel_loop3A_605] {strides = array<i32>} : memref<4x4x2048xf32, #tpu.memory_space<vmem>>, vector<16xf32>,
      tpu.vector_store %arg9[%parallel_loop3A_603, %parallel_loop3A_604, %parallel_loop3A_605], %parallel_loop3A_565 {strides = array<i32>} : memref<4x4x2048xf32, #tpu.memory_space<vmem>>, vector<16xf32>,
      %parallel_loop3A_607 = arith.constant 1 : i32
      %parallel_loop3A_608 = arith.constant 1 : i32
      %parallel_loop3A_609 = arith.index_cast %parallel_loop3A_607 : i32 to index
      %parallel_loop3A_610 = arith.index_cast %parallel_loop3A_608 : i32 to index
      %parallel_loop3A_611 = arith.index_cast %parallel_loop3A_544 : i32 to index
      %parallel_loop3A_612 = tpu.vector_load %arg9[%parallel_loop3A_609, %parallel_loop3A_610, %parallel_loop3A_611] {strides = array<i32>} : memref<4x4x2048xf32, #tpu.memory_space<vmem>>, vector<16xf32>,
      tpu.vector_store %arg9[%parallel_loop3A_609, %parallel_loop3A_610, %parallel_loop3A_611], %parallel_loop3A_566 {strides = array<i32>} : memref<4x4x2048xf32, #tpu.memory_space<vmem>>, vector<16xf32>,
      %parallel_loop3A_613 = arith.constant 1 : i32
      %parallel_loop3A_614 = arith.constant 2 : i32
      %parallel_loop3A_615 = arith.index_cast %parallel_loop3A_613 : i32 to index
      %parallel_loop3A_616 = arith.index_cast %parallel_loop3A_614 : i32 to index
      %parallel_loop3A_617 = arith.index_cast %parallel_loop3A_544 : i32 to index
      %parallel_loop3A_618 = tpu.vector_load %arg9[%parallel_loop3A_615, %parallel_loop3A_616, %parallel_loop3A_617] {strides = array<i32>} : memref<4x4x2048xf32, #tpu.memory_space<vmem>>, vector<16xf32>,
      tpu.vector_store %arg9[%parallel_loop3A_615, %parallel_loop3A_616, %parallel_loop3A_617], %parallel_loop3A_567 {strides = array<i32>} : memref<4x4x2048xf32, #tpu.memory_space<vmem>>, vector<16xf32>,
      %parallel_loop3A_619 = arith.constant 1 : i32
      %parallel_loop3A_620 = arith.constant 3 : i32
      %parallel_loop3A_621 = arith.index_cast %parallel_loop3A_619 : i32 to index
      %parallel_loop3A_622 = arith.index_cast %parallel_loop3A_620 : i32 to index
      %parallel_loop3A_623 = arith.index_cast %parallel_loop3A_544 : i32 to index
      %parallel_loop3A_624 = tpu.vector_load %arg9[%parallel_loop3A_621, %parallel_loop3A_622, %parallel_loop3A_623] {strides = array<i32>} : memref<4x4x2048xf32, #tpu.memory_space<vmem>>, vector<16xf32>,
      tpu.vector_store %arg9[%parallel_loop3A_621, %parallel_loop3A_622, %parallel_loop3A_623], %parallel_loop3A_568 {strides = array<i32>} : memref<4x4x2048xf32, #tpu.memory_space<vmem>>, vector<16xf32>,
      %parallel_loop3A_625 = arith.constant 2 : i32
      %parallel_loop3A_626 = arith.constant 0 : i32
      %parallel_loop3A_627 = arith.index_cast %parallel_loop3A_625 : i32 to index
      %parallel_loop3A_628 = arith.index_cast %parallel_loop3A_626 : i32 to index
      %parallel_loop3A_629 = arith.index_cast %parallel_loop3A_544 : i32 to index
      %parallel_loop3A_630 = tpu.vector_load %arg9[%parallel_loop3A_627, %parallel_loop3A_628, %parallel_loop3A_629] {strides = array<i32>} : memref<4x4x2048xf32, #tpu.memory_space<vmem>>, vector<16xf32>,
      tpu.vector_store %arg9[%parallel_loop3A_627, %parallel_loop3A_628, %parallel_loop3A_629], %parallel_loop3A_569 {strides = array<i32>} : memref<4x4x2048xf32, #tpu.memory_space<vmem>>, vector<16xf32>,
      %parallel_loop3A_631 = arith.constant 2 : i32
      %parallel_loop3A_632 = arith.constant 1 : i32
      %parallel_loop3A_633 = arith.index_cast %parallel_loop3A_631 : i32 to index
      %parallel_loop3A_634 = arith.index_cast %parallel_loop3A_632 : i32 to index
      %parallel_loop3A_635 = arith.index_cast %parallel_loop3A_544 : i32 to index
      %parallel_loop3A_636 = tpu.vector_load %arg9[%parallel_loop3A_633, %parallel_loop3A_634, %parallel_loop3A_635] {strides = array<i32>} : memref<4x4x2048xf32, #tpu.memory_space<vmem>>, vector<16xf32>,
      tpu.vector_store %arg9[%parallel_loop3A_633, %parallel_loop3A_634, %parallel_loop3A_635], %parallel_loop3A_570 {strides = array<i32>} : memref<4x4x2048xf32, #tpu.memory_space<vmem>>, vector<16xf32>,
      %parallel_loop3A_637 = arith.constant 2 : i32
      %parallel_loop3A_638 = arith.constant 2 : i32
      %parallel_loop3A_639 = arith.index_cast %parallel_loop3A_637 : i32 to index
      %parallel_loop3A_640 = arith.index_cast %parallel_loop3A_638 : i32 to index
      %parallel_loop3A_641 = arith.index_cast %parallel_loop3A_544 : i32 to index
      %parallel_loop3A_642 = tpu.vector_load %arg9[%parallel_loop3A_639, %parallel_loop3A_640, %parallel_loop3A_641] {strides = array<i32>} : memref<4x4x2048xf32, #tpu.memory_space<vmem>>, vector<16xf32>,
      tpu.vector_store %arg9[%parallel_loop3A_639, %parallel_loop3A_640, %parallel_loop3A_641], %parallel_loop3A_571 {strides = array<i32>} : memref<4x4x2048xf32, #tpu.memory_space<vmem>>, vector<16xf32>,
      %parallel_loop3A_643 = arith.constant 2 : i32
      %parallel_loop3A_644 = arith.constant 3 : i32
      %parallel_loop3A_645 = arith.index_cast %parallel_loop3A_643 : i32 to index
      %parallel_loop3A_646 = arith.index_cast %parallel_loop3A_644 : i32 to index
      %parallel_loop3A_647 = arith.index_cast %parallel_loop3A_544 : i32 to index
      %parallel_loop3A_648 = tpu.vector_load %arg9[%parallel_loop3A_645, %parallel_loop3A_646, %parallel_loop3A_647] {strides = array<i32>} : memref<4x4x2048xf32, #tpu.memory_space<vmem>>, vector<16xf32>,
      tpu.vector_store %arg9[%parallel_loop3A_645, %parallel_loop3A_646, %parallel_loop3A_647], %parallel_loop3A_572 {strides = array<i32>} : memref<4x4x2048xf32, #tpu.memory_space<vmem>>, vector<16xf32>,
      %parallel_loop3A_649 = arith.constant 3 : i32
      %parallel_loop3A_650 = arith.constant 0 : i32
      %parallel_loop3A_651 = arith.index_cast %parallel_loop3A_649 : i32 to index
      %parallel_loop3A_652 = arith.index_cast %parallel_loop3A_650 : i32 to index
      %parallel_loop3A_653 = arith.index_cast %parallel_loop3A_544 : i32 to index
      %parallel_loop3A_654 = tpu.vector_load %arg9[%parallel_loop3A_651, %parallel_loop3A_652, %parallel_loop3A_653] {strides = array<i32>} : memref<4x4x2048xf32, #tpu.memory_space<vmem>>, vector<16xf32>,
      tpu.vector_store %arg9[%parallel_loop3A_651, %parallel_loop3A_652, %parallel_loop3A_653], %parallel_loop3A_573 {strides = array<i32>} : memref<4x4x2048xf32, #tpu.memory_space<vmem>>, vector<16xf32>,
      %parallel_loop3A_655 = arith.constant 3 : i32
      %parallel_loop3A_656 = arith.constant 1 : i32
      %parallel_loop3A_657 = arith.index_cast %parallel_loop3A_655 : i32 to index
      %parallel_loop3A_658 = arith.index_cast %parallel_loop3A_656 : i32 to index
      %parallel_loop3A_659 = arith.index_cast %parallel_loop3A_544 : i32 to index
      %parallel_loop3A_660 = tpu.vector_load %arg9[%parallel_loop3A_657, %parallel_loop3A_658, %parallel_loop3A_659] {strides = array<i32>} : memref<4x4x2048xf32, #tpu.memory_space<vmem>>, vector<16xf32>,
      tpu.vector_store %arg9[%parallel_loop3A_657, %parallel_loop3A_658, %parallel_loop3A_659], %parallel_loop3A_574 {strides = array<i32>} : memref<4x4x2048xf32, #tpu.memory_space<vmem>>, vector<16xf32>,
      %parallel_loop3A_661 = arith.constant 3 : i32
      %parallel_loop3A_662 = arith.constant 2 : i32
      %parallel_loop3A_663 = arith.index_cast %parallel_loop3A_661 : i32 to index
      %parallel_loop3A_664 = arith.index_cast %parallel_loop3A_662 : i32 to index
      %parallel_loop3A_665 = arith.index_cast %parallel_loop3A_544 : i32 to index
      %parallel_loop3A_666 = tpu.vector_load %arg9[%parallel_loop3A_663, %parallel_loop3A_664, %parallel_loop3A_665] {strides = array<i32>} : memref<4x4x2048xf32, #tpu.memory_space<vmem>>, vector<16xf32>,
      tpu.vector_store %arg9[%parallel_loop3A_663, %parallel_loop3A_664, %parallel_loop3A_665], %parallel_loop3A_575 {strides = array<i32>} : memref<4x4x2048xf32, #tpu.memory_space<vmem>>, vector<16xf32>,
      %parallel_loop3A_667 = arith.constant 3 : i32
      %parallel_loop3A_668 = arith.constant 3 : i32
      %parallel_loop3A_669 = arith.index_cast %parallel_loop3A_667 : i32 to index
      %parallel_loop3A_670 = arith.index_cast %parallel_loop3A_668 : i32 to index
      %parallel_loop3A_671 = arith.index_cast %parallel_loop3A_544 : i32 to index
      %parallel_loop3A_672 = tpu.vector_load %arg9[%parallel_loop3A_669, %parallel_loop3A_670, %parallel_loop3A_671] {strides = array<i32>} : memref<4x4x2048xf32, #tpu.memory_space<vmem>>, vector<16xf32>,
      tpu.vector_store %arg9[%parallel_loop3A_669, %parallel_loop3A_670, %parallel_loop3A_671], %parallel_loop3A_576 {strides = array<i32>} : memref<4x4x2048xf32, #tpu.memory_space<vmem>>, vector<16xf32>,
    } {sc.loop_unroll_factor = 2 : i64, sc.parallel_access}
    %add3A_368 = arith.constant 252 : i32
    %add3A_369 = arith.addi %mul3A_2, %add3A_368 : i32
    %dma_start3A_370 = arith.constant 0 : i32
    %dma_start3A_371 = arith.constant 0 : i32
    %dma_start3A_372 = arith.constant 0 : i32
    %dma_start3A_373 = tpu.memref_slice %arg9[%dma_start3A_370, %dma_start3A_371, %dma_start3A_372] : memref<4x4x2048xf32, #tpu.memory_space<vmem>> -> memref<1x4x2048xf32, #tpu.memory_space<vmem>>
    %dma_start3A_374 = arith.constant 0 : i32
    %dma_start3A_375 = arith.constant 0 : i32
    %dma_start3A_376 = tpu.memref_slice %arg4[%dma_start3A_374, %add3A_369, %dma_start3A_375] : memref<4x8192x2048xf32, #tpu.memory_space<hbm>> -> memref<1x4x2048xf32, #tpu.memory_space<hbm>>
    %dma_start3A_377 = arith.constant 0 : i32
    %dma_start3A_378 = arith.constant 0 : i32
    %dma_start3A_379 = tpu.memref_slice %arg4[%dma_start3A_377, %add3A_369, %dma_start3A_378] : memref<4x8192x2048xf32, #tpu.memory_space<hbm>> -> memref<1x4x2048xf32, #tpu.memory_space<hbm>>
    %dma_start3A_380 = arith.constant 0 : i32
    %dma_start3A_381 = arith.constant 0 : i32
    %dma_start3A_382 = arith.constant 0 : i32
    %dma_start3A_383 = tpu.memref_slice %arg9[%dma_start3A_380, %dma_start3A_381, %dma_start3A_382] : memref<4x4x2048xf32, #tpu.memory_space<vmem>> -> memref<1x4x2048xf32, #tpu.memory_space<vmem>>
    tpu.enqueue_dma source(%dma_start3A_383 : memref<1x4x2048xf32, #tpu.memory_space<vmem>>) target(%dma_start3A_379 : memref<1x4x2048xf32, #tpu.memory_space<hbm>>) target_semaphore(%arg13 : memref<!tpu.dma_semaphore, #tpu.memory_space<semaphore_mem>>)
    %add3A_384 = arith.constant 252 : i32
    %add3A_385 = arith.addi %mul3A_2, %add3A_384 : i32
    %dma_start3A_386 = arith.constant 1 : i32
    %dma_start3A_387 = arith.constant 0 : i32
    %dma_start3A_388 = arith.constant 0 : i32
    %dma_start3A_389 = tpu.memref_slice %arg9[%dma_start3A_386, %dma_start3A_387, %dma_start3A_388] : memref<4x4x2048xf32, #tpu.memory_space<vmem>> -> memref<1x4x2048xf32, #tpu.memory_space<vmem>>
    %dma_start3A_390 = arith.constant 1 : i32
    %dma_start3A_391 = arith.constant 0 : i32
    %dma_start3A_392 = tpu.memref_slice %arg4[%dma_start3A_390, %add3A_385, %dma_start3A_391] : memref<4x8192x2048xf32, #tpu.memory_space<hbm>> -> memref<1x4x2048xf32, #tpu.memory_space<hbm>>
    %dma_start3A_393 = arith.constant 1 : i32
    %dma_start3A_394 = arith.constant 0 : i32
    %dma_start3A_395 = tpu.memref_slice %arg4[%dma_start3A_393, %add3A_385, %dma_start3A_394] : memref<4x8192x2048xf32, #tpu.memory_space<hbm>> -> memref<1x4x2048xf32, #tpu.memory_space<hbm>>
    %dma_start3A_396 = arith.constant 1 : i32
    %dma_start3A_397 = arith.constant 0 : i32
    %dma_start3A_398 = arith.constant 0 : i32
    %dma_start3A_399 = tpu.memref_slice %arg9[%dma_start3A_396, %dma_start3A_397, %dma_start3A_398] : memref<4x4x2048xf32, #tpu.memory_space<vmem>> -> memref<1x4x2048xf32, #tpu.memory_space<vmem>>
    tpu.enqueue_dma source(%dma_start3A_399 : memref<1x4x2048xf32, #tpu.memory_space<vmem>>) target(%dma_start3A_395 : memref<1x4x2048xf32, #tpu.memory_space<hbm>>) target_semaphore(%arg13 : memref<!tpu.dma_semaphore, #tpu.memory_space<semaphore_mem>>)
    %add3A_400 = arith.constant 252 : i32
    %add3A_401 = arith.addi %mul3A_2, %add3A_400 : i32
    %dma_start3A_402 = arith.constant 2 : i32
    %dma_start3A_403 = arith.constant 0 : i32
    %dma_start3A_404 = arith.constant 0 : i32
    %dma_start3A_405 = tpu.memref_slice %arg9[%dma_start3A_402, %dma_start3A_403, %dma_start3A_404] : memref<4x4x2048xf32, #tpu.memory_space<vmem>> -> memref<1x4x2048xf32, #tpu.memory_space<vmem>>
    %dma_start3A_406 = arith.constant 2 : i32
    %dma_start3A_407 = arith.constant 0 : i32
    %dma_start3A_408 = tpu.memref_slice %arg4[%dma_start3A_406, %add3A_401, %dma_start3A_407] : memref<4x8192x2048xf32, #tpu.memory_space<hbm>> -> memref<1x4x2048xf32, #tpu.memory_space<hbm>>
    %dma_start3A_409 = arith.constant 2 : i32
    %dma_start3A_410 = arith.constant 0 : i32
    %dma_start3A_411 = tpu.memref_slice %arg4[%dma_start3A_409, %add3A_401, %dma_start3A_410] : memref<4x8192x2048xf32, #tpu.memory_space<hbm>> -> memref<1x4x2048xf32, #tpu.memory_space<hbm>>
    %dma_start3A_412 = arith.constant 2 : i32
    %dma_start3A_413 = arith.constant 0 : i32
    %dma_start3A_414 = arith.constant 0 : i32
    %dma_start3A_415 = tpu.memref_slice %arg9[%dma_start3A_412, %dma_start3A_413, %dma_start3A_414] : memref<4x4x2048xf32, #tpu.memory_space<vmem>> -> memref<1x4x2048xf32, #tpu.memory_space<vmem>>
    tpu.enqueue_dma source(%dma_start3A_415 : memref<1x4x2048xf32, #tpu.memory_space<vmem>>) target(%dma_start3A_411 : memref<1x4x2048xf32, #tpu.memory_space<hbm>>) target_semaphore(%arg13 : memref<!tpu.dma_semaphore, #tpu.memory_space<semaphore_mem>>)
    %add3A_416 = arith.constant 252 : i32
    %add3A_417 = arith.addi %mul3A_2, %add3A_416 : i32
    %dma_start3A_418 = arith.constant 3 : i32
    %dma_start3A_419 = arith.constant 0 : i32
    %dma_start3A_420 = arith.constant 0 : i32
    %dma_start3A_421 = tpu.memref_slice %arg9[%dma_start3A_418, %dma_start3A_419, %dma_start3A_420] : memref<4x4x2048xf32, #tpu.memory_space<vmem>> -> memref<1x4x2048xf32, #tpu.memory_space<vmem>>
    %dma_start3A_422 = arith.constant 3 : i32
    %dma_start3A_423 = arith.constant 0 : i32
    %dma_start3A_424 = tpu.memref_slice %arg4[%dma_start3A_422, %add3A_417, %dma_start3A_423] : memref<4x8192x2048xf32, #tpu.memory_space<hbm>> -> memref<1x4x2048xf32, #tpu.memory_space<hbm>>
    %dma_start3A_425 = arith.constant 3 : i32
    %dma_start3A_426 = arith.constant 0 : i32
    %dma_start3A_427 = tpu.memref_slice %arg4[%dma_start3A_425, %add3A_417, %dma_start3A_426] : memref<4x8192x2048xf32, #tpu.memory_space<hbm>> -> memref<1x4x2048xf32, #tpu.memory_space<hbm>>
    %dma_start3A_428 = arith.constant 3 : i32
    %dma_start3A_429 = arith.constant 0 : i32
    %dma_start3A_430 = arith.constant 0 : i32
    %dma_start3A_431 = tpu.memref_slice %arg9[%dma_start3A_428, %dma_start3A_429, %dma_start3A_430] : memref<4x4x2048xf32, #tpu.memory_space<vmem>> -> memref<1x4x2048xf32, #tpu.memory_space<vmem>>
    tpu.enqueue_dma source(%dma_start3A_431 : memref<1x4x2048xf32, #tpu.memory_space<vmem>>) target(%dma_start3A_427 : memref<1x4x2048xf32, #tpu.memory_space<hbm>>) target_semaphore(%arg13 : memref<!tpu.dma_semaphore, #tpu.memory_space<semaphore_mem>>)
    %dma_wait3A_432 = arith.constant 0 : i32
    %dma_wait3A_433 = arith.constant 0 : i32
    %dma_wait3A_434 = arith.constant 0 : i32
    %dma_wait3A_435 = tpu.memref_slice %arg8[%dma_wait3A_432, %dma_wait3A_433, %dma_wait3A_434] : memref<4x4x2048xf32, #tpu.memory_space<vmem>> -> memref<1x4x2048xf32, #tpu.memory_space<vmem>>
    %dma_wait3A_436 = arith.constant 0 : i32
    %dma_wait3A_437 = arith.constant 0 : i32
    %dma_wait3A_438 = tpu.memref_slice %arg4[%dma_wait3A_436, %mul3A_2, %dma_wait3A_437] : memref<4x8192x2048xf32, #tpu.memory_space<hbm>> -> memref<1x4x2048xf32, #tpu.memory_space<hbm>>
    %dma_wait3A_439 = arith.constant 0 : i32
    %dma_wait3A_440 = arith.constant 0 : i32
    %dma_wait3A_441 = tpu.memref_slice %arg4[%dma_wait3A_439, %mul3A_2, %dma_wait3A_440] : memref<4x8192x2048xf32, #tpu.memory_space<hbm>> -> memref<1x4x2048xf32, #tpu.memory_space<hbm>>
    %dma_wait3A_442 = arith.constant 0 : i32
    %dma_wait3A_443 = arith.constant 0 : i32
    %dma_wait3A_444 = arith.constant 0 : i32
    %dma_wait3A_445 = tpu.memref_slice %arg8[%dma_wait3A_442, %dma_wait3A_443, %dma_wait3A_444] : memref<4x4x2048xf32, #tpu.memory_space<vmem>> -> memref<1x4x2048xf32, #tpu.memory_space<vmem>>
    tpu.wait_dma2 semaphore(%arg12 : memref<!tpu.dma_semaphore, #tpu.memory_space<semaphore_mem>>) src(%dma_wait3A_445 : memref<1x4x2048xf32, #tpu.memory_space<vmem>>) dst(%dma_wait3A_441 : memref<1x4x2048xf32, #tpu.memory_space<hbm>>)
    %dma_wait3A_446 = arith.constant 1 : i32
    %dma_wait3A_447 = arith.constant 0 : i32
    %dma_wait3A_448 = arith.constant 0 : i32
    %dma_wait3A_449 = tpu.memref_slice %arg8[%dma_wait3A_446, %dma_wait3A_447, %dma_wait3A_448] : memref<4x4x2048xf32, #tpu.memory_space<vmem>> -> memref<1x4x2048xf32, #tpu.memory_space<vmem>>
    %dma_wait3A_450 = arith.constant 0 : i32
    %dma_wait3A_451 = arith.constant 0 : i32
    %dma_wait3A_452 = tpu.memref_slice %arg4[%dma_wait3A_450, %mul3A_2, %dma_wait3A_451] : memref<4x8192x2048xf32, #tpu.memory_space<hbm>> -> memref<1x4x2048xf32, #tpu.memory_space<hbm>>
    %dma_wait3A_453 = arith.constant 0 : i32
    %dma_wait3A_454 = arith.constant 0 : i32
    %dma_wait3A_455 = tpu.memref_slice %arg4[%dma_wait3A_453, %mul3A_2, %dma_wait3A_454] : memref<4x8192x2048xf32, #tpu.memory_space<hbm>> -> memref<1x4x2048xf32, #tpu.memory_space<hbm>>
    %dma_wait3A_456 = arith.constant 1 : i32
    %dma_wait3A_457 = arith.constant 0 : i32
    %dma_wait3A_458 = arith.constant 0 : i32
    %dma_wait3A_459 = tpu.memref_slice %arg8[%dma_wait3A_456, %dma_wait3A_457, %dma_wait3A_458] : memref<4x4x2048xf32, #tpu.memory_space<vmem>> -> memref<1x4x2048xf32, #tpu.memory_space<vmem>>
    tpu.wait_dma2 semaphore(%arg12 : memref<!tpu.dma_semaphore, #tpu.memory_space<semaphore_mem>>) src(%dma_wait3A_459 : memref<1x4x2048xf32, #tpu.memory_space<vmem>>) dst(%dma_wait3A_455 : memref<1x4x2048xf32, #tpu.memory_space<hbm>>)
    %dma_wait3A_460 = arith.constant 2 : i32
    %dma_wait3A_461 = arith.constant 0 : i32
    %dma_wait3A_462 = arith.constant 0 : i32
    %dma_wait3A_463 = tpu.memref_slice %arg8[%dma_wait3A_460, %dma_wait3A_461, %dma_wait3A_462] : memref<4x4x2048xf32, #tpu.memory_space<vmem>> -> memref<1x4x2048xf32, #tpu.memory_space<vmem>>
    %dma_wait3A_464 = arith.constant 0 : i32
    %dma_wait3A_465 = arith.constant 0 : i32
    %dma_wait3A_466 = tpu.memref_slice %arg4[%dma_wait3A_464, %mul3A_2, %dma_wait3A_465] : memref<4x8192x2048xf32, #tpu.memory_space<hbm>> -> memref<1x4x2048xf32, #tpu.memory_space<hbm>>
    %dma_wait3A_467 = arith.constant 0 : i32
    %dma_wait3A_468 = arith.constant 0 : i32
    %dma_wait3A_469 = tpu.memref_slice %arg4[%dma_wait3A_467, %mul3A_2, %dma_wait3A_468] : memref<4x8192x2048xf32, #tpu.memory_space<hbm>> -> memref<1x4x2048xf32, #tpu.memory_space<hbm>>
    %dma_wait3A_470 = arith.constant 2 : i32
    %dma_wait3A_471 = arith.constant 0 : i32
    %dma_wait3A_472 = arith.constant 0 : i32
    %dma_wait3A_473 = tpu.memref_slice %arg8[%dma_wait3A_470, %dma_wait3A_471, %dma_wait3A_472] : memref<4x4x2048xf32, #tpu.memory_space<vmem>> -> memref<1x4x2048xf32, #tpu.memory_space<vmem>>
    tpu.wait_dma2 semaphore(%arg12 : memref<!tpu.dma_semaphore, #tpu.memory_space<semaphore_mem>>) src(%dma_wait3A_473 : memref<1x4x2048xf32, #tpu.memory_space<vmem>>) dst(%dma_wait3A_469 : memref<1x4x2048xf32, #tpu.memory_space<hbm>>)
    %dma_wait3A_474 = arith.constant 3 : i32
    %dma_wait3A_475 = arith.constant 0 : i32
    %dma_wait3A_476 = arith.constant 0 : i32
    %dma_wait3A_477 = tpu.memref_slice %arg8[%dma_wait3A_474, %dma_wait3A_475, %dma_wait3A_476] : memref<4x4x2048xf32, #tpu.memory_space<vmem>> -> memref<1x4x2048xf32, #tpu.memory_space<vmem>>
    %dma_wait3A_478 = arith.constant 0 : i32
    %dma_wait3A_479 = arith.constant 0 : i32
    %dma_wait3A_480 = tpu.memref_slice %arg4[%dma_wait3A_478, %mul3A_2, %dma_wait3A_479] : memref<4x8192x2048xf32, #tpu.memory_space<hbm>> -> memref<1x4x2048xf32, #tpu.memory_space<hbm>>
    %dma_wait3A_481 = arith.constant 0 : i32
    %dma_wait3A_482 = arith.constant 0 : i32
    %dma_wait3A_483 = tpu.memref_slice %arg4[%dma_wait3A_481, %mul3A_2, %dma_wait3A_482] : memref<4x8192x2048xf32, #tpu.memory_space<hbm>> -> memref<1x4x2048xf32, #tpu.memory_space<hbm>>
    %dma_wait3A_484 = arith.constant 3 : i32
    %dma_wait3A_485 = arith.constant 0 : i32
    %dma_wait3A_486 = arith.constant 0 : i32
    %dma_wait3A_487 = tpu.memref_slice %arg8[%dma_wait3A_484, %dma_wait3A_485, %dma_wait3A_486] : memref<4x4x2048xf32, #tpu.memory_space<vmem>> -> memref<1x4x2048xf32, #tpu.memory_space<vmem>>
    tpu.wait_dma2 semaphore(%arg12 : memref<!tpu.dma_semaphore, #tpu.memory_space<semaphore_mem>>) src(%dma_wait3A_487 : memref<1x4x2048xf32, #tpu.memory_space<vmem>>) dst(%dma_wait3A_483 : memref<1x4x2048xf32, #tpu.memory_space<hbm>>)
    %dma_wait3A_488 = arith.constant 0 : i32
    %dma_wait3A_489 = arith.constant 0 : i32
    %dma_wait3A_490 = arith.constant 0 : i32
    %dma_wait3A_491 = tpu.memref_slice %arg9[%dma_wait3A_488, %dma_wait3A_489, %dma_wait3A_490] : memref<4x4x2048xf32, #tpu.memory_space<vmem>> -> memref<1x4x2048xf32, #tpu.memory_space<vmem>>
    %dma_wait3A_492 = arith.constant 0 : i32
    %dma_wait3A_493 = arith.constant 0 : i32
    %dma_wait3A_494 = tpu.memref_slice %arg4[%dma_wait3A_492, %mul3A_2, %dma_wait3A_493] : memref<4x8192x2048xf32, #tpu.memory_space<hbm>> -> memref<1x4x2048xf32, #tpu.memory_space<hbm>>
    %dma_wait3A_495 = arith.constant 0 : i32
    %dma_wait3A_496 = arith.constant 0 : i32
    %dma_wait3A_497 = tpu.memref_slice %arg4[%dma_wait3A_495, %mul3A_2, %dma_wait3A_496] : memref<4x8192x2048xf32, #tpu.memory_space<hbm>> -> memref<1x4x2048xf32, #tpu.memory_space<hbm>>
    %dma_wait3A_498 = arith.constant 0 : i32
    %dma_wait3A_499 = arith.constant 0 : i32
    %dma_wait3A_500 = arith.constant 0 : i32
    %dma_wait3A_501 = tpu.memref_slice %arg9[%dma_wait3A_498, %dma_wait3A_499, %dma_wait3A_500] : memref<4x4x2048xf32, #tpu.memory_space<vmem>> -> memref<1x4x2048xf32, #tpu.memory_space<vmem>>
    tpu.wait_dma2 semaphore(%arg13 : memref<!tpu.dma_semaphore, #tpu.memory_space<semaphore_mem>>) src(%dma_wait3A_501 : memref<1x4x2048xf32, #tpu.memory_space<vmem>>) dst(%dma_wait3A_497 : memref<1x4x2048xf32, #tpu.memory_space<hbm>>)
    %dma_wait3A_502 = arith.constant 1 : i32
    %dma_wait3A_503 = arith.constant 0 : i32
    %dma_wait3A_504 = arith.constant 0 : i32
    %dma_wait3A_505 = tpu.memref_slice %arg9[%dma_wait3A_502, %dma_wait3A_503, %dma_wait3A_504] : memref<4x4x2048xf32, #tpu.memory_space<vmem>> -> memref<1x4x2048xf32, #tpu.memory_space<vmem>>
    %dma_wait3A_506 = arith.constant 0 : i32
    %dma_wait3A_507 = arith.constant 0 : i32
    %dma_wait3A_508 = tpu.memref_slice %arg4[%dma_wait3A_506, %mul3A_2, %dma_wait3A_507] : memref<4x8192x2048xf32, #tpu.memory_space<hbm>> -> memref<1x4x2048xf32, #tpu.memory_space<hbm>>
    %dma_wait3A_509 = arith.constant 0 : i32
    %dma_wait3A_510 = arith.constant 0 : i32
    %dma_wait3A_511 = tpu.memref_slice %arg4[%dma_wait3A_509, %mul3A_2, %dma_wait3A_510] : memref<4x8192x2048xf32, #tpu.memory_space<hbm>> -> memref<1x4x2048xf32, #tpu.memory_space<hbm>>
    %dma_wait3A_512 = arith.constant 1 : i32
    %dma_wait3A_513 = arith.constant 0 : i32
    %dma_wait3A_514 = arith.constant 0 : i32
    %dma_wait3A_515 = tpu.memref_slice %arg9[%dma_wait3A_512, %dma_wait3A_513, %dma_wait3A_514] : memref<4x4x2048xf32, #tpu.memory_space<vmem>> -> memref<1x4x2048xf32, #tpu.memory_space<vmem>>
    tpu.wait_dma2 semaphore(%arg13 : memref<!tpu.dma_semaphore, #tpu.memory_space<semaphore_mem>>) src(%dma_wait3A_515 : memref<1x4x2048xf32, #tpu.memory_space<vmem>>) dst(%dma_wait3A_511 : memref<1x4x2048xf32, #tpu.memory_space<hbm>>)
    %dma_wait3A_516 = arith.constant 2 : i32
    %dma_wait3A_517 = arith.constant 0 : i32
    %dma_wait3A_518 = arith.constant 0 : i32
    %dma_wait3A_519 = tpu.memref_slice %arg9[%dma_wait3A_516, %dma_wait3A_517, %dma_wait3A_518] : memref<4x4x2048xf32, #tpu.memory_space<vmem>> -> memref<1x4x2048xf32, #tpu.memory_space<vmem>>
    %dma_wait3A_520 = arith.constant 0 : i32
    %dma_wait3A_521 = arith.constant 0 : i32
    %dma_wait3A_522 = tpu.memref_slice %arg4[%dma_wait3A_520, %mul3A_2, %dma_wait3A_521] : memref<4x8192x2048xf32, #tpu.memory_space<hbm>> -> memref<1x4x2048xf32, #tpu.memory_space<hbm>>
    %dma_wait3A_523 = arith.constant 0 : i32
    %dma_wait3A_524 = arith.constant 0 : i32
    %dma_wait3A_525 = tpu.memref_slice %arg4[%dma_wait3A_523, %mul3A_2, %dma_wait3A_524] : memref<4x8192x2048xf32, #tpu.memory_space<hbm>> -> memref<1x4x2048xf32, #tpu.memory_space<hbm>>
    %dma_wait3A_526 = arith.constant 2 : i32
    %dma_wait3A_527 = arith.constant 0 : i32
    %dma_wait3A_528 = arith.constant 0 : i32
    %dma_wait3A_529 = tpu.memref_slice %arg9[%dma_wait3A_526, %dma_wait3A_527, %dma_wait3A_528] : memref<4x4x2048xf32, #tpu.memory_space<vmem>> -> memref<1x4x2048xf32, #tpu.memory_space<vmem>>
    tpu.wait_dma2 semaphore(%arg13 : memref<!tpu.dma_semaphore, #tpu.memory_space<semaphore_mem>>) src(%dma_wait3A_529 : memref<1x4x2048xf32, #tpu.memory_space<vmem>>) dst(%dma_wait3A_525 : memref<1x4x2048xf32, #tpu.memory_space<hbm>>)
    %dma_wait3A_530 = arith.constant 3 : i32
    %dma_wait3A_531 = arith.constant 0 : i32
    %dma_wait3A_532 = arith.constant 0 : i32
    %dma_wait3A_533 = tpu.memref_slice %arg9[%dma_wait3A_530, %dma_wait3A_531, %dma_wait3A_532] : memref<4x4x2048xf32, #tpu.memory_space<vmem>> -> memref<1x4x2048xf32, #tpu.memory_space<vmem>>
    %dma_wait3A_534 = arith.constant 0 : i32
    %dma_wait3A_535 = arith.constant 0 : i32
    %dma_wait3A_536 = tpu.memref_slice %arg4[%dma_wait3A_534, %mul3A_2, %dma_wait3A_535] : memref<4x8192x2048xf32, #tpu.memory_space<hbm>> -> memref<1x4x2048xf32, #tpu.memory_space<hbm>>
    %dma_wait3A_537 = arith.constant 0 : i32
    %dma_wait3A_538 = arith.constant 0 : i32
    %dma_wait3A_539 = tpu.memref_slice %arg4[%dma_wait3A_537, %mul3A_2, %dma_wait3A_538] : memref<4x8192x2048xf32, #tpu.memory_space<hbm>> -> memref<1x4x2048xf32, #tpu.memory_space<hbm>>
    %dma_wait3A_540 = arith.constant 3 : i32
    %dma_wait3A_541 = arith.constant 0 : i32
    %dma_wait3A_542 = arith.constant 0 : i32
    %dma_wait3A_543 = tpu.memref_slice %arg9[%dma_wait3A_540, %dma_wait3A_541, %dma_wait3A_542] : memref<4x4x2048xf32, #tpu.memory_space<vmem>> -> memref<1x4x2048xf32, #tpu.memory_space<vmem>>
    tpu.wait_dma2 semaphore(%arg13 : memref<!tpu.dma_semaphore, #tpu.memory_space<semaphore_mem>>) src(%dma_wait3A_543 : memref<1x4x2048xf32, #tpu.memory_space<vmem>>) dst(%dma_wait3A_539 : memref<1x4x2048xf32, #tpu.memory_space<hbm>>)
    return
  }
}

</mosaic_0001>

<sc_bundles>
// kernel: kernel.3.cloned.1.call-start
scs
__scs_entry_jumppad:
0x0: {  	(pc) =	sbr.rel $0x88, $3  }
0x1: {  	(tag) =	ssettag $0x0;
	lr =	simm.s32 $0x1  }
0x2: {  	[smem:$0x3F9F] =	sst lr;
	_ =	strace $0xD0000000  }
0x3: {  	_ = 	snop  }
0x4: {  	_ = 	snop  }
0x5: {  	_ = 	snop  }
0x6: {  	_ = 	snop  }
0x7: {  	_ = 	snop  }
__scs_overlays_trampoline_lowered:
0x8: {  	[smem:$0x3FAE] =	sst s0  }
0x9: {  	[smem:$0x3FAF] =	sst s1  }
0xa: {  	[smem:$0x3FB0] =	sst s2  }
0xb: {  	[smem:$0x3FB1] =	sst s3  }
0xc: {  	[smem:$0x3FB2] =	sst s4  }
0xd: {  	[smem:$0x3FB3] =	sst s5  }
0xe: {  	[smem:$0x3FB4] =	sst s6  }
0xf: {  	[smem:$0x3FB5] =	sst s7  }
0x10: {  	[smem:$0x3FB6] =	sst s8  }
0x11: {  	[smem:$0x3FB7] =	sst s9;
	s0 =	simm.s32 @!p0 $0x0  }
0x12: {  	s1 =	sld [smem:$0x3F9D];
	s0 =	simm.s32 @p0 $0x1  }
0x13: {  	[smem:$0x3FB8] =	sst s0;
	s0 =	simm.s32 @!p1 $0x0  }
0x14: {  	s2 =	sld [smem:$0x3F9C];
	s0 =	simm.s32 @p1 $0x1  }
0x15: {  	[smem:$0x3FB9] =	sst s0;
	s0 =	simm.s32 @!p2 $0x0  }
0x16: {  	s3 =	sld [smem:$0x3FDB];
	s0 =	simm.s32 @p2 $0x1  }
0x17: {  	s4 =	simm.s32 $0x1BF5;
	[smem:$0x3FBB] =	sst s0  }
0x18: {  	s0 =	sld [smem:$0x3F9E];
	_ =	swait.ge [sflag:s4], $0x0  }
0x19: {  	s7 =	sld [smem:$0x3F9F]  }
0x1a: {  	s8 =	sadd.s32 $0xFFFFE003, lr  }
0x1b: {  	s9 =	sadd.s32 $0xFFFFFEF7, lr;
	s5 =	simm.s32 $0xFFFFFFFF;
	p2 =	slt.u32 s8, $0xFFFFF086  }
0x1c: {  	p1 =	slt.u32 s9, $0xF7A;
	s5 =	simm.s32 @!p2 $0x0  }
0x1d: {  	s5 =	simm.s32 @p1 $0x1;
	p0 =	seq.s32 s7, s2  }
0x1e: {  	s7 =	smul.u32 @!p0 $0xF7A, s2;
	p2 =	seq.s32 @!p0 s5, $0x0  }
0x1f: {  	s9 =	smul.u32 $0xF7A, s1;
	s8 =	simm.s32 @!p0 $0x1BF5;
	p2 =	por !p2, p0  }
0x20: {  	[sflag:s8] =	ssyncset.s32 @!p0 $0xFFFFF086;
	s6 =	sadd.s32 @!p0 s3, s7;
	s7 =	simm.s32 @!p0 $0x108  }
0x21: {  	s3 =	sadd.s32 s3, s9;
	s6 =	sadd.s32 @!p0 $0x88, s6;
	s7 =	simm.s32 @p2 $0x1082  }
0x22: {  	[simem:s7], [sflag:s8] =	dma.local @!p0 [hbm:s6], $0xF7A  }
0x23: {  	s9 =	sor.u32 $0xD0000000, s2;
	s6 =	simm.s32 $0x108;
	_ =	swait.ge @!p0 [sflag:s8], $0x0  }
0x24: {  	s3 =	sadd.s32 $0x88, s3;
	s6 =	simm.s32 @!p1 $0x1082;
	[sflag:s4] =	ssyncset.s32 $0xFFFFF086  }
0x25: {  	[simem:s6], [sflag:s4] =	dma.local [hbm:s3], $0xF7A  }
0x26: {  	[smem:$0x3F9F] =	sst s1;
	(tag) =	ssettag s2;
	_ =	strace s9  }
0x27: {  	s1 =	sld [smem:$0x3FAF]  }
0x28: {  	s2 =	sld [smem:$0x3FB0]  }
0x29: {  	s4 =	sld [smem:$0x3FB2]  }
0x2a: {  	p0 =	seq.s32 s5, $0x0;
	s5 =	sld [smem:$0x3FB3]  }
0x2b: {  	s6 =	sld [smem:$0x3FB4]  }
0x2c: {  	s7 =	sld [smem:$0x3FB5]  }
0x2d: {  	s3 =	simm.s32 $0x108;
	s8 =	sld [smem:$0x3FB6]  }
0x2e: {  	s3 =	simm.s32 @!p0 $0x1082;
	s9 =	sld [smem:$0x3FB7]  }
0x2f: {  	lr =	sadd.s32 s0, s3;
	s0 =	sld [smem:$0x3FAE]  }
0x30: {  	s3 =	sld [smem:$0x3FB1]  }
0x31: {  	[smem:$0x3FBA] =	sst s10  }
0x32: {  	s10 =	sld [smem:$0x3FB8];
	_ =	sdelay $0x3  }
0x33: {  	p0 =	seq.s32 s10, $0x1;
	s10 =	sld [smem:$0x3FBA];
	_ =	sdelay $0x3  }
0x34: {  	[smem:$0x3FBA] =	sst s10  }
0x35: {  	s10 =	sld [smem:$0x3FB9];
	_ =	sdelay $0x3  }
0x36: {  	p1 =	seq.s32 s10, $0x1;
	s10 =	sld [smem:$0x3FBA];
	_ =	sdelay $0x3  }
0x37: {  	[smem:$0x3FBA] =	sst s10  }
0x38: {  	s10 =	sld [smem:$0x3FBB]  }
0x39: {  	_ = 	snop;
	(pc) =	sbr.ind lr, $3  }
0x3a: {  	_ = 	snop  }
0x3b: {  	_ = 	snop  }
0x3c: {  	p2 =	seq.s32 s10, $0x1;
	s10 =	sld [smem:$0x3FBA]  }
0x3d: {  	_ =	shalt  }
0x3e: {  	_ =	shalt  }
0x3f: {  	_ =	shalt  }
0x40: {  	_ =	shalt  }
0x41: {  	_ =	shalt  }
0x42: {  	_ =	shalt  }
0x43: {  	_ =	shalt  }
0x44: {  	_ =	shalt  }
0x45: {  	_ =	shalt  }
0x46: {  	_ =	shalt  }
0x47: {  	_ =	shalt  }
0x48: {  	_ =	shalt  }
0x49: {  	_ =	shalt  }
0x4a: {  	_ =	shalt  }
0x4b: {  	_ =	shalt  }
0x4c: {  	_ =	shalt  }
0x4d: {  	_ =	shalt  }
0x4e: {  	_ =	shalt  }
0x4f: {  	_ =	shalt  }
0x50: {  	_ =	shalt  }
0x51: {  	_ =	shalt  }
0x52: {  	_ =	shalt  }
0x53: {  	_ =	shalt  }
0x54: {  	_ =	shalt  }
0x55: {  	_ =	shalt  }
0x56: {  	_ =	shalt  }
0x57: {  	_ =	shalt  }
0x58: {  	_ =	shalt  }
0x59: {  	_ =	shalt  }
0x5a: {  	_ =	shalt  }
0x5b: {  	_ =	shalt  }
0x5c: {  	_ =	shalt  }
0x5d: {  	_ =	shalt  }
0x5e: {  	_ =	shalt  }
0x5f: {  	_ =	shalt  }
0x60: {  	_ =	shalt  }
0x61: {  	_ =	shalt  }
0x62: {  	_ =	shalt  }
0x63: {  	_ =	shalt  }
0x64: {  	_ =	shalt  }
0x65: {  	_ =	shalt  }
0x66: {  	_ =	shalt  }
0x67: {  	_ =	shalt  }
0x68: {  	_ =	shalt  }
0x69: {  	_ =	shalt  }
0x6a: {  	_ =	shalt  }
0x6b: {  	_ =	shalt  }
0x6c: {  	_ =	shalt  }
0x6d: {  	_ =	shalt  }
0x6e: {  	_ =	shalt  }
0x6f: {  	_ =	shalt  }
0x70: {  	_ =	shalt  }
0x71: {  	_ =	shalt  }
0x72: {  	_ =	shalt  }
0x73: {  	_ =	shalt  }
0x74: {  	_ =	shalt  }
0x75: {  	_ =	shalt  }
0x76: {  	_ =	shalt  }
0x77: {  	_ =	shalt  }
0x78: {  	_ =	shalt  }
0x79: {  	_ =	shalt  }
0x7a: {  	_ =	shalt  }
0x7b: {  	_ =	shalt  }
0x7c: {  	_ =	shalt  }
0x7d: {  	_ =	shalt  }
0x7e: {  	_ =	shalt  }
0x7f: {  	_ =	shalt  }
0x80: {  	_ =	shalt  }
0x81: {  	_ =	shalt  }
0x82: {  	_ =	shalt  }
0x83: {  	_ =	shalt  }
0x84: {  	_ =	shalt  }
0x85: {  	_ =	shalt  }
0x86: {  	_ =	shalt  }
0x87: {  	_ =	shalt  }
.Lfunc_end0:
.L_simem_size_0:
called_computation_lowered:
.L_overlay_start_0:
0x88: {  	s2 =	sld [smem:$0x3FD9]  }
0x89: {  	s3 =	sld [smem:$0x3FFE];
	_ =	sdelay $0x1  }
0x8a: {  	s1 =	srdreg.scid  }
0x8b: {  	s0 =	sand.u32 $0x1, s1  }
0x8c: {  	s18 =	sshll.u32 s0, $0xA;
	s2 =	sadd.s32 s3, s2  }
0x8d: {  	s2 =	sadd.s32 s2, s18  }
0x8e: {  	[smem:$0x3FC6] =	sst s2  }
0x8f: {  	_ = 	snop  }
0x90: {  	s2 =	sld [smem:$0x3FC9]  }
0x91: {  	s19 =	sld [smem:$0x3FC8]  }
0x92: {  	s4 =	sld [smem:$0x3FD0];
	(tm) =	ssettm $0x1  }
0x93: {  	s5 =	sld [smem:$0x3FFB];
	_ =	sdelay $0x3  }
0x94: {  	_ =	strace s5  }
0x95: {  	s5 =	sld [smem:$0x3FFC];
	_ =	sdelay $0x3  }
0x96: {  	_ =	strace s5  }
0x97: {  	s5 =	sld [smem:$0x3FFD];
	_ =	sdelay $0x3  }
0x98: {  	_ =	strace s5  }
0x99: {  	_ =	strace $0x8FFFFFFF  }
0x9a: {  	s20 =	sld [smem:$0x3FDB];
	_ =	sdelay $0x1  }
0x9b: {  	s6 =	simm.s32 $_scs_section_size  }
0x9c: {  	s7 =	simm.s32 $_size__tile_overlayer_lowered;
	s8 =	simm.s32 $_tile_overlayer_lowered  }
0x9d: {  	s23 =	simm.s32 $0x1BFF;
	s22 =	sshll.u32 s8, $0x1;
	s5 =	sadd.s32 s6, s20  }
0x9e: {  	s9 =	simm.s32 $0x0;
	s21 =	sshll.u32 s7, $0x1;
	s7 =	sadd.s32 s22, s5  }
0x9f: {  	[timem:s9], [sflag:s23] =	dma.local [hbm:s7], s21  }
0xa0: {  	_ =	swait.ge [sflag:s23], s21  }
0xa1: {  	s6 =	ssub.s32 $0x0, s21;
	[sflag:s23] =	ssyncset.done $0x0  }
0xa2: {  	[sflag:s23] =	ssyncadd.s32 s6;
	_ =	sdelay $0x1  }
0xa3: {  	s24 =	simm.s32 $0x1B8B  }
0xa4: {  	_ =	swait.ge [sflag:s24], $0x1  }
0xa5: {  	[sflag:s24] =	ssyncset.done $0x0  }
0xa6: {  	s25 =	simm.s32 $0x1B8E;
	[sflag:s24] =	ssyncadd.s32 $0xFFFFFFFF  }
0xa7: {  	s26 =	simm.s32 $execute0_lowered;
	[smem:$0x3FD2] =	sst s25  }
0xa8: {  	s6 =	sshll.u32 s26, $0x1;
	_ =	strace $0x80000046;
	[dreg:$0x1] =	wrdreg $0xFFFFFFFF  }
0xa9: {  	s28 =	simm.s32 $_size_execute0_lowered;
	s5 =	sadd.s32 s5, s6;
	[dreg:$0x0] =	wrdreg $0x0  }
0xaa: {  	s6 =	sshll.u32 s28, $0x1;
	[dreg:$0x2] =	wrdreg s5  }
0xab: {  	[dreg:$0x3] =	wrdreg s6  }
0xac: {  	[dreg:$0x4] =	wrdreg $0xC0  }
0xad: {  	_ =	task [dreg:s9], $0x5FFFF  }
0xae: {  	[dreg:$0x1] =	wrdreg $0xFFFFFFFF  }
0xaf: {  	[dreg:$0x0] =	wrdreg $0x60  }
0xb0: {  	[dreg:$0x2] =	wrdreg s19  }
0xb1: {  	[dreg:$0x3] =	wrdreg s2  }
0xb2: {  	[dreg:$0x4] =	wrdreg s4  }
0xb3: {  	[dreg:$0x5] =	wrdreg $0x9  }
0xb4: {  	_ =	task.clear_ibuf [dreg:s9], $0x6FFFF;
	_ =	strace $0x90000046  }
0xb5: {  	s29 =	simm.s32 $0x9;
	_ =	strace $0x80000048  }
0xb6: {  	_ =	swait.ge [sflag:s29], $0x1  }
0xb7: {  	[sflag:s29] =	ssyncadd.s32 $0xFFFFFFFF  }
0xb8: {  	_ =	strace $0x90000048  }
0xb9: {  	_ =	sfence  }
0xba: {  	s30 =	sld [smem:$0x0];
	_ =	sdelay $0x2  }
0xbb: {  	s31 =	sshll.u32 s1, $0xD;
	s1 =	sshrl.u32 s1, $0x2  }
0xbc: {  	s3 =	sand.u32 $0x4000, s31;
	s1 =	sadd.s32 s1, s30  }
0xbd: {  	s0 =	sor.u32 s3, s0;
	s1 =	sshll.u32 s1, $0x11  }
0xbe: {  	s0 =	sor.u32 s1, s0  }
0xbf: {  	s0 =	sadd.s32 $0x8F2B, s0  }
0xc0: {  	[sflag:s0] =	ssyncadd.remote.s32 $0x1  }
0xc1: {  	_ =	sfence.sel $0xFFFF  }
0xc2: {  	[dreg:$0x0] =	wrdreg $0xFFFFFFFF;
	(pc) =	sbr.abs _section_cstart, $3  }
0xc3: {  	[dreg:$0x1] =	wrdreg $0xFFFFFFFF  }
0xc4: {  	_ =	task.clear_ibuf [dreg:s9], $0x2FFFF;
	_ =	strace $0x9FFFFFFF  }
0xc5: {  	(tm) =	ssettm $0x7FFFFFFF  }
tec
execute0_lowered:
.L_overlay_start_1:
0x0: {  	(tag) =	ssettag $0x1  }
0x1: {  	s4 =	rddreg [dreg:$0x0]  }
0x2: {  	s5 =	rddreg [dreg:$0x2];
	s1 =	simm.s32 $0x0;
	s0 =	srdreg.scid  }
0x3: {  	s2 =	stileid.u32;
	[smem:$0x7FF] =	sst s1;
	s0 =	sand.u32 $0x1, s0  }
0x4: {  	s2 =	sshll.u32 s2, $0x9;
	s11 =	sadd.s32 $0x400000, s5;
	s13 =	sadd.s32 $0x40, s5  }
0x5: {  	s15 =	sadd.s32 $0x400040, s5;
	_ =	strace $0x80000047;
	[dreg:$0x9] =	wrdreg s11  }
0x6: {  	s8 =	ssub.s32 $0x2, s0;
	s0 =	sshll.u32 s0, $0x8;
	[dreg:$0xc] =	wrdreg s13  }
0x7: {  	[dreg:$0xf] =	wrdreg s15;
	s0 =	sor.u32 s0, s2  }
0x8: {  	s3 =	sshrl.u32 s8, $0x1;
	s2 =	sshll.u32 s0, $0x9;
	s19 =	sor.u32 $0x8, s0  }
0x9: {  	s9 =	sshll.u32 s0, $0x8;
	s0 =	sor.u32 $0x10, s0;
	[dreg:$0x14] =	wrdreg s19  }
0xa: {  	s6 =	sadd.s32 s4, s2;
	s4 =	sadd.s32 $0x40, s4;
	[dreg:$0x15] =	wrdreg s0  }
0xb: {  	s1 =	ssub.s32 s8, s3;
	[dreg:$0x5] =	wrdreg s4  }
0xc: {  	s21 =	smax.u32 s1, $0x1;
	[dreg:$0x4] =	wrdreg s6  }
0xd: {  	s7 =	sadd.s32 s5, s9;
	[dreg:$0x17] =	wrdreg s21  }
0xe: {  	s2 =	sadd.s32 s2, s4;
	[dreg:$0x6] =	wrdreg s7  }
0xf: {  	s10 =	sadd.s32 $0x200000, s7;
	[dreg:$0x7] =	wrdreg s2  }
0x10: {  	s12 =	sadd.s32 $0x600000, s7;
	[dreg:$0x8] =	wrdreg s10  }
0x11: {  	s14 =	sadd.s32 $0x1000, s6;
	[dreg:$0xb] =	wrdreg s12  }
0x12: {  	s16 =	sadd.s32 $0x200040, s7;
	[dreg:$0xd] =	wrdreg s14  }
0x13: {  	s17 =	sadd.s32 $0x600040, s7;
	[dreg:$0x10] =	wrdreg s16  }
0x14: {  	s18 =	sadd.s32 $0x1040, s6;
	[dreg:$0x12] =	wrdreg s17  }
0x15: {  	s20 =	sadd.s32 $0x20F800, s7;
	[dreg:$0x13] =	wrdreg s18  }
0x16: {  	s22 =	sadd.s32 $0x40F800, s7;
	[dreg:$0x16] =	wrdreg s20  }
0x17: {  	s23 =	sadd.s32 $0xF800, s7;
	[dreg:$0x18] =	wrdreg s22  }
0x18: {  	s24 =	sadd.s32 $0x60F800, s7;
	[dreg:$0x19] =	wrdreg s23  }
0x19: {  	s25 =	sadd.s32 $0x20F840, s7;
	[dreg:$0x1a] =	wrdreg s24  }
0x1a: {  	s26 =	sadd.s32 $0xF840, s7;
	[dreg:$0x1b] =	wrdreg s25  }
0x1b: {  	s28 =	sadd.s32 $0x40F840, s7;
	[dreg:$0x1c] =	wrdreg s26  }
0x1c: {  	s29 =	sadd.s32 $0x60F840, s7;
	[dreg:$0x1d] =	wrdreg s28  }
0x1d: {  	s30 =	simm.s32 $0x200;
	s2 =	sadd.s32 s9, s11;
	[dreg:$0x1e] =	wrdreg s29  }
0x1e: {  	s31 =	simm.s32 $0x400;
	[dreg:$0xa] =	wrdreg s2;
	s2 =	sadd.s32 s9, s13  }
0x1f: {  	s12 =	simm.s32 $0x2000;
	[dreg:$0xe] =	wrdreg s2;
	s2 =	sadd.s32 s9, s15  }
0x20: {  	s13 =	simm.s32 $0x6000;
	[dreg:$0x11] =	wrdreg s2;
	s2 =	simm.s32 $0x0  }
.LBB2_1:
0x21: {  	[dreg:$0x1f] =	wrdreg s2  }
0x22: {  	s0 =	rddreg [dreg:$0x1];
	s20 =	simm.s32 $0x0;
	s21 =	simm.s32 $0x5  }
0x23: {  	[tilespmem:s20], [sflag:$0x5] =	stream.linear.gather [hbm4b:s0+s20], $0x2000, $0x38;
	[tilespmem:$0x1A000] =	vst v63  }
0x24: {  	_ =	swait.ge [sflag:s21], $0x2000  }
0x25: {  	[sflag:s21] =	ssyncset.done $0x0  }
0x26: {  	s22 =	rddreg [dreg:$0x4];
	[sflag:s21] =	ssyncadd.s32 $0xFFFFE000  }
0x27: {  	[tilespmem:s12], [sflag:$0x1] =	stream.strided.gather [hbm4b:s22+s30], $0x4000, s31, s30, $0x38;
	[tilespmem:$0x1A000] =	vst v63  }
0x28: {  	s6 =	simm.s32 $0x0;
	s3 =	simm.s32 $0x1;
	s23 =	rddreg [dreg:$0x7]  }
0x29: {  	[tilespmem:s13], [sflag:$0x2] =	stream.strided.gather [hbm4b:s23+s30], $0x4000, s31, s30, $0x38;
	[tilespmem:$0x1A000] =	vst v63  }
0x2a: {  	s0 =	sand.u32 $0x60, s6;
	_ =	swait.ge [sflag:s3], $0x4000  }
0x2b: {  	s1 =	sand.u32 $0x1E00, s20;
	s5 =	sor.u32 $0x10, s0;
	[sflag:s3] =	ssyncset.done $0x0  }
0x2c: {  	s24 =	sor.u32 s5, s1;
	[sflag:s3] =	ssyncadd.s32 $0xFFFFC000  }
0x2d: {  	v0 =	vld [tilespmem:s24+$0x0]  }
0x2e: {  	v1 =	vld [tilespmem:s24+$0x80];
	_ =	sdelay $0x2  }
0x2f: {  	v2 =	vld [tilespmem:s24+$0x100]  }
0x30: {  	s2 =	sand.u32 $0x3, s20;
	v3 =	vand.u32 $0x7F, v0;
	v0 =	vshll.u32 v0, $0x2  }
0x31: {  	s4 =	sor.u32 s0, s1;
	s2 =	sshll.u32 s2, $0x5;
	v4 =	vand.u32 $0x7F, v1;
	v1 =	vshll.u32 v1, $0x2;
	v0 =	vand.u32 $0xFFFFFE00, v0  }
0x32: {  	s7 =	sadd.s32 $0x0, s2;
	v6 =	vld [tilespmem:s4+$0x0];
	v1 =	vand.u32 $0xFFFFFE00, v1;
	v0 =	vor.u32 v3, v0  }
0x33: {  	s2 =	sor.u32 $0x180, s7;
	s7 =	sadd.s32 $0x10, s7;
	v8 =	vld [tilespmem:s4+$0x80];
	v1 =	vor.u32 v4, v1  }
0x34: {  	s7 =	sor.u32 $0x180, s7;
	v9 =	vld [tilespmem:s4+$0x100];
	v3 =	vshll.u32 v2, $0x2;
	v4 =	vor.u32 $0x80, v0  }
0x35: {  	v5 =	vld [tilespmem:s7+$0x0];
	v2 =	vand.u32 $0x7F, v2;
	v3 =	vand.u32 $0xFFFFFE00, v3;
	v10 =	vor.u32 $0x100, v0  }
0x36: {  	v12 =	vor.u32 $0x80, v1;
	v2 =	vor.u32 v2, v3;
	v3 =	vld [tilespmem:s2+$0x0]  }
0x37: {  	v11 =	vld.idx.msk [tilespmem:v0+s12+$0x0], $0xffff;
	v0 =	vor.u32 $0x180, v0  }
0x38: {  	v13 =	vor.u32 $0x100, v1;
	v19 =	vld.idx.msk [tilespmem:v1+s12+$0x0], $0xffff  }
0x39: {  	v20 =	vld.idx.msk [tilespmem:v4+s12+$0x0], $0xffff  }
0x3a: {  	v1 =	vor.u32 $0x180, v1;
	v10 =	vld.idx.msk [tilespmem:v10+s12+$0x0], $0xffff  }
0x3b: {  	v14 =	vshll.u32 v5, $0x2;
	v4 =	vor.u32 $0x80, v2;
	v22 =	vld.idx.msk [tilespmem:v12+s12+$0x0], $0xffff  }
0x3c: {  	v5 =	vand.u32 $0x7F, v5;
	v12 =	vand.u32 $0xFFFFFE00, v14;
	v21 =	vld.idx.msk [tilespmem:v0+s12+$0x0], $0xffff;
	v0 =	vor.u32 $0x100, v2  }
0x3d: {  	v23 =	vld.idx.msk [tilespmem:v13+s12+$0x0], $0xffff;
	v12 =	vor.u32 v5, v12  }
0x3e: {  	v7 =	vld.idx.msk [tilespmem:v2+s12+$0x0], $0xffff;
	v2 =	vor.u32 $0x180, v2  }
0x3f: {  	v24 =	vld.idx.msk [tilespmem:v1+s12+$0x0], $0xffff;
	v1 =	vor.u32 $0x80, v12  }
0x40: {  	v5 =	vshll.u32 v3, $0x2;
	v16 =	vld.idx.msk [tilespmem:v4+s12+$0x0], $0xffff;
	v4 =	vor.u32 $0x100, v12  }
0x41: {  	v3 =	vand.u32 $0x7F, v3;
	v5 =	vand.u32 $0xFFFFFE00, v5;
	v17 =	vld.idx.msk [tilespmem:v0+s12+$0x0], $0xffff;
	v0 =	vor.u32 $0x180, v12  }
0x42: {  	v5 =	vor.u32 v3, v5;
	v15 =	vld.idx.msk [tilespmem:v12+s12+$0x0], $0xffff  }
0x43: {  	v25 =	vor.u32 $0x80, v5;
	v18 =	vld.idx.msk [tilespmem:v2+s12+$0x0], $0xffff;
	v2 =	vshll.u32 v6, $0x2  }
0x44: {  	v3 =	vand.u32 $0x7F, v6;
	v6 =	vor.u32 $0x100, v5;
	v14 =	vld.idx.msk [tilespmem:v1+s12+$0x0], $0xffff;
	v2 =	vand.u32 $0xFFFFFE00, v2  }
0x45: {  	v13 =	vld.idx.msk [tilespmem:v4+s12+$0x0], $0xffff;
	v3 =	vor.u32 v3, v2;
	v2 =	vor.u32 $0x180, v5  }
0x46: {  	v1 =	vshll.u32 v8, $0x2;
	v26 =	vor.u32 $0x80, v3;
	v12 =	vld.idx.msk [tilespmem:v0+s12+$0x0], $0xffff;
	[tilespmem:s24+$0xA000] =	vst v11  }
0x47: {  	v27 =	vor.u32 $0x180, v3;
	v0 =	vand.u32 $0xFFFFFE00, v1;
	v1 =	vand.u32 $0x7F, v8;
	[tilespmem:s24+$0xA080] =	vst v20  }
0x48: {  	s8 =	sor.u32 $0xC000, s1;
	v8 =	vor.u32 $0x100, v3;
	[tilespmem:s24+$0xA100] =	vst v10;
	v4 =	vor.u32 v1, v0;
	v0 =	vld.idx.msk [tilespmem:v25+s12+$0x0], $0xffff  }
0x49: {  	s25 =	sor.u32 $0xC080, s1;
	s26 =	sor.u32 s5, s8;
	v1 =	vld.idx.msk [tilespmem:v6+s12+$0x0], $0xffff;
	[tilespmem:s7+$0xA000] =	vst v21;
	v6 =	vshll.u32 v9, $0x2;
	v63 =	vor.u32 $0x80, v4  }
0x4a: {  	s28 =	sor.u32 $0xC100, s1;
	s3 =	sor.u32 s5, s25;
	v9 =	vand.u32 $0x7F, v9;
	v2 =	vld.idx.msk [tilespmem:v2+s12+$0x0], $0xffff;
	[tilespmem:s26+$0x0] =	vst v19;
	v6 =	vand.u32 $0xFFFFFE00, v6;
	v19 =	vor.u32 $0x100, v4  }
0x4b: {  	s16 =	simm.s32 $0x0;
	s18 =	sor.u32 s0, s8;
	s8 =	sor.u32 s5, s28;
	v20 =	vor.u32 $0x180, v4;
	v10 =	vld.idx.msk [tilespmem:v26+s12+$0x0], $0xffff;
	[tilespmem:s3+$0x0] =	vst v22;
	v6 =	vor.u32 v9, v6  }
0x4c: {  	s29 =	sor.u32 $0xC180, s1;
	s19 =	sor.u32 s0, s25;
	s20 =	sor.u32 s0, s28;
	v9 =	vld.idx.msk [tilespmem:v27+s12+$0x0], $0xffff;
	[tilespmem:s8+$0x0] =	vst v23;
	v23 =	vor.u32 $0x80, v6  }
0x4d: {  	s31 =	sor.u32 s5, s29;
	s24 =	sor.u32 s0, s29;
	s3 =	sor.u32 $0xE000, s1;
	v22 =	vor.u32 $0x100, v6;
	v11 =	vld.idx.msk [tilespmem:v8+s12+$0x0], $0xffff  }
0x4e: {  	s7 =	sor.u32 $0xE080, s1;
	v21 =	vor.u32 $0x180, v6;
	s9 =	sor.u32 s5, s3;
	s8 =	simm.s32 $0x80;
	[tilespmem:s31+$0x0] =	vst v24;
	v8 =	vld.idx.msk [tilespmem:v63+s12+$0x0], $0xffff  }
.LBB2_2:
0x4f: {  	s6 =	sadd.s32 $0x20, s6;
	v19 =	vld.idx.msk [tilespmem:v19+s12+$0x0], $0xffff;
	s11 =	sor.u32 $0xE100, s1;
	[tilespmem:s9+$0x0] =	vst v7;
	s9 =	sor.u32 s5, s7  }
0x50: {  	s21 =	sand.u32 $0x1E00, s8;
	s14 =	sor.u32 $0xE180, s1;
	v20 =	vld.idx.msk [tilespmem:v20+s12+$0x0], $0xffff;
	[tilespmem:s9+$0x0] =	vst v16;
	s9 =	sor.u32 s5, s11  }
0x51: {  	s17 =	sor.u32 $0x10000, s1;
	s28 =	sand.u32 $0x60, s6;
	v16 =	vld.idx.msk [tilespmem:v23+s12+$0x0], $0xffff;
	[tilespmem:s9+$0x0] =	vst v17;
	s9 =	sor.u32 s5, s14  }
0x52: {  	s10 =	sor.u32 $0x10080, s1;
	s31 =	sor.u32 $0x10, s28;
	v17 =	vld.idx.msk [tilespmem:v22+s12+$0x0], $0xffff;
	[tilespmem:s9+$0x0] =	vst v18;
	s9 =	sor.u32 s5, s17  }
0x53: {  	s29 =	sor.u32 $0x10100, s1;
	s25 =	sor.u32 s31, s21;
	v18 =	vld.idx.msk [tilespmem:v21+s12+$0x0], $0xffff;
	[tilespmem:s9+$0x0] =	vst v15;
	s9 =	sor.u32 s5, s10  }
0x54: {  	s1 =	sor.u32 $0x10180, s1;
	s26 =	sor.u32 s28, s21;
	v7 =	vld [tilespmem:s25+$0x0];
	[tilespmem:s9+$0x0] =	vst v14;
	s9 =	sor.u32 s5, s29  }
0x55: {  	s15 =	sor.u32 s0, s3;
	s3 =	sor.u32 s0, s7;
	s5 =	sor.u32 s5, s1;
	v14 =	vld [tilespmem:s25+$0x80];
	[tilespmem:s9+$0x0] =	vst v13  }
0x56: {  	s23 =	sor.u32 s0, s11;
	s22 =	sor.u32 s0, s14;
	s14 =	sor.u32 s0, s17;
	v13 =	vld [tilespmem:s25+$0x100];
	[tilespmem:s5+$0x0] =	vst v12  }
0x57: {  	s11 =	sor.u32 s0, s29;
	s7 =	sor.u32 s0, s1;
	s17 =	sor.u32 s0, s10;
	v12 =	vld [tilespmem:s26+$0x0]  }
0x58: {  	p0 =	slt.u32 s6, $0x7E0;
	s0 =	smov.u32 s28;
	s1 =	smov.u32 s21;
	v15 =	vld [tilespmem:s26+$0x80]  }
0x59: {  	s16 =	sadd.s32 $0x1, s16;
	s5 =	smov.u32 s31;
	v21 =	vld [tilespmem:s26+$0x100];
	v22 =	vand.u32 $0x7F, v7;
	v7 =	vshll.u32 v7, $0x2  }
0x5a: {  	s9 =	sand.u32 $0x3, s16;
	v7 =	vand.u32 $0xFFFFFE00, v7;
	v23 =	vand.u32 $0x7F, v14;
	v14 =	vshll.u32 v14, $0x2;
	v24 =	vld.idx.msk [tilespmem:v5+s12+$0x0], $0xffff  }
0x5b: {  	s9 =	sshll.u32 s9, $0x5;
	v5 =	vor.u32 v22, v7;
	v7 =	vand.u32 $0xFFFFFE00, v14;
	v14 =	vshll.u32 v13, $0x2;
	v22 =	vld.idx.msk [tilespmem:v3+s12+$0x0], $0xffff  }
0x5c: {  	s9 =	sadd.s32 s9, s8;
	v3 =	vand.u32 $0x7F, v13;
	v23 =	vor.u32 v23, v7;
	v7 =	vand.u32 $0xFFFFFE00, v14;
	v13 =	vld.idx.msk [tilespmem:v4+s12+$0x0], $0xffff  }
0x5d: {  	s10 =	sor.u32 $0x180, s9;
	s9 =	sadd.s32 $0x10, s9;
	v4 =	vshll.u32 v12, $0x2;
	v14 =	vshll.u32 v15, $0x2;
	v25 =	vor.u32 v3, v7;
	v26 =	vld.idx.msk [tilespmem:v6+s12+$0x0], $0xffff;
	[tilespmem:s4+$0xA080] =	vst v10  }
0x5e: {  	s21 =	sor.u32 $0x180, s9;
	v27 =	vor.u32 $0x80, v5;
	v3 =	vand.u32 $0xFFFFFE00, v4;
	v10 =	vld [tilespmem:s10+$0x0];
	v4 =	vshll.u32 v21, $0x2;
	[tilespmem:s4+$0xA100] =	vst v11  }
0x5f: {  	v6 =	vand.u32 $0xFFFFFE00, v14;
	v14 =	vor.u32 $0x100, v5;
	v7 =	vand.u32 $0xFFFFFE00, v4;
	v11 =	vld [tilespmem:s21+$0x0]  }
0x60: {  	v4 =	vand.u32 $0x7F, v12;
	v12 =	vand.u32 $0x7F, v15;
	v15 =	vor.u32 $0x180, v5;
	v28 =	vld.idx.msk [tilespmem:v5+s12+$0x0], $0xffff  }
0x61: {  	v3 =	vor.u32 v4, v3;
	v5 =	vand.u32 $0x7F, v21;
	v21 =	vor.u32 $0x80, v23;
	v29 =	vld.idx.msk [tilespmem:v23+s12+$0x0], $0xffff;
	[tilespmem:s4+$0xA000] =	vst v22;
	s4 =	smov.u32 s26  }
0x62: {  	v4 =	vor.u32 v12, v6;
	v12 =	vor.u32 $0x100, v23;
	v6 =	vor.u32 v5, v7;
	v7 =	vld.idx.msk [tilespmem:v25+s12+$0x0], $0xffff;
	[tilespmem:s2+$0xA000] =	vst v9;
	s2 =	smov.u32 s10  }
0x63: {  	v22 =	vor.u32 $0x180, v23;
	v5 =	vand.u32 $0x7F, v10;
	v9 =	vshll.u32 v10, $0x2;
	v10 =	vld.idx.msk [tilespmem:v27+s12+$0x0], $0xffff;
	[tilespmem:s18+$0x0] =	vst v13  }
0x64: {  	v27 =	vor.u32 $0x80, v3;
	v13 =	vor.u32 $0x80, v25;
	v9 =	vand.u32 $0xFFFFFE00, v9;
	v30 =	vld.idx.msk [tilespmem:v14+s12+$0x0], $0xffff;
	[tilespmem:s19+$0x0] =	vst v8  }
0x65: {  	v14 =	vshll.u32 v11, $0x2;
	v5 =	vor.u32 v5, v9;
	v8 =	vld.idx.msk [tilespmem:v15+s12+$0x0], $0xffff;
	v9 =	vor.u32 $0x100, v25;
	[tilespmem:s20+$0x0] =	vst v19  }
0x66: {  	v11 =	vand.u32 $0x7F, v11;
	v15 =	vor.u32 $0x180, v25;
	v14 =	vand.u32 $0xFFFFFE00, v14;
	v31 =	vld.idx.msk [tilespmem:v21+s12+$0x0], $0xffff;
	[tilespmem:s24+$0x0] =	vst v20  }
0x67: {  	v25 =	vor.u32 $0x80, v5;
	v32 =	vor.u32 $0x100, v5;
	v11 =	vor.u32 v11, v14;
	v33 =	vld.idx.msk [tilespmem:v12+s12+$0x0], $0xffff;
	[tilespmem:s15+$0x0] =	vst v26  }
0x68: {  	v34 =	vor.u32 $0x180, v5;
	v26 =	vor.u32 $0x100, v3;
	v12 =	vor.u32 $0x80, v11;
	v35 =	vld.idx.msk [tilespmem:v22+s12+$0x0], $0xffff;
	[tilespmem:s3+$0x0] =	vst v16  }
0x69: {  	v36 =	vor.u32 $0x180, v3;
	v37 =	vor.u32 $0x80, v4;
	v16 =	vld.idx.msk [tilespmem:v13+s12+$0x0], $0xffff;
	v13 =	vor.u32 $0x100, v11;
	[tilespmem:s23+$0x0] =	vst v17  }
0x6a: {  	v19 =	vor.u32 $0x100, v4;
	v20 =	vor.u32 $0x180, v4;
	v17 =	vld.idx.msk [tilespmem:v9+s12+$0x0], $0xffff;
	v9 =	vor.u32 $0x180, v11;
	[tilespmem:s22+$0x0] =	vst v18  }
0x6b: {  	v23 =	vor.u32 $0x80, v6;
	v21 =	vor.u32 $0x180, v6;
	v22 =	vor.u32 $0x100, v6;
	v18 =	vld.idx.msk [tilespmem:v15+s12+$0x0], $0xffff;
	[tilespmem:s14+$0x0] =	vst v24  }
0x6c: {  	v15 =	vld.idx.msk [tilespmem:v11+s12+$0x0], $0xffff;
	[tilespmem:s17+$0x0] =	vst v0  }
0x6d: {  	v14 =	vld.idx.msk [tilespmem:v12+s12+$0x0], $0xffff;
	[tilespmem:s11+$0x0] =	vst v1  }
0x6e: {  	v13 =	vld.idx.msk [tilespmem:v13+s12+$0x0], $0xffff;
	[tilespmem:s7+$0x0] =	vst v2  }
0x6f: {  	v12 =	vld.idx.msk [tilespmem:v9+s12+$0x0], $0xffff;
	[tilespmem:s25+$0xA000] =	vst v28  }
0x70: {  	s3 =	sor.u32 $0xC000, s1;
	v0 =	vld.idx.msk [tilespmem:v25+s12+$0x0], $0xffff;
	[tilespmem:s25+$0xA080] =	vst v10  }
0x71: {  	s18 =	sor.u32 s0, s3;
	v1 =	vld.idx.msk [tilespmem:v32+s12+$0x0], $0xffff;
	[tilespmem:s25+$0xA100] =	vst v30  }
.Ltmp0:
0x72: {  	s3 =	sor.u32 s5, s3;
	s7 =	sor.u32 $0xC080, s1;
	v2 =	vld.idx.msk [tilespmem:v34+s12+$0x0], $0xffff;
	[tilespmem:s21+$0xA000] =	vst v8;
	(pc) =	sbr.rel @p0 .LBB2_2-.Ltmp0, $4  }
0x73: {  	s9 =	sor.u32 $0xC100, s1;
	s19 =	sor.u32 s0, s7;
	v10 =	vld.idx.msk [tilespmem:v27+s12+$0x0], $0xffff;
	[tilespmem:s3+$0x0] =	vst v29;
	s3 =	sor.u32 s5, s7  }
0x74: {  	s20 =	sor.u32 s0, s9;
	s9 =	sor.u32 s5, s9;
	s7 =	sor.u32 $0xC180, s1;
	v11 =	vld.idx.msk [tilespmem:v26+s12+$0x0], $0xffff;
	[tilespmem:s3+$0x0] =	vst v31  }
0x75: {  	s24 =	sor.u32 s0, s7;
	s3 =	sor.u32 $0xE000, s1;
	v9 =	vld.idx.msk [tilespmem:v36+s12+$0x0], $0xffff;
	[tilespmem:s9+$0x0] =	vst v33;
	s9 =	sor.u32 s5, s7  }
0x76: {  	s8 =	sadd.s32 $0x80, s8;
	s7 =	sor.u32 $0xE080, s1;
	v8 =	vld.idx.msk [tilespmem:v37+s12+$0x0], $0xffff;
	[tilespmem:s9+$0x0] =	vst v35;
	s9 =	sor.u32 s5, s3  }
0x77: {  	_ =	sdelay $0x3  }
0x78: {  	v19 =	vld.idx.msk [tilespmem:v19+s12+$0x0], $0xffff  }
0x79: {  	[tilespmem:s9+$0x0] =	vst v7;
	v7 =	vld.idx.msk [tilespmem:v20+s12+$0x0], $0xffff  }
0x7a: {  	v5 =	vld.idx.msk [tilespmem:v5+s12+$0x0], $0xffff  }
0x7b: {  	v3 =	vld.idx.msk [tilespmem:v3+s12+$0x0], $0xffff  }
0x7c: {  	s6 =	sor.u32 $0xE100, s1;
	s8 =	sor.u32 s5, s7;
	v4 =	vld.idx.msk [tilespmem:v4+s12+$0x0], $0xffff  }
0x7d: {  	s15 =	sor.u32 $0xE180, s1;
	v6 =	vld.idx.msk [tilespmem:v6+s12+$0x0], $0xffff;
	[tilespmem:s8+$0x0] =	vst v16;
	s16 =	sor.u32 s5, s6  }
0x7e: {  	v16 =	vld.idx.msk [tilespmem:v23+s12+$0x0], $0xffff;
	s17 =	sor.u32 s5, s15;
	[tilespmem:s16+$0x0] =	vst v17  }
0x7f: {  	v17 =	vld.idx.msk [tilespmem:v22+s12+$0x0], $0xffff;
	[tilespmem:s17+$0x0] =	vst v18  }
0x80: {  	s10 =	sor.u32 $0x10000, s1;
	v18 =	vld.idx.msk [tilespmem:v21+s12+$0x0], $0xffff;
	[tilespmem:s4+$0xA080] =	vst v10  }
0x81: {  	s11 =	sor.u32 $0x10080, s1;
	s21 =	sor.u32 s5, s10;
	[tilespmem:s4+$0xA100] =	vst v11  }
0x82: {  	s22 =	sor.u32 s5, s11;
	[tilespmem:s21+$0x0] =	vst v15  }
0x83: {  	s14 =	sor.u32 $0x10100, s1;
	[tilespmem:s22+$0x0] =	vst v14  }
0x84: {  	s25 =	sor.u32 s5, s14;
	[tilespmem:s4+$0xA000] =	vst v3  }
0x85: {  	s23 =	sor.u32 $0x10180, s1;
	[tilespmem:s25+$0x0] =	vst v13  }
0x86: {  	s26 =	sor.u32 s5, s23;
	[tilespmem:s2+$0xA000] =	vst v9  }
0x87: {  	[tilespmem:s26+$0x0] =	vst v12  }
0x88: {  	[tilespmem:s18+$0x0] =	vst v4  }
0x89: {  	[tilespmem:s19+$0x0] =	vst v8  }
0x8a: {  	[tilespmem:s20+$0x0] =	vst v19  }
0x8b: {  	s28 =	sor.u32 s0, s3;
	[tilespmem:s24+$0x0] =	vst v7  }
0x8c: {  	s29 =	sor.u32 s0, s7;
	[tilespmem:s28+$0x0] =	vst v6  }
0x8d: {  	s31 =	sor.u32 s0, s6;
	[tilespmem:s29+$0x0] =	vst v16  }
0x8e: {  	s4 =	sor.u32 s0, s15;
	[tilespmem:s31+$0x0] =	vst v17  }
0x8f: {  	s5 =	sor.u32 s0, s10;
	[tilespmem:s4+$0x0] =	vst v18  }
0x90: {  	s6 =	sor.u32 s0, s11;
	[tilespmem:s5+$0x0] =	vst v5  }
0x91: {  	s7 =	sor.u32 s0, s14;
	[tilespmem:s6+$0x0] =	vst v0  }
0x92: {  	s8 =	sor.u32 s0, s23;
	[tilespmem:s7+$0x0] =	vst v1  }
0x93: {  	[tilespmem:s8+$0x0] =	vst v2  }
0x94: {  	s9 =	simm.s32 $0x400;
	s10 =	simm.s32 $0xA000;
	s0 =	rddreg [dreg:$0x6]  }
0x95: {  	[hbm4b:s0+s30] =	stream.strided.scatter [tilespmem:s10], [sflag:$0x3], $0x2000, s9, s30, $0x38;
	[tilespmem:$0x1A000] =	vst v63  }
0x96: {  	s14 =	simm.s32 $0xC000;
	s11 =	rddreg [dreg:$0x8]  }
0x97: {  	[hbm4b:s11+s30] =	stream.strided.scatter [tilespmem:s14], [sflag:$0x3], $0x2000, s9, s30, $0x38;
	[tilespmem:$0x1A000] =	vst v63  }
0x98: {  	s16 =	simm.s32 $0xE000;
	s15 =	rddreg [dreg:$0xa]  }
0x99: {  	[hbm4b:s15+s30] =	stream.strided.scatter [tilespmem:s16], [sflag:$0x3], $0x2000, s9, s30, $0x38;
	[tilespmem:$0x1A000] =	vst v63  }
0x9a: {  	s18 =	simm.s32 $0x10000;
	s17 =	rddreg [dreg:$0xb]  }
0x9b: {  	[hbm4b:s17+s30] =	stream.strided.scatter [tilespmem:s18], [sflag:$0x3], $0x2000, s9, s30, $0x38;
	[tilespmem:$0x1A000] =	vst v63  }
0x9c: {  	s20 =	simm.s32 $0x2;
	s5 =	simm.s32 $0x0;
	s19 =	rddreg [dreg:$0xd]  }
0x9d: {  	[tilespmem:s12], [sflag:$0x1] =	stream.strided.gather [hbm4b:s19+s30], $0x4000, s9, s30, $0x38;
	[tilespmem:$0x1A000] =	vst v63  }
0x9e: {  	s6 =	simm.s32 $0x0;
	s0 =	sand.u32 $0x60, s5;
	_ =	swait.ge [sflag:s20], $0x4000  }
0x9f: {  	s8 =	sand.u32 $0x1E00, s6;
	s1 =	sor.u32 $0x10, s0;
	[sflag:s20] =	ssyncset.done $0x0  }
0xa0: {  	s21 =	sor.u32 s1, s8;
	[sflag:s20] =	ssyncadd.s32 $0xFFFFC000  }
0xa1: {  	v0 =	vld [tilespmem:s21+$0x0]  }
0xa2: {  	v1 =	vld [tilespmem:s21+$0x80];
	_ =	sdelay $0x2  }
0xa3: {  	v2 =	vld [tilespmem:s21+$0x100]  }
0xa4: {  	s22 =	sand.u32 $0x3, s6;
	v3 =	vand.u32 $0x7F, v0;
	v0 =	vshll.u32 v0, $0x2  }
0xa5: {  	s2 =	sshll.u32 s22, $0x5;
	s4 =	sor.u32 s0, s8;
	v4 =	vand.u32 $0x7F, v1;
	v1 =	vshll.u32 v1, $0x2;
	v0 =	vand.u32 $0xFFFFFE00, v0  }
0xa6: {  	s23 =	sadd.s32 $0x0, s2;
	v5 =	vld [tilespmem:s4+$0x0];
	v1 =	vand.u32 $0xFFFFFE00, v1;
	v0 =	vor.u32 v3, v0  }
0xa7: {  	s7 =	sadd.s32 $0x10, s23;
	v8 =	vld [tilespmem:s4+$0x80];
	v1 =	vor.u32 v4, v1  }
0xa8: {  	s7 =	sor.u32 $0x180, s7;
	v9 =	vld [tilespmem:s4+$0x100];
	v3 =	vshll.u32 v2, $0x2;
	v4 =	vor.u32 $0x80, v0  }
0xa9: {  	s2 =	sor.u32 $0x180, s23;
	v6 =	vld [tilespmem:s7+$0x0];
	v2 =	vand.u32 $0x7F, v2;
	v3 =	vand.u32 $0xFFFFFE00, v3;
	v10 =	vor.u32 $0x100, v0  }
0xaa: {  	v12 =	vor.u32 $0x80, v1;
	v2 =	vor.u32 v2, v3;
	v3 =	vld [tilespmem:s2+$0x0]  }
0xab: {  	v11 =	vld.idx.msk [tilespmem:v0+s13+$0x0], $0xffff;
	v0 =	vor.u32 $0x180, v0  }
0xac: {  	v13 =	vor.u32 $0x100, v1;
	v19 =	vld.idx.msk [tilespmem:v1+s13+$0x0], $0xffff  }
0xad: {  	v20 =	vld.idx.msk [tilespmem:v4+s13+$0x0], $0xffff  }
0xae: {  	v1 =	vor.u32 $0x180, v1;
	v10 =	vld.idx.msk [tilespmem:v10+s13+$0x0], $0xffff  }
0xaf: {  	v14 =	vshll.u32 v6, $0x2;
	v4 =	vor.u32 $0x80, v2;
	v22 =	vld.idx.msk [tilespmem:v12+s13+$0x0], $0xffff  }
0xb0: {  	v6 =	vand.u32 $0x7F, v6;
	v12 =	vand.u32 $0xFFFFFE00, v14;
	v21 =	vld.idx.msk [tilespmem:v0+s13+$0x0], $0xffff;
	v0 =	vor.u32 $0x100, v2  }
0xb1: {  	v23 =	vld.idx.msk [tilespmem:v13+s13+$0x0], $0xffff;
	v12 =	vor.u32 v6, v12  }
0xb2: {  	v7 =	vld.idx.msk [tilespmem:v2+s13+$0x0], $0xffff;
	v2 =	vor.u32 $0x180, v2  }
0xb3: {  	v24 =	vld.idx.msk [tilespmem:v1+s13+$0x0], $0xffff;
	v1 =	vor.u32 $0x80, v12  }
0xb4: {  	v6 =	vshll.u32 v3, $0x2;
	v16 =	vld.idx.msk [tilespmem:v4+s13+$0x0], $0xffff;
	v4 =	vor.u32 $0x100, v12  }
0xb5: {  	v3 =	vand.u32 $0x7F, v3;
	v6 =	vand.u32 $0xFFFFFE00, v6;
	v17 =	vld.idx.msk [tilespmem:v0+s13+$0x0], $0xffff;
	v0 =	vor.u32 $0x180, v12  }
0xb6: {  	v6 =	vor.u32 v3, v6;
	v15 =	vld.idx.msk [tilespmem:v12+s13+$0x0], $0xffff  }
0xb7: {  	v25 =	vor.u32 $0x80, v6;
	v18 =	vld.idx.msk [tilespmem:v2+s13+$0x0], $0xffff;
	v2 =	vshll.u32 v5, $0x2  }
0xb8: {  	v3 =	vand.u32 $0x7F, v5;
	v5 =	vor.u32 $0x100, v6;
	v14 =	vld.idx.msk [tilespmem:v1+s13+$0x0], $0xffff;
	v2 =	vand.u32 $0xFFFFFE00, v2  }
0xb9: {  	v13 =	vld.idx.msk [tilespmem:v4+s13+$0x0], $0xffff;
	v3 =	vor.u32 v3, v2;
	v2 =	vor.u32 $0x180, v6  }
0xba: {  	v1 =	vshll.u32 v8, $0x2;
	v26 =	vor.u32 $0x80, v3;
	v12 =	vld.idx.msk [tilespmem:v0+s13+$0x0], $0xffff;
	[tilespmem:s21+$0x12000] =	vst v11  }
0xbb: {  	v27 =	vor.u32 $0x180, v3;
	v0 =	vand.u32 $0xFFFFFE00, v1;
	v1 =	vand.u32 $0x7F, v8;
	[tilespmem:s21+$0x12080] =	vst v20  }
0xbc: {  	s24 =	sor.u32 $0x14000, s8;
	v8 =	vor.u32 $0x100, v3;
	[tilespmem:s21+$0x12100] =	vst v10;
	v4 =	vor.u32 v1, v0;
	v0 =	vld.idx.msk [tilespmem:v25+s13+$0x0], $0xffff  }
0xbd: {  	s25 =	sor.u32 $0x14080, s8;
	s26 =	sor.u32 s1, s24;
	v1 =	vld.idx.msk [tilespmem:v5+s13+$0x0], $0xffff;
	[tilespmem:s7+$0x12000] =	vst v21;
	v5 =	vshll.u32 v9, $0x2;
	v63 =	vor.u32 $0x80, v4  }
0xbe: {  	s28 =	sor.u32 $0x14100, s8;
	s3 =	sor.u32 s1, s25;
	v9 =	vand.u32 $0x7F, v9;
	v2 =	vld.idx.msk [tilespmem:v2+s13+$0x0], $0xffff;
	[tilespmem:s26+$0x0] =	vst v19;
	v5 =	vand.u32 $0xFFFFFE00, v5;
	v19 =	vor.u32 $0x100, v4  }
0xbf: {  	s29 =	sor.u32 $0x14180, s8;
	s9 =	sor.u32 s1, s28;
	v20 =	vor.u32 $0x180, v4;
	v10 =	vld.idx.msk [tilespmem:v26+s13+$0x0], $0xffff;
	[tilespmem:s3+$0x0] =	vst v22;
	v5 =	vor.u32 v9, v5  }
0xc0: {  	s31 =	sor.u32 s1, s29;
	s16 =	simm.s32 $0x80;
	s18 =	sor.u32 s0, s24;
	v9 =	vld.idx.msk [tilespmem:v27+s13+$0x0], $0xffff;
	[tilespmem:s9+$0x0] =	vst v23;
	v23 =	vor.u32 $0x80, v5  }
0xc1: {  	s24 =	sor.u32 s0, s29;
	s19 =	sor.u32 s0, s25;
	s3 =	sor.u32 $0x16000, s8;
	v22 =	vor.u32 $0x100, v5;
	v11 =	vld.idx.msk [tilespmem:v8+s13+$0x0], $0xffff  }
0xc2: {  	s20 =	sor.u32 s0, s28;
	s7 =	sor.u32 $0x16080, s8;
	v21 =	vor.u32 $0x180, v5;
	s9 =	sor.u32 s1, s3;
	[tilespmem:s31+$0x0] =	vst v24;
	v8 =	vld.idx.msk [tilespmem:v63+s13+$0x0], $0xffff  }
.LBB2_4:
0xc3: {  	s5 =	sadd.s32 $0x20, s5;
	v19 =	vld.idx.msk [tilespmem:v19+s13+$0x0], $0xffff;
	s10 =	sor.u32 $0x16100, s8;
	[tilespmem:s9+$0x0] =	vst v7;
	s9 =	sor.u32 s1, s7  }
0xc4: {  	s21 =	sand.u32 $0x1E00, s16;
	s11 =	sor.u32 $0x16180, s8;
	v20 =	vld.idx.msk [tilespmem:v20+s13+$0x0], $0xffff;
	[tilespmem:s9+$0x0] =	vst v16;
	s9 =	sor.u32 s1, s10  }
0xc5: {  	s14 =	sor.u32 $0x18000, s8;
	s28 =	sand.u32 $0x60, s5;
	v16 =	vld.idx.msk [tilespmem:v23+s13+$0x0], $0xffff;
	[tilespmem:s9+$0x0] =	vst v17;
	s9 =	sor.u32 s1, s11  }
0xc6: {  	s17 =	sor.u32 $0x18080, s8;
	s29 =	sor.u32 $0x10, s28;
	v17 =	vld.idx.msk [tilespmem:v22+s13+$0x0], $0xffff;
	[tilespmem:s9+$0x0] =	vst v18;
	s9 =	sor.u32 s1, s14  }
0xc7: {  	s31 =	sor.u32 $0x18100, s8;
	s25 =	sor.u32 s29, s21;
	v18 =	vld.idx.msk [tilespmem:v21+s13+$0x0], $0xffff;
	[tilespmem:s9+$0x0] =	vst v15;
	s9 =	sor.u32 s1, s17  }
0xc8: {  	s8 =	sor.u32 $0x18180, s8;
	s26 =	sor.u32 s28, s21;
	v7 =	vld [tilespmem:s25+$0x0];
	[tilespmem:s9+$0x0] =	vst v14;
	s9 =	sor.u32 s1, s31  }
0xc9: {  	s15 =	sor.u32 s0, s3;
	s3 =	sor.u32 s0, s7;
	s1 =	sor.u32 s1, s8;
	v14 =	vld [tilespmem:s25+$0x80];
	[tilespmem:s9+$0x0] =	vst v13  }
0xca: {  	s23 =	sor.u32 s0, s10;
	s22 =	sor.u32 s0, s11;
	s14 =	sor.u32 s0, s14;
	v13 =	vld [tilespmem:s25+$0x100];
	[tilespmem:s1+$0x0] =	vst v12  }
0xcb: {  	s7 =	sor.u32 s0, s8;
	s11 =	sor.u32 s0, s31;
	s17 =	sor.u32 s0, s17;
	v12 =	vld [tilespmem:s26+$0x0]  }
0xcc: {  	p0 =	slt.u32 s5, $0x7E0;
	s0 =	smov.u32 s28;
	s8 =	smov.u32 s21;
	v15 =	vld [tilespmem:s26+$0x80]  }
0xcd: {  	s6 =	sadd.s32 $0x1, s6;
	s1 =	smov.u32 s29;
	v21 =	vld [tilespmem:s26+$0x100];
	v22 =	vand.u32 $0x7F, v7;
	v7 =	vshll.u32 v7, $0x2  }
0xce: {  	s9 =	sand.u32 $0x3, s6;
	v7 =	vand.u32 $0xFFFFFE00, v7;
	v23 =	vand.u32 $0x7F, v14;
	v14 =	vshll.u32 v14, $0x2;
	v24 =	vld.idx.msk [tilespmem:v6+s13+$0x0], $0xffff  }
0xcf: {  	s9 =	sshll.u32 s9, $0x5;
	v6 =	vor.u32 v22, v7;
	v7 =	vand.u32 $0xFFFFFE00, v14;
	v14 =	vshll.u32 v13, $0x2;
	v22 =	vld.idx.msk [tilespmem:v3+s13+$0x0], $0xffff  }
0xd0: {  	s9 =	sadd.s32 s9, s16;
	v3 =	vand.u32 $0x7F, v13;
	v23 =	vor.u32 v23, v7;
	v7 =	vand.u32 $0xFFFFFE00, v14;
	v13 =	vld.idx.msk [tilespmem:v4+s13+$0x0], $0xffff  }
0xd1: {  	s10 =	sor.u32 $0x180, s9;
	s9 =	sadd.s32 $0x10, s9;
	v4 =	vshll.u32 v12, $0x2;
	v14 =	vshll.u32 v15, $0x2;
	v25 =	vor.u32 v3, v7;
	v26 =	vld.idx.msk [tilespmem:v5+s13+$0x0], $0xffff;
	[tilespmem:s4+$0x12080] =	vst v10  }
0xd2: {  	s21 =	sor.u32 $0x180, s9;
	v27 =	vor.u32 $0x80, v6;
	v3 =	vand.u32 $0xFFFFFE00, v4;
	v10 =	vld [tilespmem:s10+$0x0];
	v4 =	vshll.u32 v21, $0x2;
	[tilespmem:s4+$0x12100] =	vst v11  }
0xd3: {  	v5 =	vand.u32 $0xFFFFFE00, v14;
	v14 =	vor.u32 $0x100, v6;
	v7 =	vand.u32 $0xFFFFFE00, v4;
	v11 =	vld [tilespmem:s21+$0x0]  }
0xd4: {  	v4 =	vand.u32 $0x7F, v12;
	v12 =	vand.u32 $0x7F, v15;
	v15 =	vor.u32 $0x180, v6;
	v28 =	vld.idx.msk [tilespmem:v6+s13+$0x0], $0xffff  }
0xd5: {  	v3 =	vor.u32 v4, v3;
	v6 =	vand.u32 $0x7F, v21;
	v21 =	vor.u32 $0x80, v23;
	v29 =	vld.idx.msk [tilespmem:v23+s13+$0x0], $0xffff;
	[tilespmem:s4+$0x12000] =	vst v22;
	s4 =	smov.u32 s26  }
0xd6: {  	v4 =	vor.u32 v12, v5;
	v12 =	vor.u32 $0x100, v23;
	v5 =	vor.u32 v6, v7;
	v7 =	vld.idx.msk [tilespmem:v25+s13+$0x0], $0xffff;
	[tilespmem:s2+$0x12000] =	vst v9;
	s2 =	smov.u32 s10  }
0xd7: {  	v22 =	vor.u32 $0x180, v23;
	v6 =	vand.u32 $0x7F, v10;
	v9 =	vshll.u32 v10, $0x2;
	v10 =	vld.idx.msk [tilespmem:v27+s13+$0x0], $0xffff;
	[tilespmem:s18+$0x0] =	vst v13  }
0xd8: {  	v27 =	vor.u32 $0x80, v3;
	v13 =	vor.u32 $0x80, v25;
	v9 =	vand.u32 $0xFFFFFE00, v9;
	v30 =	vld.idx.msk [tilespmem:v14+s13+$0x0], $0xffff;
	[tilespmem:s19+$0x0] =	vst v8  }
0xd9: {  	v14 =	vshll.u32 v11, $0x2;
	v6 =	vor.u32 v6, v9;
	v8 =	vld.idx.msk [tilespmem:v15+s13+$0x0], $0xffff;
	v9 =	vor.u32 $0x100, v25;
	[tilespmem:s20+$0x0] =	vst v19  }
0xda: {  	v11 =	vand.u32 $0x7F, v11;
	v15 =	vor.u32 $0x180, v25;
	v14 =	vand.u32 $0xFFFFFE00, v14;
	v31 =	vld.idx.msk [tilespmem:v21+s13+$0x0], $0xffff;
	[tilespmem:s24+$0x0] =	vst v20  }
0xdb: {  	v25 =	vor.u32 $0x80, v6;
	v32 =	vor.u32 $0x100, v6;
	v11 =	vor.u32 v11, v14;
	v33 =	vld.idx.msk [tilespmem:v12+s13+$0x0], $0xffff;
	[tilespmem:s15+$0x0] =	vst v26  }
0xdc: {  	v34 =	vor.u32 $0x180, v6;
	v26 =	vor.u32 $0x100, v3;
	v12 =	vor.u32 $0x80, v11;
	v35 =	vld.idx.msk [tilespmem:v22+s13+$0x0], $0xffff;
	[tilespmem:s3+$0x0] =	vst v16  }
0xdd: {  	v36 =	vor.u32 $0x180, v3;
	v37 =	vor.u32 $0x80, v4;
	v16 =	vld.idx.msk [tilespmem:v13+s13+$0x0], $0xffff;
	v13 =	vor.u32 $0x100, v11;
	[tilespmem:s23+$0x0] =	vst v17  }
0xde: {  	v19 =	vor.u32 $0x100, v4;
	v20 =	vor.u32 $0x180, v4;
	v17 =	vld.idx.msk [tilespmem:v9+s13+$0x0], $0xffff;
	v9 =	vor.u32 $0x180, v11;
	[tilespmem:s22+$0x0] =	vst v18  }
0xdf: {  	v23 =	vor.u32 $0x80, v5;
	v21 =	vor.u32 $0x180, v5;
	v22 =	vor.u32 $0x100, v5;
	v18 =	vld.idx.msk [tilespmem:v15+s13+$0x0], $0xffff;
	[tilespmem:s14+$0x0] =	vst v24  }
0xe0: {  	v15 =	vld.idx.msk [tilespmem:v11+s13+$0x0], $0xffff;
	[tilespmem:s17+$0x0] =	vst v0  }
0xe1: {  	v14 =	vld.idx.msk [tilespmem:v12+s13+$0x0], $0xffff;
	[tilespmem:s11+$0x0] =	vst v1  }
0xe2: {  	v13 =	vld.idx.msk [tilespmem:v13+s13+$0x0], $0xffff;
	[tilespmem:s7+$0x0] =	vst v2  }
0xe3: {  	v12 =	vld.idx.msk [tilespmem:v9+s13+$0x0], $0xffff;
	[tilespmem:s25+$0x12000] =	vst v28  }
0xe4: {  	s3 =	sor.u32 $0x14000, s8;
	v0 =	vld.idx.msk [tilespmem:v25+s13+$0x0], $0xffff;
	[tilespmem:s25+$0x12080] =	vst v10  }
0xe5: {  	s18 =	sor.u32 s0, s3;
	v1 =	vld.idx.msk [tilespmem:v32+s13+$0x0], $0xffff;
	[tilespmem:s25+$0x12100] =	vst v30  }
.Ltmp1:
0xe6: {  	s3 =	sor.u32 s1, s3;
	s7 =	sor.u32 $0x14080, s8;
	v2 =	vld.idx.msk [tilespmem:v34+s13+$0x0], $0xffff;
	[tilespmem:s21+$0x12000] =	vst v8;
	(pc) =	sbr.rel @p0 .LBB2_4-.Ltmp1, $4  }
0xe7: {  	s9 =	sor.u32 $0x14100, s8;
	s19 =	sor.u32 s0, s7;
	v10 =	vld.idx.msk [tilespmem:v27+s13+$0x0], $0xffff;
	[tilespmem:s3+$0x0] =	vst v29;
	s3 =	sor.u32 s1, s7  }
0xe8: {  	s20 =	sor.u32 s0, s9;
	s9 =	sor.u32 s1, s9;
	s7 =	sor.u32 $0x14180, s8;
	v11 =	vld.idx.msk [tilespmem:v26+s13+$0x0], $0xffff;
	[tilespmem:s3+$0x0] =	vst v31  }
0xe9: {  	s24 =	sor.u32 s0, s7;
	s3 =	sor.u32 $0x16000, s8;
	v9 =	vld.idx.msk [tilespmem:v36+s13+$0x0], $0xffff;
	[tilespmem:s9+$0x0] =	vst v33;
	s9 =	sor.u32 s1, s7  }
0xea: {  	s16 =	sadd.s32 $0x80, s16;
	s7 =	sor.u32 $0x16080, s8;
	v8 =	vld.idx.msk [tilespmem:v37+s13+$0x0], $0xffff;
	[tilespmem:s9+$0x0] =	vst v35;
	s9 =	sor.u32 s1, s3  }
0xeb: {  	_ =	sdelay $0x3  }
0xec: {  	v19 =	vld.idx.msk [tilespmem:v19+s13+$0x0], $0xffff  }
0xed: {  	v60 =	vld.idx.msk [tilespmem:v20+s13+$0x0], $0xffff  }
0xee: {  	v61 =	vld.idx.msk [tilespmem:v23+s13+$0x0], $0xffff  }
0xef: {  	v62 =	vld.idx.msk [tilespmem:v22+s13+$0x0], $0xffff  }
0xf0: {  	v63 =	vld.idx.msk [tilespmem:v21+s13+$0x0], $0xffff  }
0xf1: {  	v6 =	vld.idx.msk [tilespmem:v6+s13+$0x0], $0xffff  }
0xf2: {  	[tilespmem:s9+$0x0] =	vst v7;
	s6 =	sor.u32 s1, s7;
	v3 =	vld.idx.msk [tilespmem:v3+s13+$0x0], $0xffff  }
0xf3: {  	s5 =	sor.u32 $0x16100, s8;
	v4 =	vld.idx.msk [tilespmem:v4+s13+$0x0], $0xffff;
	[tilespmem:s6+$0x0] =	vst v16  }
0xf4: {  	v5 =	vld.idx.msk [tilespmem:v5+s13+$0x0], $0xffff;
	s22 =	sor.u32 s1, s5;
	[tilespmem:s4+$0x12080] =	vst v10  }
0xf5: {  	s21 =	sor.u32 $0x16180, s8;
	[tilespmem:s22+$0x0] =	vst v17  }
0xf6: {  	s10 =	sor.u32 $0x18000, s8;
	s23 =	sor.u32 s1, s21;
	[tilespmem:s4+$0x12100] =	vst v11  }
0xf7: {  	s11 =	sor.u32 $0x18080, s8;
	s25 =	sor.u32 s1, s10;
	[tilespmem:s23+$0x0] =	vst v18  }
0xf8: {  	s26 =	sor.u32 s1, s11;
	[tilespmem:s25+$0x0] =	vst v15  }
0xf9: {  	s14 =	sor.u32 $0x18100, s8;
	[tilespmem:s26+$0x0] =	vst v14  }
0xfa: {  	s29 =	sor.u32 s1, s14;
	[tilespmem:s4+$0x12000] =	vst v3  }
0xfb: {  	s28 =	sor.u32 $0x18180, s8;
	[tilespmem:s29+$0x0] =	vst v13  }
0xfc: {  	s31 =	sor.u32 s1, s28;
	[tilespmem:s2+$0x12000] =	vst v9  }
0xfd: {  	[tilespmem:s31+$0x0] =	vst v12  }
0xfe: {  	[tilespmem:s18+$0x0] =	vst v4  }
0xff: {  	[tilespmem:s19+$0x0] =	vst v8  }
0x100: {  	[tilespmem:s20+$0x0] =	vst v19  }
0x101: {  	s6 =	sor.u32 s0, s3;
	[tilespmem:s24+$0x0] =	vst v60  }
0x102: {  	s7 =	sor.u32 s0, s7;
	[tilespmem:s6+$0x0] =	vst v5  }
0x103: {  	s15 =	sor.u32 s0, s5;
	[tilespmem:s7+$0x0] =	vst v61  }
0x104: {  	s16 =	sor.u32 s0, s21;
	[tilespmem:s15+$0x0] =	vst v62  }
0x105: {  	s17 =	sor.u32 s0, s10;
	[tilespmem:s16+$0x0] =	vst v63  }
0x106: {  	s18 =	sor.u32 s0, s11;
	[tilespmem:s17+$0x0] =	vst v6  }
0x107: {  	s19 =	sor.u32 s0, s14;
	[tilespmem:s18+$0x0] =	vst v0  }
0x108: {  	s20 =	sor.u32 s0, s28;
	[tilespmem:s19+$0x0] =	vst v1  }
0x109: {  	[tilespmem:s20+$0x0] =	vst v2  }
0x10a: {  	s21 =	simm.s32 $0x400;
	s22 =	simm.s32 $0x12000;
	s0 =	rddreg [dreg:$0xe]  }
0x10b: {  	[hbm4b:s0+s30] =	stream.strided.scatter [tilespmem:s22], [sflag:$0x4], $0x2000, s21, s30, $0x38;
	[tilespmem:$0x1A000] =	vst v63  }
0x10c: {  	s24 =	simm.s32 $0x14000;
	s23 =	rddreg [dreg:$0x10]  }
0x10d: {  	[hbm4b:s23+s30] =	stream.strided.scatter [tilespmem:s24], [sflag:$0x4], $0x2000, s21, s30, $0x38;
	[tilespmem:$0x1A000] =	vst v63  }
0x10e: {  	s26 =	simm.s32 $0x16000;
	s25 =	rddreg [dreg:$0x11]  }
0x10f: {  	[hbm4b:s25+s30] =	stream.strided.scatter [tilespmem:s26], [sflag:$0x4], $0x2000, s21, s30, $0x38;
	[tilespmem:$0x1A000] =	vst v63  }
0x110: {  	s29 =	simm.s32 $0x18000;
	s28 =	rddreg [dreg:$0x12]  }
0x111: {  	[hbm4b:s28+s30] =	stream.strided.scatter [tilespmem:s29], [sflag:$0x4], $0x2000, s21, s30, $0x38;
	[tilespmem:$0x1A000] =	vst v63  }
0x112: {  	s4 =	simm.s32 $0x0;
	s31 =	rddreg [dreg:$0x13]  }
0x113: {  	[tilespmem:s13], [sflag:$0x2] =	stream.strided.gather [hbm4b:s31+s30], $0x4000, s21, s30, $0x38;
	[tilespmem:$0x1A000] =	vst v63  }
.LBB2_6:
0x114: {  	s0 =	simm.s32 $0x1  }
0x115: {  	_ =	swait.ge [sflag:s0], $0x4000  }
0x116: {  	[sflag:s0] =	ssyncset.done $0x0  }
0x117: {  	s23 =	simm.s32 $0x3;
	[sflag:s0] =	ssyncadd.s32 $0xFFFFC000  }
0x118: {  	_ =	swait.ge [sflag:s23], $0x2000  }
0x119: {  	[sflag:s23] =	ssyncset.done $0x0  }
0x11a: {  	[sflag:s23] =	ssyncadd.s32 $0xFFFFE000  }
0x11b: {  	_ =	swait.ge [sflag:s23], $0x2000  }
0x11c: {  	[sflag:s23] =	ssyncset.done $0x0  }
0x11d: {  	[sflag:s23] =	ssyncadd.s32 $0xFFFFE000  }
0x11e: {  	_ =	swait.ge [sflag:s23], $0x2000  }
0x11f: {  	[sflag:s23] =	ssyncset.done $0x0  }
0x120: {  	s31 =	simm.s32 $0x0;
	[sflag:s23] =	ssyncadd.s32 $0xFFFFE000  }
0x121: {  	s2 =	simm.s32 $0x0;
	s6 =	sand.u32 $0x60, s31;
	_ =	swait.ge [sflag:s23], $0x2000  }
0x122: {  	s1 =	sand.u32 $0x1E00, s2;
	s8 =	sor.u32 $0x10, s6;
	[sflag:s23] =	ssyncset.done $0x0  }
0x123: {  	s24 =	sor.u32 s8, s1;
	[sflag:s23] =	ssyncadd.s32 $0xFFFFE000  }
0x124: {  	v0 =	vld [tilespmem:s24+$0x0]  }
0x125: {  	v1 =	vld [tilespmem:s24+$0x80];
	_ =	sdelay $0x2  }
0x126: {  	v2 =	vld [tilespmem:s24+$0x100]  }
0x127: {  	s2 =	sand.u32 $0x3, s2;
	v3 =	vand.u32 $0x7F, v0;
	v0 =	vshll.u32 v0, $0x2  }
0x128: {  	s5 =	sor.u32 s6, s1;
	s2 =	sshll.u32 s2, $0x5;
	v4 =	vand.u32 $0x7F, v1;
	v1 =	vshll.u32 v1, $0x2;
	v0 =	vand.u32 $0xFFFFFE00, v0  }
0x129: {  	s3 =	sadd.s32 $0x0, s2;
	v6 =	vld [tilespmem:s5+$0x0];
	v1 =	vand.u32 $0xFFFFFE00, v1;
	v0 =	vor.u32 v3, v0  }
0x12a: {  	s2 =	sor.u32 $0x180, s3;
	s3 =	sadd.s32 $0x10, s3;
	v8 =	vld [tilespmem:s5+$0x80];
	v1 =	vor.u32 v4, v1  }
0x12b: {  	s3 =	sor.u32 $0x180, s3;
	v9 =	vld [tilespmem:s5+$0x100];
	v3 =	vshll.u32 v2, $0x2;
	v4 =	vor.u32 $0x80, v0  }
0x12c: {  	v5 =	vld [tilespmem:s3+$0x0];
	v2 =	vand.u32 $0x7F, v2;
	v3 =	vand.u32 $0xFFFFFE00, v3;
	v10 =	vor.u32 $0x100, v0  }
0x12d: {  	v12 =	vor.u32 $0x80, v1;
	v2 =	vor.u32 v2, v3;
	v3 =	vld [tilespmem:s2+$0x0]  }
0x12e: {  	v11 =	vld.idx.msk [tilespmem:v0+s12+$0x0], $0xffff;
	v0 =	vor.u32 $0x180, v0  }
0x12f: {  	v13 =	vor.u32 $0x100, v1;
	v19 =	vld.idx.msk [tilespmem:v1+s12+$0x0], $0xffff  }
0x130: {  	v20 =	vld.idx.msk [tilespmem:v4+s12+$0x0], $0xffff  }
0x131: {  	v1 =	vor.u32 $0x180, v1;
	v10 =	vld.idx.msk [tilespmem:v10+s12+$0x0], $0xffff  }
0x132: {  	v14 =	vshll.u32 v5, $0x2;
	v4 =	vor.u32 $0x80, v2;
	v22 =	vld.idx.msk [tilespmem:v12+s12+$0x0], $0xffff  }
0x133: {  	v5 =	vand.u32 $0x7F, v5;
	v12 =	vand.u32 $0xFFFFFE00, v14;
	v21 =	vld.idx.msk [tilespmem:v0+s12+$0x0], $0xffff;
	v0 =	vor.u32 $0x100, v2  }
0x134: {  	v23 =	vld.idx.msk [tilespmem:v13+s12+$0x0], $0xffff;
	v12 =	vor.u32 v5, v12  }
0x135: {  	v7 =	vld.idx.msk [tilespmem:v2+s12+$0x0], $0xffff;
	v2 =	vor.u32 $0x180, v2  }
0x136: {  	v24 =	vld.idx.msk [tilespmem:v1+s12+$0x0], $0xffff;
	v1 =	vor.u32 $0x80, v12  }
0x137: {  	v5 =	vshll.u32 v3, $0x2;
	v16 =	vld.idx.msk [tilespmem:v4+s12+$0x0], $0xffff;
	v4 =	vor.u32 $0x100, v12  }
0x138: {  	v3 =	vand.u32 $0x7F, v3;
	v5 =	vand.u32 $0xFFFFFE00, v5;
	v17 =	vld.idx.msk [tilespmem:v0+s12+$0x0], $0xffff;
	v0 =	vor.u32 $0x180, v12  }
0x139: {  	v5 =	vor.u32 v3, v5;
	v15 =	vld.idx.msk [tilespmem:v12+s12+$0x0], $0xffff  }
0x13a: {  	v25 =	vor.u32 $0x80, v5;
	v18 =	vld.idx.msk [tilespmem:v2+s12+$0x0], $0xffff;
	v2 =	vshll.u32 v6, $0x2  }
0x13b: {  	v3 =	vand.u32 $0x7F, v6;
	v6 =	vor.u32 $0x100, v5;
	v14 =	vld.idx.msk [tilespmem:v1+s12+$0x0], $0xffff;
	v2 =	vand.u32 $0xFFFFFE00, v2  }
0x13c: {  	v13 =	vld.idx.msk [tilespmem:v4+s12+$0x0], $0xffff;
	v3 =	vor.u32 v3, v2;
	v2 =	vor.u32 $0x180, v5  }
0x13d: {  	v1 =	vshll.u32 v8, $0x2;
	v26 =	vor.u32 $0x80, v3;
	v12 =	vld.idx.msk [tilespmem:v0+s12+$0x0], $0xffff;
	[tilespmem:s24+$0xA000] =	vst v11  }
0x13e: {  	v27 =	vor.u32 $0x180, v3;
	v0 =	vand.u32 $0xFFFFFE00, v1;
	v1 =	vand.u32 $0x7F, v8;
	[tilespmem:s24+$0xA080] =	vst v20  }
0x13f: {  	s7 =	sor.u32 $0xC000, s1;
	v8 =	vor.u32 $0x100, v3;
	[tilespmem:s24+$0xA100] =	vst v10;
	v4 =	vor.u32 v1, v0;
	v0 =	vld.idx.msk [tilespmem:v25+s12+$0x0], $0xffff  }
0x140: {  	s25 =	sor.u32 $0xC080, s1;
	s26 =	sor.u32 s8, s7;
	v1 =	vld.idx.msk [tilespmem:v6+s12+$0x0], $0xffff;
	[tilespmem:s3+$0xA000] =	vst v21;
	v6 =	vshll.u32 v9, $0x2;
	v63 =	vor.u32 $0x80, v4  }
0x141: {  	s28 =	sor.u32 $0xC100, s1;
	s0 =	sor.u32 s8, s25;
	v9 =	vand.u32 $0x7F, v9;
	v2 =	vld.idx.msk [tilespmem:v2+s12+$0x0], $0xffff;
	[tilespmem:s26+$0x0] =	vst v19;
	v6 =	vand.u32 $0xFFFFFE00, v6;
	v19 =	vor.u32 $0x100, v4  }
0x142: {  	s16 =	simm.s32 $0x80;
	s19 =	sor.u32 s6, s7;
	s7 =	sor.u32 s8, s28;
	v20 =	vor.u32 $0x180, v4;
	v10 =	vld.idx.msk [tilespmem:v26+s12+$0x0], $0xffff;
	[tilespmem:s0+$0x0] =	vst v22;
	v6 =	vor.u32 v9, v6  }
0x143: {  	s18 =	simm.s32 $0x0;
	s29 =	sor.u32 $0xC180, s1;
	s20 =	sor.u32 s6, s25;
	v9 =	vld.idx.msk [tilespmem:v27+s12+$0x0], $0xffff;
	[tilespmem:s7+$0x0] =	vst v23;
	v23 =	vor.u32 $0x80, v6  }
0x144: {  	s25 =	sor.u32 s6, s29;
	s30 =	sor.u32 s8, s29;
	s0 =	sor.u32 $0xE000, s1;
	v22 =	vor.u32 $0x100, v6;
	v11 =	vld.idx.msk [tilespmem:v8+s12+$0x0], $0xffff  }
0x145: {  	s24 =	sor.u32 s6, s28;
	s3 =	sor.u32 $0xE080, s1;
	v21 =	vor.u32 $0x180, v6;
	s7 =	sor.u32 s8, s0;
	[tilespmem:s30+$0x0] =	vst v24;
	v8 =	vld.idx.msk [tilespmem:v63+s12+$0x0], $0xffff  }
.LBB2_7:
0x146: {  	s31 =	sadd.s32 $0x20, s31;
	v19 =	vld.idx.msk [tilespmem:v19+s12+$0x0], $0xffff;
	s9 =	sor.u32 $0xE100, s1;
	[tilespmem:s7+$0x0] =	vst v7;
	s7 =	sor.u32 s8, s3  }
0x147: {  	s10 =	sand.u32 $0x1E00, s16;
	s11 =	sor.u32 $0xE180, s1;
	v20 =	vld.idx.msk [tilespmem:v20+s12+$0x0], $0xffff;
	[tilespmem:s7+$0x0] =	vst v16;
	s7 =	sor.u32 s8, s9  }
0x148: {  	s14 =	sor.u32 $0x10000, s1;
	s21 =	sand.u32 $0x60, s31;
	v16 =	vld.idx.msk [tilespmem:v23+s12+$0x0], $0xffff;
	[tilespmem:s7+$0x0] =	vst v17;
	s7 =	sor.u32 s8, s11  }
0x149: {  	s17 =	sor.u32 $0x10080, s1;
	s29 =	sor.u32 $0x10, s21;
	v17 =	vld.idx.msk [tilespmem:v22+s12+$0x0], $0xffff;
	[tilespmem:s7+$0x0] =	vst v18;
	s7 =	sor.u32 s8, s14  }
0x14a: {  	s30 =	sor.u32 $0x10100, s1;
	s26 =	sor.u32 s29, s10;
	v18 =	vld.idx.msk [tilespmem:v21+s12+$0x0], $0xffff;
	[tilespmem:s7+$0x0] =	vst v15;
	s7 =	sor.u32 s8, s17  }
0x14b: {  	s1 =	sor.u32 $0x10180, s1;
	s28 =	sor.u32 s21, s10;
	v7 =	vld [tilespmem:s26+$0x0];
	[tilespmem:s7+$0x0] =	vst v14;
	s7 =	sor.u32 s8, s30  }
0x14c: {  	s15 =	sor.u32 s6, s0;
	s3 =	sor.u32 s6, s3;
	s0 =	sor.u32 s8, s1;
	v14 =	vld [tilespmem:s26+$0x80];
	[tilespmem:s7+$0x0] =	vst v13  }
0x14d: {  	s23 =	sor.u32 s6, s9;
	s22 =	sor.u32 s6, s11;
	s14 =	sor.u32 s6, s14;
	v13 =	vld [tilespmem:s26+$0x100];
	[tilespmem:s0+$0x0] =	vst v12  }
0x14e: {  	s11 =	sor.u32 s6, s30;
	s17 =	sor.u32 s6, s17;
	s7 =	sor.u32 s6, s1;
	v12 =	vld [tilespmem:s28+$0x0]  }
0x14f: {  	p0 =	slt.u32 s31, $0x7E0;
	s1 =	smov.u32 s10;
	s6 =	smov.u32 s21;
	v15 =	vld [tilespmem:s28+$0x80]  }
0x150: {  	s18 =	sadd.s32 $0x1, s18;
	s8 =	smov.u32 s29;
	v21 =	vld [tilespmem:s28+$0x100];
	v22 =	vand.u32 $0x7F, v7;
	v7 =	vshll.u32 v7, $0x2  }
0x151: {  	s0 =	sand.u32 $0x3, s18;
	v7 =	vand.u32 $0xFFFFFE00, v7;
	v23 =	vand.u32 $0x7F, v14;
	v14 =	vshll.u32 v14, $0x2;
	v24 =	vld.idx.msk [tilespmem:v5+s12+$0x0], $0xffff  }
0x152: {  	s0 =	sshll.u32 s0, $0x5;
	v5 =	vor.u32 v22, v7;
	v7 =	vand.u32 $0xFFFFFE00, v14;
	v14 =	vshll.u32 v13, $0x2;
	v22 =	vld.idx.msk [tilespmem:v3+s12+$0x0], $0xffff  }
0x153: {  	s0 =	sadd.s32 s0, s16;
	v3 =	vand.u32 $0x7F, v13;
	v23 =	vor.u32 v23, v7;
	v7 =	vand.u32 $0xFFFFFE00, v14;
	v13 =	vld.idx.msk [tilespmem:v4+s12+$0x0], $0xffff  }
0x154: {  	s9 =	sor.u32 $0x180, s0;
	s0 =	sadd.s32 $0x10, s0;
	v4 =	vshll.u32 v12, $0x2;
	v14 =	vshll.u32 v15, $0x2;
	v25 =	vor.u32 v3, v7;
	v26 =	vld.idx.msk [tilespmem:v6+s12+$0x0], $0xffff;
	[tilespmem:s5+$0xA080] =	vst v10  }
0x155: {  	s21 =	sor.u32 $0x180, s0;
	v27 =	vor.u32 $0x80, v5;
	v3 =	vand.u32 $0xFFFFFE00, v4;
	v10 =	vld [tilespmem:s9+$0x0];
	v4 =	vshll.u32 v21, $0x2;
	[tilespmem:s5+$0xA100] =	vst v11  }
0x156: {  	v6 =	vand.u32 $0xFFFFFE00, v14;
	v14 =	vor.u32 $0x100, v5;
	v7 =	vand.u32 $0xFFFFFE00, v4;
	v11 =	vld [tilespmem:s21+$0x0]  }
0x157: {  	v4 =	vand.u32 $0x7F, v12;
	v12 =	vand.u32 $0x7F, v15;
	v15 =	vor.u32 $0x180, v5;
	v28 =	vld.idx.msk [tilespmem:v5+s12+$0x0], $0xffff  }
0x158: {  	v3 =	vor.u32 v4, v3;
	v5 =	vand.u32 $0x7F, v21;
	v21 =	vor.u32 $0x80, v23;
	v29 =	vld.idx.msk [tilespmem:v23+s12+$0x0], $0xffff;
	[tilespmem:s5+$0xA000] =	vst v22;
	s5 =	smov.u32 s28  }
0x159: {  	v4 =	vor.u32 v12, v6;
	v12 =	vor.u32 $0x100, v23;
	v6 =	vor.u32 v5, v7;
	v7 =	vld.idx.msk [tilespmem:v25+s12+$0x0], $0xffff;
	[tilespmem:s2+$0xA000] =	vst v9;
	s2 =	smov.u32 s9  }
0x15a: {  	v22 =	vor.u32 $0x180, v23;
	v5 =	vand.u32 $0x7F, v10;
	v9 =	vshll.u32 v10, $0x2;
	v10 =	vld.idx.msk [tilespmem:v27+s12+$0x0], $0xffff;
	[tilespmem:s19+$0x0] =	vst v13  }
0x15b: {  	v27 =	vor.u32 $0x80, v3;
	v13 =	vor.u32 $0x80, v25;
	v9 =	vand.u32 $0xFFFFFE00, v9;
	v30 =	vld.idx.msk [tilespmem:v14+s12+$0x0], $0xffff;
	[tilespmem:s20+$0x0] =	vst v8  }
0x15c: {  	v14 =	vshll.u32 v11, $0x2;
	v5 =	vor.u32 v5, v9;
	v8 =	vld.idx.msk [tilespmem:v15+s12+$0x0], $0xffff;
	v9 =	vor.u32 $0x100, v25;
	[tilespmem:s24+$0x0] =	vst v19  }
0x15d: {  	v11 =	vand.u32 $0x7F, v11;
	v15 =	vor.u32 $0x180, v25;
	v14 =	vand.u32 $0xFFFFFE00, v14;
	v31 =	vld.idx.msk [tilespmem:v21+s12+$0x0], $0xffff;
	[tilespmem:s25+$0x0] =	vst v20  }
0x15e: {  	v25 =	vor.u32 $0x80, v5;
	v32 =	vor.u32 $0x100, v5;
	v11 =	vor.u32 v11, v14;
	v33 =	vld.idx.msk [tilespmem:v12+s12+$0x0], $0xffff;
	[tilespmem:s15+$0x0] =	vst v26  }
0x15f: {  	v34 =	vor.u32 $0x180, v5;
	v26 =	vor.u32 $0x100, v3;
	v12 =	vor.u32 $0x80, v11;
	v35 =	vld.idx.msk [tilespmem:v22+s12+$0x0], $0xffff;
	[tilespmem:s3+$0x0] =	vst v16  }
0x160: {  	v36 =	vor.u32 $0x180, v3;
	v37 =	vor.u32 $0x80, v4;
	v16 =	vld.idx.msk [tilespmem:v13+s12+$0x0], $0xffff;
	v13 =	vor.u32 $0x100, v11;
	[tilespmem:s23+$0x0] =	vst v17  }
0x161: {  	v19 =	vor.u32 $0x100, v4;
	v20 =	vor.u32 $0x180, v4;
	v17 =	vld.idx.msk [tilespmem:v9+s12+$0x0], $0xffff;
	v9 =	vor.u32 $0x180, v11;
	[tilespmem:s22+$0x0] =	vst v18  }
0x162: {  	v23 =	vor.u32 $0x80, v6;
	v21 =	vor.u32 $0x180, v6;
	v22 =	vor.u32 $0x100, v6;
	v18 =	vld.idx.msk [tilespmem:v15+s12+$0x0], $0xffff;
	[tilespmem:s14+$0x0] =	vst v24  }
0x163: {  	v15 =	vld.idx.msk [tilespmem:v11+s12+$0x0], $0xffff;
	[tilespmem:s17+$0x0] =	vst v0  }
0x164: {  	v14 =	vld.idx.msk [tilespmem:v12+s12+$0x0], $0xffff;
	[tilespmem:s11+$0x0] =	vst v1  }
0x165: {  	v13 =	vld.idx.msk [tilespmem:v13+s12+$0x0], $0xffff;
	[tilespmem:s7+$0x0] =	vst v2  }
0x166: {  	v12 =	vld.idx.msk [tilespmem:v9+s12+$0x0], $0xffff;
	[tilespmem:s26+$0xA000] =	vst v28  }
0x167: {  	s0 =	sor.u32 $0xC000, s1;
	v0 =	vld.idx.msk [tilespmem:v25+s12+$0x0], $0xffff;
	[tilespmem:s26+$0xA080] =	vst v10  }
0x168: {  	s19 =	sor.u32 s6, s0;
	v1 =	vld.idx.msk [tilespmem:v32+s12+$0x0], $0xffff;
	[tilespmem:s26+$0xA100] =	vst v30  }
.Ltmp2:
0x169: {  	s0 =	sor.u32 s8, s0;
	s3 =	sor.u32 $0xC080, s1;
	v2 =	vld.idx.msk [tilespmem:v34+s12+$0x0], $0xffff;
	[tilespmem:s21+$0xA000] =	vst v8;
	(pc) =	sbr.rel @p0 .LBB2_7-.Ltmp2, $4  }
0x16a: {  	s20 =	sor.u32 s6, s3;
	s7 =	sor.u32 $0xC100, s1;
	v10 =	vld.idx.msk [tilespmem:v27+s12+$0x0], $0xffff;
	[tilespmem:s0+$0x0] =	vst v29;
	s0 =	sor.u32 s8, s3  }
0x16b: {  	s24 =	sor.u32 s6, s7;
	s7 =	sor.u32 s8, s7;
	s3 =	sor.u32 $0xC180, s1;
	v11 =	vld.idx.msk [tilespmem:v26+s12+$0x0], $0xffff;
	[tilespmem:s0+$0x0] =	vst v31  }
0x16c: {  	s25 =	sor.u32 s6, s3;
	s0 =	sor.u32 $0xE000, s1;
	v9 =	vld.idx.msk [tilespmem:v36+s12+$0x0], $0xffff;
	[tilespmem:s7+$0x0] =	vst v33;
	s7 =	sor.u32 s8, s3  }
0x16d: {  	s16 =	sadd.s32 $0x80, s16;
	s3 =	sor.u32 $0xE080, s1;
	v8 =	vld.idx.msk [tilespmem:v37+s12+$0x0], $0xffff;
	[tilespmem:s7+$0x0] =	vst v35;
	s7 =	sor.u32 s8, s0  }
0x16e: {  	_ =	sdelay $0x3  }
0x16f: {  	v19 =	vld.idx.msk [tilespmem:v19+s12+$0x0], $0xffff  }
0x170: {  	[tilespmem:s7+$0x0] =	vst v7;
	v7 =	vld.idx.msk [tilespmem:v20+s12+$0x0], $0xffff  }
0x171: {  	v5 =	vld.idx.msk [tilespmem:v5+s12+$0x0], $0xffff  }
0x172: {  	v3 =	vld.idx.msk [tilespmem:v3+s12+$0x0], $0xffff  }
0x173: {  	s9 =	sor.u32 $0xE100, s1;
	s17 =	sor.u32 s8, s3;
	v4 =	vld.idx.msk [tilespmem:v4+s12+$0x0], $0xffff  }
0x174: {  	s10 =	sor.u32 $0xE180, s1;
	v6 =	vld.idx.msk [tilespmem:v6+s12+$0x0], $0xffff;
	[tilespmem:s17+$0x0] =	vst v16;
	s18 =	sor.u32 s8, s9  }
0x175: {  	v16 =	vld.idx.msk [tilespmem:v23+s12+$0x0], $0xffff;
	s21 =	sor.u32 s8, s10;
	[tilespmem:s18+$0x0] =	vst v17  }
0x176: {  	v17 =	vld.idx.msk [tilespmem:v22+s12+$0x0], $0xffff;
	[tilespmem:s21+$0x0] =	vst v18  }
0x177: {  	s11 =	sor.u32 $0x10000, s1;
	v18 =	vld.idx.msk [tilespmem:v21+s12+$0x0], $0xffff;
	[tilespmem:s5+$0xA080] =	vst v10  }
0x178: {  	s14 =	sor.u32 $0x10080, s1;
	s22 =	sor.u32 s8, s11;
	[tilespmem:s5+$0xA100] =	vst v11  }
0x179: {  	s23 =	sor.u32 s8, s14;
	[tilespmem:s22+$0x0] =	vst v15  }
0x17a: {  	s15 =	sor.u32 $0x10100, s1;
	[tilespmem:s23+$0x0] =	vst v14  }
0x17b: {  	s29 =	sor.u32 s8, s15;
	[tilespmem:s5+$0xA000] =	vst v3  }
0x17c: {  	s26 =	sor.u32 $0x10180, s1;
	[tilespmem:s29+$0x0] =	vst v13  }
0x17d: {  	s30 =	sor.u32 s8, s26;
	[tilespmem:s2+$0xA000] =	vst v9  }
0x17e: {  	[tilespmem:s30+$0x0] =	vst v12  }
0x17f: {  	[tilespmem:s19+$0x0] =	vst v4  }
0x180: {  	[tilespmem:s20+$0x0] =	vst v8  }
0x181: {  	[tilespmem:s24+$0x0] =	vst v19  }
0x182: {  	s0 =	sor.u32 s6, s0;
	[tilespmem:s25+$0x0] =	vst v7  }
0x183: {  	s8 =	sor.u32 s6, s3;
	[tilespmem:s0+$0x0] =	vst v6  }
0x184: {  	s9 =	sor.u32 s6, s9;
	[tilespmem:s8+$0x0] =	vst v16  }
0x185: {  	s10 =	sor.u32 s6, s10;
	[tilespmem:s9+$0x0] =	vst v17  }
0x186: {  	s11 =	sor.u32 s6, s11;
	[tilespmem:s10+$0x0] =	vst v18  }
0x187: {  	s16 =	sor.u32 s6, s14;
	[tilespmem:s11+$0x0] =	vst v5  }
0x188: {  	s17 =	sshll.u32 s4, $0x3;
	[tilespmem:s16+$0x0] =	vst v0  }
0x189: {  	s1 =	sor.u32 s6, s26;
	s18 =	sor.u32 s6, s15;
	s2 =	rddreg [dreg:$0x14]  }
0x18a: {  	s21 =	rddreg [dreg:$0x2];
	s23 =	simm.s32 $0x200;
	s2 =	sadd.s32 s17, s2  }
0x18b: {  	s24 =	simm.s32 $0x400;
	[tilespmem:s18+$0x0] =	vst v1;
	s19 =	sshll.u32 s2, $0x8;
	s20 =	sshll.u32 s2, $0xB  }
0x18c: {  	s25 =	simm.s32 $0xA000;
	[tilespmem:s1+$0x0] =	vst v2;
	s22 =	sadd.s32 s21, s19;
	s26 =	sshrl.u32 s20, $0x3  }
0x18d: {  	[hbm4b:s22+s23] =	stream.strided.scatter [tilespmem:s25], [sflag:$0x3], $0x2000, s24, s23, $0x38;
	[tilespmem:$0x1A000] =	vst v63  }
0x18e: {  	s7 =	simm.s32 $0xE000;
	s1 =	sadd.s32 s21, s26  }
0x18f: {  	s29 =	simm.s32 $0xC000;
	s30 =	rddreg [dreg:$0x9];
	s2 =	sadd.s32 $0x200000, s1  }
0x190: {  	[hbm4b:s2+s23] =	stream.strided.scatter [tilespmem:s29], [sflag:$0x3], $0x2000, s24, s23, $0x38;
	[tilespmem:$0x1A000] =	vst v63  }
0x191: {  	s8 =	simm.s32 $0x10000;
	s9 =	rddreg [dreg:$0x15];
	s2 =	sadd.s32 s19, s30  }
0x192: {  	[hbm4b:s2+s23] =	stream.strided.scatter [tilespmem:s7], [sflag:$0x3], $0x2000, s24, s23, $0x38;
	[tilespmem:$0x1A000] =	vst v63  }
0x193: {  	s10 =	rddreg [dreg:$0x0];
	s0 =	sadd.s32 s17, s9;
	s1 =	sadd.s32 $0x600000, s1  }
0x194: {  	[hbm4b:s1+s23] =	stream.strided.scatter [tilespmem:s8], [sflag:$0x3], $0x2000, s24, s23, $0x38;
	[tilespmem:$0x1A000] =	vst v63  }
0x195: {  	[smem:$0x7FC] =	sst s20;
	s1 =	sshll.u32 s0, $0x9  }
0x196: {  	s11 =	simm.s32 $0x2;
	[smem:$0x7FD] =	sst s1;
	s0 =	sadd.s32 s10, s1  }
0x197: {  	[tilespmem:s12], [sflag:$0x1] =	stream.strided.gather [hbm4b:s0+s23], $0x4000, s24, s23, $0x38;
	[tilespmem:$0x1A000] =	vst v63  }
0x198: {  	_ =	swait.ge [sflag:s11], $0x4000  }
0x199: {  	[sflag:s11] =	ssyncset.done $0x0  }
0x19a: {  	s14 =	simm.s32 $0x4;
	[sflag:s11] =	ssyncadd.s32 $0xFFFFC000  }
0x19b: {  	_ =	swait.ge [sflag:s14], $0x2000  }
0x19c: {  	[sflag:s14] =	ssyncset.done $0x0  }
0x19d: {  	[sflag:s14] =	ssyncadd.s32 $0xFFFFE000  }
0x19e: {  	_ =	swait.ge [sflag:s14], $0x2000  }
0x19f: {  	[sflag:s14] =	ssyncset.done $0x0  }
0x1a0: {  	[sflag:s14] =	ssyncadd.s32 $0xFFFFE000  }
0x1a1: {  	_ =	swait.ge [sflag:s14], $0x2000  }
0x1a2: {  	[sflag:s14] =	ssyncset.done $0x0  }
0x1a3: {  	s1 =	simm.s32 $0x0;
	[sflag:s14] =	ssyncadd.s32 $0xFFFFE000  }
0x1a4: {  	s18 =	simm.s32 $0x0;
	s5 =	sand.u32 $0x60, s1;
	_ =	swait.ge [sflag:s14], $0x2000  }
0x1a5: {  	s19 =	sand.u32 $0x1E00, s18;
	s16 =	sor.u32 $0x10, s5;
	[sflag:s14] =	ssyncset.done $0x0  }
0x1a6: {  	s15 =	sor.u32 s16, s19;
	[sflag:s14] =	ssyncadd.s32 $0xFFFFE000  }
0x1a7: {  	v0 =	vld [tilespmem:s15+$0x0]  }
0x1a8: {  	v1 =	vld [tilespmem:s15+$0x80];
	_ =	sdelay $0x2  }
0x1a9: {  	v2 =	vld [tilespmem:s15+$0x100]  }
0x1aa: {  	s17 =	sand.u32 $0x3, s18;
	v3 =	vand.u32 $0x7F, v0;
	v0 =	vshll.u32 v0, $0x2  }
0x1ab: {  	s3 =	sshll.u32 s17, $0x5;
	s2 =	sor.u32 s5, s19;
	v4 =	vand.u32 $0x7F, v1;
	v1 =	vshll.u32 v1, $0x2;
	v0 =	vand.u32 $0xFFFFFE00, v0  }
0x1ac: {  	s3 =	sadd.s32 $0x0, s3;
	v5 =	vld [tilespmem:s2+$0x0];
	v1 =	vand.u32 $0xFFFFFE00, v1;
	v0 =	vor.u32 v3, v0  }
0x1ad: {  	s31 =	sor.u32 $0x180, s3;
	s3 =	sadd.s32 $0x10, s3;
	v8 =	vld [tilespmem:s2+$0x80];
	v1 =	vor.u32 v4, v1  }
0x1ae: {  	s3 =	sor.u32 $0x180, s3;
	v9 =	vld [tilespmem:s2+$0x100];
	v3 =	vshll.u32 v2, $0x2;
	v4 =	vor.u32 $0x80, v0  }
0x1af: {  	v6 =	vld [tilespmem:s3+$0x0];
	v2 =	vand.u32 $0x7F, v2;
	v3 =	vand.u32 $0xFFFFFE00, v3;
	v10 =	vor.u32 $0x100, v0  }
0x1b0: {  	v12 =	vor.u32 $0x80, v1;
	v2 =	vor.u32 v2, v3;
	v3 =	vld [tilespmem:s31+$0x0]  }
0x1b1: {  	v11 =	vld.idx.msk [tilespmem:v0+s13+$0x0], $0xffff;
	v0 =	vor.u32 $0x180, v0  }
0x1b2: {  	v13 =	vor.u32 $0x100, v1;
	v19 =	vld.idx.msk [tilespmem:v1+s13+$0x0], $0xffff  }
0x1b3: {  	v20 =	vld.idx.msk [tilespmem:v4+s13+$0x0], $0xffff  }
0x1b4: {  	v1 =	vor.u32 $0x180, v1;
	v10 =	vld.idx.msk [tilespmem:v10+s13+$0x0], $0xffff  }
0x1b5: {  	v14 =	vshll.u32 v6, $0x2;
	v4 =	vor.u32 $0x80, v2;
	v22 =	vld.idx.msk [tilespmem:v12+s13+$0x0], $0xffff  }
0x1b6: {  	v6 =	vand.u32 $0x7F, v6;
	v12 =	vand.u32 $0xFFFFFE00, v14;
	v21 =	vld.idx.msk [tilespmem:v0+s13+$0x0], $0xffff;
	v0 =	vor.u32 $0x100, v2  }
0x1b7: {  	v23 =	vld.idx.msk [tilespmem:v13+s13+$0x0], $0xffff;
	v12 =	vor.u32 v6, v12  }
0x1b8: {  	v7 =	vld.idx.msk [tilespmem:v2+s13+$0x0], $0xffff;
	v2 =	vor.u32 $0x180, v2  }
0x1b9: {  	v24 =	vld.idx.msk [tilespmem:v1+s13+$0x0], $0xffff;
	v1 =	vor.u32 $0x80, v12  }
0x1ba: {  	v6 =	vshll.u32 v3, $0x2;
	v16 =	vld.idx.msk [tilespmem:v4+s13+$0x0], $0xffff;
	v4 =	vor.u32 $0x100, v12  }
0x1bb: {  	v3 =	vand.u32 $0x7F, v3;
	v6 =	vand.u32 $0xFFFFFE00, v6;
	v17 =	vld.idx.msk [tilespmem:v0+s13+$0x0], $0xffff;
	v0 =	vor.u32 $0x180, v12  }
0x1bc: {  	v6 =	vor.u32 v3, v6;
	v15 =	vld.idx.msk [tilespmem:v12+s13+$0x0], $0xffff  }
0x1bd: {  	v25 =	vor.u32 $0x80, v6;
	v18 =	vld.idx.msk [tilespmem:v2+s13+$0x0], $0xffff;
	v2 =	vshll.u32 v5, $0x2  }
0x1be: {  	v3 =	vand.u32 $0x7F, v5;
	v5 =	vor.u32 $0x100, v6;
	v14 =	vld.idx.msk [tilespmem:v1+s13+$0x0], $0xffff;
	v2 =	vand.u32 $0xFFFFFE00, v2  }
0x1bf: {  	v13 =	vld.idx.msk [tilespmem:v4+s13+$0x0], $0xffff;
	v3 =	vor.u32 v3, v2;
	v2 =	vor.u32 $0x180, v6  }
0x1c0: {  	v1 =	vshll.u32 v8, $0x2;
	v26 =	vor.u32 $0x80, v3;
	v12 =	vld.idx.msk [tilespmem:v0+s13+$0x0], $0xffff;
	[tilespmem:s15+$0x12000] =	vst v11  }
0x1c1: {  	v27 =	vor.u32 $0x180, v3;
	v0 =	vand.u32 $0xFFFFFE00, v1;
	v1 =	vand.u32 $0x7F, v8;
	[tilespmem:s15+$0x12080] =	vst v20  }
0x1c2: {  	s20 =	sor.u32 $0x14000, s19;
	v8 =	vor.u32 $0x100, v3;
	[tilespmem:s15+$0x12100] =	vst v10;
	v4 =	vor.u32 v1, v0;
	v1 =	vld.idx.msk [tilespmem:v25+s13+$0x0], $0xffff  }
0x1c3: {  	s21 =	sor.u32 $0x14080, s19;
	s22 =	sor.u32 s16, s20;
	v0 =	vld.idx.msk [tilespmem:v5+s13+$0x0], $0xffff;
	[tilespmem:s3+$0x12000] =	vst v21;
	v5 =	vshll.u32 v9, $0x2;
	v63 =	vor.u32 $0x80, v4  }
0x1c4: {  	s23 =	sor.u32 $0x14100, s19;
	s0 =	sor.u32 s16, s21;
	v9 =	vand.u32 $0x7F, v9;
	v2 =	vld.idx.msk [tilespmem:v2+s13+$0x0], $0xffff;
	[tilespmem:s22+$0x0] =	vst v19;
	v5 =	vand.u32 $0xFFFFFE00, v5;
	v19 =	vor.u32 $0x100, v4  }
0x1c5: {  	s29 =	sor.u32 $0x14180, s19;
	s7 =	sor.u32 s16, s23;
	v20 =	vor.u32 $0x180, v4;
	v10 =	vld.idx.msk [tilespmem:v26+s13+$0x0], $0xffff;
	[tilespmem:s0+$0x0] =	vst v22;
	v5 =	vor.u32 v9, v5  }
0x1c6: {  	s24 =	sor.u32 s5, s20;
	s25 =	sor.u32 s5, s21;
	s26 =	sor.u32 s5, s23;
	v9 =	vld.idx.msk [tilespmem:v27+s13+$0x0], $0xffff;
	[tilespmem:s7+$0x0] =	vst v23;
	v23 =	vor.u32 $0x80, v5  }
0x1c7: {  	s28 =	sor.u32 s5, s29;
	s30 =	sor.u32 s16, s29;
	s0 =	sor.u32 $0x16000, s19;
	v22 =	vor.u32 $0x100, v5;
	v11 =	vld.idx.msk [tilespmem:v8+s13+$0x0], $0xffff  }
0x1c8: {  	s20 =	simm.s32 $0x80;
	s3 =	sor.u32 $0x16080, s19;
	v21 =	vor.u32 $0x180, v5;
	s7 =	sor.u32 s16, s0;
	[tilespmem:s30+$0x0] =	vst v24;
	v8 =	vld.idx.msk [tilespmem:v63+s13+$0x0], $0xffff  }
.LBB2_9:
0x1c9: {  	s1 =	sadd.s32 $0x20, s1;
	v19 =	vld.idx.msk [tilespmem:v19+s13+$0x0], $0xffff;
	s10 =	sor.u32 $0x16100, s19;
	[tilespmem:s7+$0x0] =	vst v7;
	s7 =	sor.u32 s16, s3  }
0x1ca: {  	s29 =	sand.u32 $0x1E00, s20;
	s11 =	sor.u32 $0x16180, s19;
	v20 =	vld.idx.msk [tilespmem:v20+s13+$0x0], $0xffff;
	[tilespmem:s7+$0x0] =	vst v16;
	s7 =	sor.u32 s16, s10  }
0x1cb: {  	s14 =	sor.u32 $0x18000, s19;
	s30 =	sand.u32 $0x60, s1;
	v16 =	vld.idx.msk [tilespmem:v23+s13+$0x0], $0xffff;
	[tilespmem:s7+$0x0] =	vst v17;
	s7 =	sor.u32 s16, s11  }
0x1cc: {  	s22 =	sor.u32 $0x18080, s19;
	s9 =	sor.u32 s16, s14;
	s6 =	sor.u32 $0x10, s30;
	v17 =	vld.idx.msk [tilespmem:v22+s13+$0x0], $0xffff;
	[tilespmem:s7+$0x0] =	vst v18  }
0x1cd: {  	s8 =	sor.u32 $0x18100, s19;
	s15 =	sor.u32 s16, s22;
	s7 =	sor.u32 s6, s29;
	v18 =	vld.idx.msk [tilespmem:v21+s13+$0x0], $0xffff;
	[tilespmem:s9+$0x0] =	vst v15  }
0x1ce: {  	s19 =	sor.u32 $0x18180, s19;
	s17 =	sor.u32 s16, s8;
	s9 =	sor.u32 s30, s29;
	v7 =	vld [tilespmem:s7+$0x0];
	[tilespmem:s15+$0x0] =	vst v14  }
0x1cf: {  	s21 =	sor.u32 s5, s0;
	s0 =	sor.u32 s16, s19;
	s15 =	sor.u32 s5, s3;
	v14 =	vld [tilespmem:s7+$0x80];
	[tilespmem:s17+$0x0] =	vst v13  }
0x1d0: {  	s23 =	sor.u32 s5, s11;
	s3 =	sor.u32 s5, s10;
	s17 =	sor.u32 s5, s14;
	v13 =	vld [tilespmem:s7+$0x100];
	[tilespmem:s0+$0x0] =	vst v12  }
0x1d1: {  	s22 =	sor.u32 s5, s22;
	s11 =	sor.u32 s5, s19;
	s14 =	sor.u32 s5, s8;
	v12 =	vld [tilespmem:s9+$0x0]  }
0x1d2: {  	p0 =	slt.u32 s1, $0x7E0;
	s19 =	smov.u32 s29;
	s5 =	smov.u32 s30;
	v15 =	vld [tilespmem:s9+$0x80]  }
0x1d3: {  	s18 =	sadd.s32 $0x1, s18;
	s16 =	smov.u32 s6;
	v21 =	vld [tilespmem:s9+$0x100];
	v22 =	vand.u32 $0x7F, v7;
	v7 =	vshll.u32 v7, $0x2  }
0x1d4: {  	s0 =	sand.u32 $0x3, s18;
	v7 =	vand.u32 $0xFFFFFE00, v7;
	v23 =	vand.u32 $0x7F, v14;
	v14 =	vshll.u32 v14, $0x2;
	v24 =	vld.idx.msk [tilespmem:v6+s13+$0x0], $0xffff  }
0x1d5: {  	s0 =	sshll.u32 s0, $0x5;
	v6 =	vor.u32 v22, v7;
	v7 =	vand.u32 $0xFFFFFE00, v14;
	v14 =	vshll.u32 v13, $0x2;
	v22 =	vld.idx.msk [tilespmem:v3+s13+$0x0], $0xffff  }
0x1d6: {  	s0 =	sadd.s32 s0, s20;
	v3 =	vand.u32 $0x7F, v13;
	v23 =	vor.u32 v23, v7;
	v7 =	vand.u32 $0xFFFFFE00, v14;
	v13 =	vld.idx.msk [tilespmem:v4+s13+$0x0], $0xffff  }
0x1d7: {  	s6 =	sor.u32 $0x180, s0;
	s0 =	sadd.s32 $0x10, s0;
	v4 =	vshll.u32 v12, $0x2;
	v14 =	vshll.u32 v15, $0x2;
	v25 =	vor.u32 v3, v7;
	v26 =	vld.idx.msk [tilespmem:v5+s13+$0x0], $0xffff;
	[tilespmem:s2+$0x12080] =	vst v10  }
0x1d8: {  	s0 =	sor.u32 $0x180, s0;
	v27 =	vor.u32 $0x80, v6;
	v3 =	vand.u32 $0xFFFFFE00, v4;
	v10 =	vld [tilespmem:s6+$0x0];
	v4 =	vshll.u32 v21, $0x2;
	[tilespmem:s2+$0x12100] =	vst v11  }
0x1d9: {  	v5 =	vand.u32 $0xFFFFFE00, v14;
	v14 =	vor.u32 $0x100, v6;
	v7 =	vand.u32 $0xFFFFFE00, v4;
	v11 =	vld [tilespmem:s0+$0x0]  }
0x1da: {  	v4 =	vand.u32 $0x7F, v12;
	v12 =	vand.u32 $0x7F, v15;
	v15 =	vor.u32 $0x180, v6;
	v28 =	vld.idx.msk [tilespmem:v6+s13+$0x0], $0xffff  }
0x1db: {  	v3 =	vor.u32 v4, v3;
	v6 =	vand.u32 $0x7F, v21;
	v21 =	vor.u32 $0x80, v23;
	v29 =	vld.idx.msk [tilespmem:v23+s13+$0x0], $0xffff;
	[tilespmem:s2+$0x12000] =	vst v22;
	s2 =	smov.u32 s9  }
0x1dc: {  	v4 =	vor.u32 v12, v5;
	v12 =	vor.u32 $0x100, v23;
	v5 =	vor.u32 v6, v7;
	v7 =	vld.idx.msk [tilespmem:v25+s13+$0x0], $0xffff;
	[tilespmem:s31+$0x12000] =	vst v9;
	s31 =	smov.u32 s6  }
0x1dd: {  	v22 =	vor.u32 $0x180, v23;
	v6 =	vand.u32 $0x7F, v10;
	v9 =	vshll.u32 v10, $0x2;
	v10 =	vld.idx.msk [tilespmem:v27+s13+$0x0], $0xffff;
	[tilespmem:s24+$0x0] =	vst v13  }
0x1de: {  	v27 =	vor.u32 $0x80, v3;
	v13 =	vor.u32 $0x80, v25;
	v9 =	vand.u32 $0xFFFFFE00, v9;
	v30 =	vld.idx.msk [tilespmem:v14+s13+$0x0], $0xffff;
	[tilespmem:s25+$0x0] =	vst v8  }
0x1df: {  	v14 =	vshll.u32 v11, $0x2;
	v6 =	vor.u32 v6, v9;
	v8 =	vld.idx.msk [tilespmem:v15+s13+$0x0], $0xffff;
	v9 =	vor.u32 $0x100, v25;
	[tilespmem:s26+$0x0] =	vst v19  }
0x1e0: {  	v11 =	vand.u32 $0x7F, v11;
	v15 =	vor.u32 $0x180, v25;
	v14 =	vand.u32 $0xFFFFFE00, v14;
	v31 =	vld.idx.msk [tilespmem:v21+s13+$0x0], $0xffff;
	[tilespmem:s28+$0x0] =	vst v20  }
0x1e1: {  	v25 =	vor.u32 $0x80, v6;
	v32 =	vor.u32 $0x100, v6;
	v11 =	vor.u32 v11, v14;
	v33 =	vld.idx.msk [tilespmem:v12+s13+$0x0], $0xffff;
	[tilespmem:s21+$0x0] =	vst v26  }
0x1e2: {  	v34 =	vor.u32 $0x180, v6;
	v26 =	vor.u32 $0x100, v3;
	v12 =	vor.u32 $0x80, v11;
	v35 =	vld.idx.msk [tilespmem:v22+s13+$0x0], $0xffff;
	[tilespmem:s15+$0x0] =	vst v16  }
0x1e3: {  	v36 =	vor.u32 $0x180, v3;
	v37 =	vor.u32 $0x80, v4;
	v16 =	vld.idx.msk [tilespmem:v13+s13+$0x0], $0xffff;
	v13 =	vor.u32 $0x100, v11;
	[tilespmem:s3+$0x0] =	vst v17  }
0x1e4: {  	v19 =	vor.u32 $0x100, v4;
	v20 =	vor.u32 $0x180, v4;
	v17 =	vld.idx.msk [tilespmem:v9+s13+$0x0], $0xffff;
	v9 =	vor.u32 $0x180, v11;
	[tilespmem:s23+$0x0] =	vst v18  }
0x1e5: {  	v23 =	vor.u32 $0x80, v5;
	v21 =	vor.u32 $0x180, v5;
	v22 =	vor.u32 $0x100, v5;
	v18 =	vld.idx.msk [tilespmem:v15+s13+$0x0], $0xffff;
	[tilespmem:s17+$0x0] =	vst v24  }
0x1e6: {  	v15 =	vld.idx.msk [tilespmem:v11+s13+$0x0], $0xffff;
	[tilespmem:s22+$0x0] =	vst v1  }
0x1e7: {  	v14 =	vld.idx.msk [tilespmem:v12+s13+$0x0], $0xffff;
	[tilespmem:s14+$0x0] =	vst v0  }
0x1e8: {  	v13 =	vld.idx.msk [tilespmem:v13+s13+$0x0], $0xffff;
	[tilespmem:s11+$0x0] =	vst v2  }
0x1e9: {  	v12 =	vld.idx.msk [tilespmem:v9+s13+$0x0], $0xffff;
	[tilespmem:s7+$0x12000] =	vst v28  }
0x1ea: {  	v1 =	vld.idx.msk [tilespmem:v25+s13+$0x0], $0xffff;
	[tilespmem:s7+$0x12080] =	vst v10  }
0x1eb: {  	s6 =	sor.u32 $0x14080, s19;
	s3 =	sor.u32 $0x14000, s19;
	v0 =	vld.idx.msk [tilespmem:v32+s13+$0x0], $0xffff;
	[tilespmem:s7+$0x12100] =	vst v30  }
.Ltmp3:
0x1ec: {  	s24 =	sor.u32 s5, s3;
	v2 =	vld.idx.msk [tilespmem:v34+s13+$0x0], $0xffff;
	[tilespmem:s0+$0x12000] =	vst v8;
	s0 =	sor.u32 s16, s3;
	(pc) =	sbr.rel @p0 .LBB2_9-.Ltmp3, $4  }
0x1ed: {  	s25 =	sor.u32 s5, s6;
	s3 =	sor.u32 $0x14100, s19;
	v10 =	vld.idx.msk [tilespmem:v27+s13+$0x0], $0xffff;
	[tilespmem:s0+$0x0] =	vst v29;
	s0 =	sor.u32 s16, s6  }
0x1ee: {  	s26 =	sor.u32 s5, s3;
	s6 =	sor.u32 $0x14180, s19;
	s3 =	sor.u32 s16, s3;
	v11 =	vld.idx.msk [tilespmem:v26+s13+$0x0], $0xffff;
	[tilespmem:s0+$0x0] =	vst v31  }
0x1ef: {  	s28 =	sor.u32 s5, s6;
	s0 =	sor.u32 $0x16000, s19;
	s6 =	sor.u32 s16, s6;
	v9 =	vld.idx.msk [tilespmem:v36+s13+$0x0], $0xffff;
	[tilespmem:s3+$0x0] =	vst v33  }
0x1f0: {  	s20 =	sadd.s32 $0x80, s20;
	s3 =	sor.u32 $0x16080, s19;
	s7 =	sor.u32 s16, s0;
	v8 =	vld.idx.msk [tilespmem:v37+s13+$0x0], $0xffff;
	[tilespmem:s6+$0x0] =	vst v35  }
0x1f1: {  	_ =	sdelay $0x3  }
0x1f2: {  	v19 =	vld.idx.msk [tilespmem:v19+s13+$0x0], $0xffff  }
0x1f3: {  	v60 =	vld.idx.msk [tilespmem:v20+s13+$0x0], $0xffff  }
0x1f4: {  	v61 =	vld.idx.msk [tilespmem:v23+s13+$0x0], $0xffff  }
0x1f5: {  	v62 =	vld.idx.msk [tilespmem:v22+s13+$0x0], $0xffff  }
0x1f6: {  	v63 =	vld.idx.msk [tilespmem:v21+s13+$0x0], $0xffff  }
0x1f7: {  	v6 =	vld.idx.msk [tilespmem:v6+s13+$0x0], $0xffff  }
0x1f8: {  	[tilespmem:s7+$0x0] =	vst v7;
	s6 =	sor.u32 s16, s3;
	v3 =	vld.idx.msk [tilespmem:v3+s13+$0x0], $0xffff  }
0x1f9: {  	s1 =	sor.u32 $0x16100, s19;
	v4 =	vld.idx.msk [tilespmem:v4+s13+$0x0], $0xffff;
	[tilespmem:s6+$0x0] =	vst v16  }
0x1fa: {  	v5 =	vld.idx.msk [tilespmem:v5+s13+$0x0], $0xffff;
	s18 =	sor.u32 s16, s1;
	[tilespmem:s2+$0x12080] =	vst v10  }
0x1fb: {  	s17 =	sor.u32 $0x16180, s19;
	[tilespmem:s18+$0x0] =	vst v17  }
0x1fc: {  	s8 =	sor.u32 $0x18000, s19;
	s20 =	sor.u32 s16, s17;
	[tilespmem:s2+$0x12100] =	vst v11  }
0x1fd: {  	s9 =	sor.u32 $0x18080, s19;
	s21 =	sor.u32 s16, s8;
	[tilespmem:s20+$0x0] =	vst v18  }
0x1fe: {  	s22 =	sor.u32 s16, s9;
	[tilespmem:s21+$0x0] =	vst v15  }
0x1ff: {  	s10 =	sor.u32 $0x18100, s19;
	[tilespmem:s22+$0x0] =	vst v14  }
0x200: {  	s23 =	sor.u32 s16, s10;
	[tilespmem:s2+$0x12000] =	vst v3  }
0x201: {  	s11 =	sor.u32 $0x18180, s19;
	[tilespmem:s23+$0x0] =	vst v13  }
0x202: {  	s29 =	sor.u32 s16, s11;
	[tilespmem:s31+$0x12000] =	vst v9  }
0x203: {  	[tilespmem:s29+$0x0] =	vst v12  }
0x204: {  	[tilespmem:s24+$0x0] =	vst v4  }
0x205: {  	[tilespmem:s25+$0x0] =	vst v8  }
0x206: {  	[tilespmem:s26+$0x0] =	vst v19  }
0x207: {  	s0 =	sor.u32 s5, s0;
	[tilespmem:s28+$0x0] =	vst v60  }
0x208: {  	s3 =	sor.u32 s5, s3;
	[tilespmem:s0+$0x0] =	vst v5  }
0x209: {  	s6 =	sor.u32 s5, s1;
	[tilespmem:s3+$0x0] =	vst v61  }
0x20a: {  	s7 =	sor.u32 s5, s17;
	[tilespmem:s6+$0x0] =	vst v62  }
0x20b: {  	s8 =	sor.u32 s5, s8;
	[tilespmem:s7+$0x0] =	vst v63  }
0x20c: {  	s9 =	sor.u32 s5, s9;
	[tilespmem:s8+$0x0] =	vst v6  }
0x20d: {  	[tilespmem:s9+$0x0] =	vst v1  }
0x20e: {  	s15 =	sld [smem:$0x7FC]  }
0x20f: {  	s14 =	sor.u32 s5, s10  }
0x210: {  	s16 =	sor.u32 s5, s11;
	[tilespmem:s14+$0x0] =	vst v0  }
0x211: {  	s30 =	simm.s32 $0x200;
	s19 =	simm.s32 $0x12000;
	[tilespmem:s16+$0x0] =	vst v2;
	s1 =	sand.u32 $0x1FFC000, s15  }
0x212: {  	s4 =	sadd.s32 $0x1, s4;
	s18 =	rddreg [dreg:$0xc];
	s17 =	sshrl.u32 s1, $0x3  }
0x213: {  	s20 =	rddreg [dreg:$0x2];
	s31 =	simm.s32 $0x400;
	s1 =	sadd.s32 s17, s18  }
0x214: {  	[hbm4b:s1+s30] =	stream.strided.scatter [tilespmem:s19], [sflag:$0x4], $0x2000, s31, s30, $0x38;
	[tilespmem:$0x1A000] =	vst v63  }
0x215: {  	p0 =	sne.s32 s4, $0x1E;
	s1 =	sadd.s32 s20, s17  }
0x216: {  	s22 =	simm.s32 $0x14000;
	s23 =	rddreg [dreg:$0xf];
	s21 =	sadd.s32 $0x200040, s1  }
0x217: {  	[hbm4b:s21+s30] =	stream.strided.scatter [tilespmem:s22], [sflag:$0x4], $0x2000, s31, s30, $0x38;
	[tilespmem:$0x1A000] =	vst v63  }
0x218: {  	s24 =	simm.s32 $0x16000;
	s28 =	sld [smem:$0x7FD];
	s0 =	sadd.s32 s17, s23  }
0x219: {  	[hbm4b:s0+s30] =	stream.strided.scatter [tilespmem:s24], [sflag:$0x4], $0x2000, s31, s30, $0x38;
	[tilespmem:$0x1A000] =	vst v63  }
.Ltmp4:
0x21a: {  	s26 =	simm.s32 $0x18000;
	(pc) =	sbr.rel @p0 .LBB2_6-.Ltmp4, $4  }
0x21b: {  	s29 =	rddreg [dreg:$0x5];
	s25 =	sadd.s32 $0x600040, s1;
	s0 =	sand.u32 $0x7FF000, s28  }
0x21c: {  	[hbm4b:s25+s30] =	stream.strided.scatter [tilespmem:s26], [sflag:$0x4], $0x2000, s31, s30, $0x38;
	[tilespmem:$0x1A000] =	vst v63  }
0x21d: {  	s0 =	sadd.s32 s0, s29  }
0x21e: {  	[tilespmem:s13], [sflag:$0x2] =	stream.strided.gather [hbm4b:s0+s30], $0x4000, s31, s30, $0x38;
	[tilespmem:$0x1A000] =	vst v63  }
0x21f: {  	s0 =	simm.s32 $0x1  }
0x220: {  	_ =	swait.ge [sflag:s0], $0x4000  }
0x221: {  	[sflag:s0] =	ssyncset.done $0x0  }
0x222: {  	s2 =	simm.s32 $0x3;
	[sflag:s0] =	ssyncadd.s32 $0xFFFFC000  }
0x223: {  	_ =	swait.ge [sflag:s2], $0x2000  }
0x224: {  	[sflag:s2] =	ssyncset.done $0x0  }
0x225: {  	[sflag:s2] =	ssyncadd.s32 $0xFFFFE000  }
0x226: {  	_ =	swait.ge [sflag:s2], $0x2000  }
0x227: {  	[sflag:s2] =	ssyncset.done $0x0  }
0x228: {  	[sflag:s2] =	ssyncadd.s32 $0xFFFFE000  }
0x229: {  	_ =	swait.ge [sflag:s2], $0x2000  }
0x22a: {  	[sflag:s2] =	ssyncset.done $0x0  }
0x22b: {  	s1 =	simm.s32 $0x0;
	[sflag:s2] =	ssyncadd.s32 $0xFFFFE000  }
0x22c: {  	s6 =	simm.s32 $0x0;
	s0 =	sand.u32 $0x60, s1;
	_ =	swait.ge [sflag:s2], $0x2000  }
0x22d: {  	s8 =	sand.u32 $0x1E00, s6;
	s5 =	sor.u32 $0x10, s0;
	[sflag:s2] =	ssyncset.done $0x0  }
0x22e: {  	s3 =	sor.u32 s5, s8;
	[sflag:s2] =	ssyncadd.s32 $0xFFFFE000  }
0x22f: {  	v0 =	vld [tilespmem:s3+$0x0]  }
0x230: {  	v1 =	vld [tilespmem:s3+$0x80];
	_ =	sdelay $0x2  }
0x231: {  	v2 =	vld [tilespmem:s3+$0x100]  }
0x232: {  	s4 =	sand.u32 $0x3, s6;
	v3 =	vand.u32 $0x7F, v0;
	v0 =	vshll.u32 v0, $0x2  }
0x233: {  	s4 =	sshll.u32 s4, $0x5;
	s2 =	sor.u32 s0, s8;
	v4 =	vand.u32 $0x7F, v1;
	v1 =	vshll.u32 v1, $0x2;
	v0 =	vand.u32 $0xFFFFFE00, v0  }
0x234: {  	s7 =	sadd.s32 $0x0, s4;
	v5 =	vld [tilespmem:s2+$0x0];
	v1 =	vand.u32 $0xFFFFFE00, v1;
	v0 =	vor.u32 v3, v0  }
0x235: {  	s4 =	sor.u32 $0x180, s7;
	s7 =	sadd.s32 $0x10, s7;
	v8 =	vld [tilespmem:s2+$0x80];
	v1 =	vor.u32 v4, v1  }
0x236: {  	s7 =	sor.u32 $0x180, s7;
	v9 =	vld [tilespmem:s2+$0x100];
	v3 =	vshll.u32 v2, $0x2;
	v4 =	vor.u32 $0x80, v0  }
0x237: {  	v6 =	vld [tilespmem:s7+$0x0];
	v2 =	vand.u32 $0x7F, v2;
	v3 =	vand.u32 $0xFFFFFE00, v3;
	v10 =	vor.u32 $0x100, v0  }
0x238: {  	v12 =	vor.u32 $0x80, v1;
	v2 =	vor.u32 v2, v3;
	v3 =	vld [tilespmem:s4+$0x0]  }
0x239: {  	v11 =	vld.idx.msk [tilespmem:v0+s12+$0x0], $0xffff;
	v0 =	vor.u32 $0x180, v0  }
0x23a: {  	v13 =	vor.u32 $0x100, v1;
	v19 =	vld.idx.msk [tilespmem:v1+s12+$0x0], $0xffff  }
0x23b: {  	v20 =	vld.idx.msk [tilespmem:v4+s12+$0x0], $0xffff  }
0x23c: {  	v1 =	vor.u32 $0x180, v1;
	v10 =	vld.idx.msk [tilespmem:v10+s12+$0x0], $0xffff  }
0x23d: {  	v14 =	vshll.u32 v6, $0x2;
	v4 =	vor.u32 $0x80, v2;
	v22 =	vld.idx.msk [tilespmem:v12+s12+$0x0], $0xffff  }
0x23e: {  	v6 =	vand.u32 $0x7F, v6;
	v12 =	vand.u32 $0xFFFFFE00, v14;
	v21 =	vld.idx.msk [tilespmem:v0+s12+$0x0], $0xffff;
	v0 =	vor.u32 $0x100, v2  }
0x23f: {  	v23 =	vld.idx.msk [tilespmem:v13+s12+$0x0], $0xffff;
	v12 =	vor.u32 v6, v12  }
0x240: {  	v7 =	vld.idx.msk [tilespmem:v2+s12+$0x0], $0xffff;
	v2 =	vor.u32 $0x180, v2  }
0x241: {  	v24 =	vld.idx.msk [tilespmem:v1+s12+$0x0], $0xffff;
	v1 =	vor.u32 $0x80, v12  }
0x242: {  	v6 =	vshll.u32 v3, $0x2;
	v16 =	vld.idx.msk [tilespmem:v4+s12+$0x0], $0xffff;
	v4 =	vor.u32 $0x100, v12  }
0x243: {  	v3 =	vand.u32 $0x7F, v3;
	v6 =	vand.u32 $0xFFFFFE00, v6;
	v17 =	vld.idx.msk [tilespmem:v0+s12+$0x0], $0xffff;
	v0 =	vor.u32 $0x180, v12  }
0x244: {  	v6 =	vor.u32 v3, v6;
	v15 =	vld.idx.msk [tilespmem:v12+s12+$0x0], $0xffff  }
0x245: {  	v25 =	vor.u32 $0x80, v6;
	v18 =	vld.idx.msk [tilespmem:v2+s12+$0x0], $0xffff;
	v2 =	vshll.u32 v5, $0x2  }
0x246: {  	v3 =	vand.u32 $0x7F, v5;
	v5 =	vor.u32 $0x100, v6;
	v14 =	vld.idx.msk [tilespmem:v1+s12+$0x0], $0xffff;
	v2 =	vand.u32 $0xFFFFFE00, v2  }
0x247: {  	v13 =	vld.idx.msk [tilespmem:v4+s12+$0x0], $0xffff;
	v3 =	vor.u32 v3, v2;
	v2 =	vor.u32 $0x180, v6  }
0x248: {  	v1 =	vshll.u32 v8, $0x2;
	v26 =	vor.u32 $0x80, v3;
	v12 =	vld.idx.msk [tilespmem:v0+s12+$0x0], $0xffff;
	[tilespmem:s3+$0xA000] =	vst v11  }
0x249: {  	v27 =	vor.u32 $0x180, v3;
	v0 =	vand.u32 $0xFFFFFE00, v1;
	v1 =	vand.u32 $0x7F, v8;
	[tilespmem:s3+$0xA080] =	vst v20  }
0x24a: {  	s9 =	sor.u32 $0xC000, s8;
	v8 =	vor.u32 $0x100, v3;
	[tilespmem:s3+$0xA100] =	vst v10;
	v4 =	vor.u32 v1, v0;
	v0 =	vld.idx.msk [tilespmem:v25+s12+$0x0], $0xffff  }
0x24b: {  	s25 =	sor.u32 $0xC080, s8;
	s26 =	sor.u32 s5, s9;
	v1 =	vld.idx.msk [tilespmem:v5+s12+$0x0], $0xffff;
	[tilespmem:s7+$0xA000] =	vst v21;
	v5 =	vshll.u32 v9, $0x2;
	v63 =	vor.u32 $0x80, v4  }
0x24c: {  	s28 =	sor.u32 $0xC100, s8;
	s3 =	sor.u32 s5, s25;
	v9 =	vand.u32 $0x7F, v9;
	v2 =	vld.idx.msk [tilespmem:v2+s12+$0x0], $0xffff;
	[tilespmem:s26+$0x0] =	vst v19;
	v5 =	vand.u32 $0xFFFFFE00, v5;
	v19 =	vor.u32 $0x100, v4  }
0x24d: {  	s18 =	sor.u32 s0, s9;
	s9 =	sor.u32 s5, s28;
	v20 =	vor.u32 $0x180, v4;
	v10 =	vld.idx.msk [tilespmem:v26+s12+$0x0], $0xffff;
	[tilespmem:s3+$0x0] =	vst v22;
	v5 =	vor.u32 v9, v5  }
0x24e: {  	s16 =	simm.s32 $0x80;
	s29 =	sor.u32 $0xC180, s8;
	s11 =	sor.u32 $0xE080, s8;
	v9 =	vld.idx.msk [tilespmem:v27+s12+$0x0], $0xffff;
	[tilespmem:s9+$0x0] =	vst v23;
	v23 =	vor.u32 $0x80, v5  }
0x24f: {  	s19 =	sor.u32 s0, s25;
	s7 =	sor.u32 s5, s29;
	s3 =	sor.u32 $0xE000, s8;
	v22 =	vor.u32 $0x100, v5;
	v11 =	vld.idx.msk [tilespmem:v8+s12+$0x0], $0xffff  }
0x250: {  	s20 =	sor.u32 s0, s28;
	s24 =	sor.u32 s0, s29;
	v21 =	vor.u32 $0x180, v5;
	[tilespmem:s7+$0x0] =	vst v24;
	s7 =	sor.u32 s5, s3;
	v8 =	vld.idx.msk [tilespmem:v63+s12+$0x0], $0xffff  }
.LBB2_12:
0x251: {  	s1 =	sadd.s32 $0x20, s1;
	v19 =	vld.idx.msk [tilespmem:v19+s12+$0x0], $0xffff;
	s10 =	sor.u32 $0xE100, s8;
	[tilespmem:s7+$0x0] =	vst v7;
	s7 =	sor.u32 s5, s11  }
0x252: {  	s25 =	sand.u32 $0x1E00, s16;
	s14 =	sor.u32 $0xE180, s8;
	v20 =	vld.idx.msk [tilespmem:v20+s12+$0x0], $0xffff;
	[tilespmem:s7+$0x0] =	vst v16;
	s7 =	sor.u32 s5, s10  }
0x253: {  	s17 =	sor.u32 $0x10000, s8;
	s26 =	sand.u32 $0x60, s1;
	v16 =	vld.idx.msk [tilespmem:v23+s12+$0x0], $0xffff;
	[tilespmem:s7+$0x0] =	vst v17;
	s7 =	sor.u32 s5, s14  }
0x254: {  	s22 =	sor.u32 $0x10080, s8;
	s9 =	sor.u32 s5, s17;
	s28 =	sor.u32 $0x10, s26;
	v17 =	vld.idx.msk [tilespmem:v22+s12+$0x0], $0xffff;
	[tilespmem:s7+$0x0] =	vst v18  }
0x255: {  	s29 =	sor.u32 $0x10100, s8;
	s15 =	sor.u32 s5, s22;
	s7 =	sor.u32 s28, s25;
	v18 =	vld.idx.msk [tilespmem:v21+s12+$0x0], $0xffff;
	[tilespmem:s9+$0x0] =	vst v15  }
0x256: {  	s8 =	sor.u32 $0x10180, s8;
	s23 =	sor.u32 s5, s29;
	s9 =	sor.u32 s26, s25;
	v7 =	vld [tilespmem:s7+$0x0];
	[tilespmem:s15+$0x0] =	vst v14  }
0x257: {  	s21 =	sor.u32 s0, s3;
	s5 =	sor.u32 s5, s8;
	s15 =	sor.u32 s0, s11;
	v14 =	vld [tilespmem:s7+$0x80];
	[tilespmem:s23+$0x0] =	vst v13  }
0x258: {  	s3 =	sor.u32 s0, s10;
	s17 =	sor.u32 s0, s17;
	s23 =	sor.u32 s0, s14;
	v13 =	vld [tilespmem:s7+$0x100];
	[tilespmem:s5+$0x0] =	vst v12  }
0x259: {  	s22 =	sor.u32 s0, s22;
	s11 =	sor.u32 s0, s8;
	s14 =	sor.u32 s0, s29;
	v12 =	vld [tilespmem:s9+$0x0]  }
0x25a: {  	p0 =	slt.u32 s1, $0x7E0;
	s8 =	smov.u32 s25;
	s0 =	smov.u32 s26;
	v15 =	vld [tilespmem:s9+$0x80]  }
0x25b: {  	s6 =	sadd.s32 $0x1, s6;
	s5 =	smov.u32 s28;
	v21 =	vld [tilespmem:s9+$0x100];
	v22 =	vand.u32 $0x7F, v7;
	v7 =	vshll.u32 v7, $0x2  }
0x25c: {  	s10 =	sand.u32 $0x3, s6;
	v7 =	vand.u32 $0xFFFFFE00, v7;
	v23 =	vand.u32 $0x7F, v14;
	v14 =	vshll.u32 v14, $0x2;
	v24 =	vld.idx.msk [tilespmem:v6+s12+$0x0], $0xffff  }
0x25d: {  	s10 =	sshll.u32 s10, $0x5;
	v6 =	vor.u32 v22, v7;
	v7 =	vand.u32 $0xFFFFFE00, v14;
	v14 =	vshll.u32 v13, $0x2;
	v22 =	vld.idx.msk [tilespmem:v3+s12+$0x0], $0xffff  }
0x25e: {  	s10 =	sadd.s32 s10, s16;
	v3 =	vand.u32 $0x7F, v13;
	v23 =	vor.u32 v23, v7;
	v7 =	vand.u32 $0xFFFFFE00, v14;
	v13 =	vld.idx.msk [tilespmem:v4+s12+$0x0], $0xffff  }
0x25f: {  	s26 =	sor.u32 $0x180, s10;
	s10 =	sadd.s32 $0x10, s10;
	v4 =	vshll.u32 v12, $0x2;
	v14 =	vshll.u32 v15, $0x2;
	v25 =	vor.u32 v3, v7;
	v26 =	vld.idx.msk [tilespmem:v5+s12+$0x0], $0xffff;
	[tilespmem:s2+$0xA080] =	vst v10  }
0x260: {  	s25 =	sor.u32 $0x180, s10;
	v27 =	vor.u32 $0x80, v6;
	v3 =	vand.u32 $0xFFFFFE00, v4;
	v10 =	vld [tilespmem:s26+$0x0];
	v4 =	vshll.u32 v21, $0x2;
	[tilespmem:s2+$0xA100] =	vst v11  }
0x261: {  	v5 =	vand.u32 $0xFFFFFE00, v14;
	v14 =	vor.u32 $0x100, v6;
	v7 =	vand.u32 $0xFFFFFE00, v4;
	v11 =	vld [tilespmem:s25+$0x0]  }
0x262: {  	v4 =	vand.u32 $0x7F, v12;
	v12 =	vand.u32 $0x7F, v15;
	v15 =	vor.u32 $0x180, v6;
	v28 =	vld.idx.msk [tilespmem:v6+s12+$0x0], $0xffff  }
0x263: {  	v3 =	vor.u32 v4, v3;
	v6 =	vand.u32 $0x7F, v21;
	v21 =	vor.u32 $0x80, v23;
	v29 =	vld.idx.msk [tilespmem:v23+s12+$0x0], $0xffff;
	[tilespmem:s2+$0xA000] =	vst v22;
	s2 =	smov.u32 s9  }
0x264: {  	v4 =	vor.u32 v12, v5;
	v12 =	vor.u32 $0x100, v23;
	v5 =	vor.u32 v6, v7;
	v7 =	vld.idx.msk [tilespmem:v25+s12+$0x0], $0xffff;
	[tilespmem:s4+$0xA000] =	vst v9;
	s4 =	smov.u32 s26  }
0x265: {  	v22 =	vor.u32 $0x180, v23;
	v6 =	vand.u32 $0x7F, v10;
	v9 =	vshll.u32 v10, $0x2;
	v10 =	vld.idx.msk [tilespmem:v27+s12+$0x0], $0xffff;
	[tilespmem:s18+$0x0] =	vst v13  }
0x266: {  	v27 =	vor.u32 $0x80, v3;
	v13 =	vor.u32 $0x80, v25;
	v9 =	vand.u32 $0xFFFFFE00, v9;
	v30 =	vld.idx.msk [tilespmem:v14+s12+$0x0], $0xffff;
	[tilespmem:s19+$0x0] =	vst v8  }
0x267: {  	v14 =	vshll.u32 v11, $0x2;
	v6 =	vor.u32 v6, v9;
	v8 =	vld.idx.msk [tilespmem:v15+s12+$0x0], $0xffff;
	v9 =	vor.u32 $0x100, v25;
	[tilespmem:s20+$0x0] =	vst v19  }
0x268: {  	v11 =	vand.u32 $0x7F, v11;
	v15 =	vor.u32 $0x180, v25;
	v14 =	vand.u32 $0xFFFFFE00, v14;
	v31 =	vld.idx.msk [tilespmem:v21+s12+$0x0], $0xffff;
	[tilespmem:s24+$0x0] =	vst v20  }
0x269: {  	v25 =	vor.u32 $0x80, v6;
	v32 =	vor.u32 $0x100, v6;
	v11 =	vor.u32 v11, v14;
	v33 =	vld.idx.msk [tilespmem:v12+s12+$0x0], $0xffff;
	[tilespmem:s21+$0x0] =	vst v26  }
0x26a: {  	v34 =	vor.u32 $0x180, v6;
	v26 =	vor.u32 $0x100, v3;
	v12 =	vor.u32 $0x80, v11;
	v35 =	vld.idx.msk [tilespmem:v22+s12+$0x0], $0xffff;
	[tilespmem:s15+$0x0] =	vst v16  }
0x26b: {  	v36 =	vor.u32 $0x180, v3;
	v37 =	vor.u32 $0x80, v4;
	v16 =	vld.idx.msk [tilespmem:v13+s12+$0x0], $0xffff;
	v13 =	vor.u32 $0x100, v11;
	[tilespmem:s3+$0x0] =	vst v17  }
0x26c: {  	v19 =	vor.u32 $0x100, v4;
	v20 =	vor.u32 $0x180, v4;
	v17 =	vld.idx.msk [tilespmem:v9+s12+$0x0], $0xffff;
	v9 =	vor.u32 $0x180, v11;
	[tilespmem:s23+$0x0] =	vst v18  }
0x26d: {  	v23 =	vor.u32 $0x80, v5;
	v21 =	vor.u32 $0x180, v5;
	v22 =	vor.u32 $0x100, v5;
	v18 =	vld.idx.msk [tilespmem:v15+s12+$0x0], $0xffff;
	[tilespmem:s17+$0x0] =	vst v24  }
0x26e: {  	v15 =	vld.idx.msk [tilespmem:v11+s12+$0x0], $0xffff;
	[tilespmem:s22+$0x0] =	vst v0  }
0x26f: {  	v14 =	vld.idx.msk [tilespmem:v12+s12+$0x0], $0xffff;
	[tilespmem:s14+$0x0] =	vst v1  }
0x270: {  	v13 =	vld.idx.msk [tilespmem:v13+s12+$0x0], $0xffff;
	[tilespmem:s11+$0x0] =	vst v2  }
0x271: {  	v12 =	vld.idx.msk [tilespmem:v9+s12+$0x0], $0xffff;
	[tilespmem:s7+$0xA000] =	vst v28  }
0x272: {  	s3 =	sor.u32 $0xC000, s8;
	v0 =	vld.idx.msk [tilespmem:v25+s12+$0x0], $0xffff;
	[tilespmem:s7+$0xA080] =	vst v10  }
0x273: {  	s18 =	sor.u32 s0, s3;
	v1 =	vld.idx.msk [tilespmem:v32+s12+$0x0], $0xffff;
	[tilespmem:s7+$0xA100] =	vst v30  }
.Ltmp5:
0x274: {  	s3 =	sor.u32 s5, s3;
	s7 =	sor.u32 $0xC080, s8;
	v2 =	vld.idx.msk [tilespmem:v34+s12+$0x0], $0xffff;
	[tilespmem:s25+$0xA000] =	vst v8;
	(pc) =	sbr.rel @p0 .LBB2_12-.Ltmp5, $4  }
0x275: {  	s9 =	sor.u32 $0xC100, s8;
	s19 =	sor.u32 s0, s7;
	v10 =	vld.idx.msk [tilespmem:v27+s12+$0x0], $0xffff;
	[tilespmem:s3+$0x0] =	vst v29;
	s3 =	sor.u32 s5, s7  }
0x276: {  	s20 =	sor.u32 s0, s9;
	s9 =	sor.u32 s5, s9;
	s7 =	sor.u32 $0xC180, s8;
	v11 =	vld.idx.msk [tilespmem:v26+s12+$0x0], $0xffff;
	[tilespmem:s3+$0x0] =	vst v31  }
0x277: {  	s24 =	sor.u32 s0, s7;
	s3 =	sor.u32 $0xE000, s8;
	s7 =	sor.u32 s5, s7;
	v9 =	vld.idx.msk [tilespmem:v36+s12+$0x0], $0xffff;
	[tilespmem:s9+$0x0] =	vst v33  }
0x278: {  	s16 =	sadd.s32 $0x80, s16;
	s11 =	sor.u32 $0xE080, s8;
	v8 =	vld.idx.msk [tilespmem:v37+s12+$0x0], $0xffff;
	[tilespmem:s7+$0x0] =	vst v35;
	s7 =	sor.u32 s5, s3  }
0x279: {  	_ =	sdelay $0x3  }
0x27a: {  	v19 =	vld.idx.msk [tilespmem:v19+s12+$0x0], $0xffff  }
0x27b: {  	[tilespmem:s7+$0x0] =	vst v7;
	v7 =	vld.idx.msk [tilespmem:v20+s12+$0x0], $0xffff  }
0x27c: {  	v6 =	vld.idx.msk [tilespmem:v6+s12+$0x0], $0xffff  }
0x27d: {  	v3 =	vld.idx.msk [tilespmem:v3+s12+$0x0], $0xffff  }
0x27e: {  	s1 =	sor.u32 $0xE100, s8;
	s6 =	sor.u32 s5, s11;
	v4 =	vld.idx.msk [tilespmem:v4+s12+$0x0], $0xffff  }
0x27f: {  	s15 =	sor.u32 $0xE180, s8;
	v5 =	vld.idx.msk [tilespmem:v5+s12+$0x0], $0xffff;
	[tilespmem:s6+$0x0] =	vst v16;
	s16 =	sor.u32 s5, s1  }
0x280: {  	v16 =	vld.idx.msk [tilespmem:v23+s12+$0x0], $0xffff;
	s17 =	sor.u32 s5, s15;
	[tilespmem:s16+$0x0] =	vst v17  }
0x281: {  	v17 =	vld.idx.msk [tilespmem:v22+s12+$0x0], $0xffff;
	[tilespmem:s17+$0x0] =	vst v18  }
0x282: {  	s9 =	sor.u32 $0x10000, s8;
	v18 =	vld.idx.msk [tilespmem:v21+s12+$0x0], $0xffff;
	[tilespmem:s2+$0xA080] =	vst v10  }
0x283: {  	s10 =	sor.u32 $0x10080, s8;
	s21 =	sor.u32 s5, s9;
	[tilespmem:s2+$0xA100] =	vst v11  }
0x284: {  	s22 =	sor.u32 s5, s10;
	[tilespmem:s21+$0x0] =	vst v15  }
0x285: {  	s14 =	sor.u32 $0x10100, s8;
	[tilespmem:s22+$0x0] =	vst v14  }
0x286: {  	s25 =	sor.u32 s5, s14;
	[tilespmem:s2+$0xA000] =	vst v3  }
0x287: {  	s23 =	sor.u32 $0x10180, s8;
	[tilespmem:s25+$0x0] =	vst v13  }
0x288: {  	s26 =	sor.u32 s5, s23;
	[tilespmem:s4+$0xA000] =	vst v9  }
0x289: {  	[tilespmem:s26+$0x0] =	vst v12  }
0x28a: {  	[tilespmem:s18+$0x0] =	vst v4  }
0x28b: {  	[tilespmem:s19+$0x0] =	vst v8  }
0x28c: {  	[tilespmem:s20+$0x0] =	vst v19  }
0x28d: {  	s28 =	sor.u32 s0, s3;
	[tilespmem:s24+$0x0] =	vst v7  }
0x28e: {  	s29 =	sor.u32 s0, s11;
	[tilespmem:s28+$0x0] =	vst v5  }
0x28f: {  	s1 =	sor.u32 s0, s1;
	[tilespmem:s29+$0x0] =	vst v16  }
0x290: {  	s4 =	sor.u32 s0, s15;
	[tilespmem:s1+$0x0] =	vst v17  }
0x291: {  	s5 =	sor.u32 s0, s9;
	[tilespmem:s4+$0x0] =	vst v18  }
0x292: {  	s6 =	sor.u32 s0, s10;
	[tilespmem:s5+$0x0] =	vst v6  }
0x293: {  	s7 =	sor.u32 s0, s14;
	[tilespmem:s6+$0x0] =	vst v0  }
0x294: {  	s9 =	sor.u32 s0, s23;
	[tilespmem:s7+$0x0] =	vst v1  }
0x295: {  	[tilespmem:s9+$0x0] =	vst v2  }
0x296: {  	s10 =	simm.s32 $0xA000;
	s0 =	rddreg [dreg:$0x19]  }
0x297: {  	[hbm4b:s0+s30] =	stream.strided.scatter [tilespmem:s10], [sflag:$0x3], $0x2000, s31, s30, $0x38;
	[tilespmem:$0x1A000] =	vst v63  }
0x298: {  	s14 =	simm.s32 $0xC000;
	s11 =	rddreg [dreg:$0x16]  }
0x299: {  	[hbm4b:s11+s30] =	stream.strided.scatter [tilespmem:s14], [sflag:$0x3], $0x2000, s31, s30, $0x38;
	[tilespmem:$0x1A000] =	vst v63  }
0x29a: {  	s16 =	simm.s32 $0xE000;
	s15 =	rddreg [dreg:$0x18]  }
0x29b: {  	[hbm4b:s15+s30] =	stream.strided.scatter [tilespmem:s16], [sflag:$0x3], $0x2000, s31, s30, $0x38;
	[tilespmem:$0x1A000] =	vst v63  }
0x29c: {  	s18 =	simm.s32 $0x10000;
	s19 =	simm.s32 $0x2;
	s17 =	rddreg [dreg:$0x1a]  }
0x29d: {  	[hbm4b:s17+s30] =	stream.strided.scatter [tilespmem:s18], [sflag:$0x3], $0x2000, s31, s30, $0x38;
	[tilespmem:$0x1A000] =	vst v63  }
0x29e: {  	_ =	swait.ge [sflag:s19], $0x4000  }
0x29f: {  	[sflag:s19] =	ssyncset.done $0x0  }
0x2a0: {  	s20 =	simm.s32 $0x4;
	[sflag:s19] =	ssyncadd.s32 $0xFFFFC000  }
0x2a1: {  	_ =	swait.ge [sflag:s20], $0x2000  }
0x2a2: {  	[sflag:s20] =	ssyncset.done $0x0  }
0x2a3: {  	[sflag:s20] =	ssyncadd.s32 $0xFFFFE000  }
0x2a4: {  	_ =	swait.ge [sflag:s20], $0x2000  }
0x2a5: {  	[sflag:s20] =	ssyncset.done $0x0  }
0x2a6: {  	[sflag:s20] =	ssyncadd.s32 $0xFFFFE000  }
0x2a7: {  	_ =	swait.ge [sflag:s20], $0x2000  }
0x2a8: {  	[sflag:s20] =	ssyncset.done $0x0  }
0x2a9: {  	s1 =	simm.s32 $0x0;
	[sflag:s20] =	ssyncadd.s32 $0xFFFFE000  }
0x2aa: {  	s6 =	simm.s32 $0x0;
	s0 =	sand.u32 $0x60, s1;
	_ =	swait.ge [sflag:s20], $0x2000  }
0x2ab: {  	s8 =	sand.u32 $0x1E00, s6;
	s5 =	sor.u32 $0x10, s0;
	[sflag:s20] =	ssyncset.done $0x0  }
0x2ac: {  	s21 =	sor.u32 s5, s8;
	[sflag:s20] =	ssyncadd.s32 $0xFFFFE000  }
0x2ad: {  	v0 =	vld [tilespmem:s21+$0x0]  }
0x2ae: {  	v1 =	vld [tilespmem:s21+$0x80];
	_ =	sdelay $0x2  }
0x2af: {  	v2 =	vld [tilespmem:s21+$0x100]  }
0x2b0: {  	s22 =	sand.u32 $0x3, s6;
	v3 =	vand.u32 $0x7F, v0;
	v0 =	vshll.u32 v0, $0x2  }
0x2b1: {  	s4 =	sshll.u32 s22, $0x5;
	s2 =	sor.u32 s0, s8;
	v4 =	vand.u32 $0x7F, v1;
	v1 =	vshll.u32 v1, $0x2;
	v0 =	vand.u32 $0xFFFFFE00, v0  }
0x2b2: {  	s23 =	sadd.s32 $0x0, s4;
	v5 =	vld [tilespmem:s2+$0x0];
	v1 =	vand.u32 $0xFFFFFE00, v1;
	v0 =	vor.u32 v3, v0  }
0x2b3: {  	s7 =	sadd.s32 $0x10, s23;
	v8 =	vld [tilespmem:s2+$0x80];
	v1 =	vor.u32 v4, v1  }
0x2b4: {  	s7 =	sor.u32 $0x180, s7;
	v9 =	vld [tilespmem:s2+$0x100];
	v3 =	vshll.u32 v2, $0x2;
	v4 =	vor.u32 $0x80, v0  }
0x2b5: {  	s4 =	sor.u32 $0x180, s23;
	v6 =	vld [tilespmem:s7+$0x0];
	v2 =	vand.u32 $0x7F, v2;
	v3 =	vand.u32 $0xFFFFFE00, v3;
	v10 =	vor.u32 $0x100, v0  }
0x2b6: {  	v12 =	vor.u32 $0x80, v1;
	v2 =	vor.u32 v2, v3;
	v3 =	vld [tilespmem:s4+$0x0]  }
0x2b7: {  	v11 =	vld.idx.msk [tilespmem:v0+s13+$0x0], $0xffff;
	v0 =	vor.u32 $0x180, v0  }
0x2b8: {  	v13 =	vor.u32 $0x100, v1;
	v19 =	vld.idx.msk [tilespmem:v1+s13+$0x0], $0xffff  }
0x2b9: {  	v20 =	vld.idx.msk [tilespmem:v4+s13+$0x0], $0xffff  }
0x2ba: {  	v1 =	vor.u32 $0x180, v1;
	v10 =	vld.idx.msk [tilespmem:v10+s13+$0x0], $0xffff  }
0x2bb: {  	v14 =	vshll.u32 v6, $0x2;
	v4 =	vor.u32 $0x80, v2;
	v22 =	vld.idx.msk [tilespmem:v12+s13+$0x0], $0xffff  }
0x2bc: {  	v6 =	vand.u32 $0x7F, v6;
	v12 =	vand.u32 $0xFFFFFE00, v14;
	v21 =	vld.idx.msk [tilespmem:v0+s13+$0x0], $0xffff;
	v0 =	vor.u32 $0x100, v2  }
0x2bd: {  	v23 =	vld.idx.msk [tilespmem:v13+s13+$0x0], $0xffff;
	v12 =	vor.u32 v6, v12  }
0x2be: {  	v7 =	vld.idx.msk [tilespmem:v2+s13+$0x0], $0xffff;
	v2 =	vor.u32 $0x180, v2  }
0x2bf: {  	v24 =	vld.idx.msk [tilespmem:v1+s13+$0x0], $0xffff;
	v1 =	vor.u32 $0x80, v12  }
0x2c0: {  	v6 =	vshll.u32 v3, $0x2;
	v16 =	vld.idx.msk [tilespmem:v4+s13+$0x0], $0xffff;
	v4 =	vor.u32 $0x100, v12  }
0x2c1: {  	v3 =	vand.u32 $0x7F, v3;
	v6 =	vand.u32 $0xFFFFFE00, v6;
	v17 =	vld.idx.msk [tilespmem:v0+s13+$0x0], $0xffff;
	v0 =	vor.u32 $0x180, v12  }
0x2c2: {  	v6 =	vor.u32 v3, v6;
	v15 =	vld.idx.msk [tilespmem:v12+s13+$0x0], $0xffff  }
0x2c3: {  	v25 =	vor.u32 $0x80, v6;
	v18 =	vld.idx.msk [tilespmem:v2+s13+$0x0], $0xffff;
	v2 =	vshll.u32 v5, $0x2  }
0x2c4: {  	v3 =	vand.u32 $0x7F, v5;
	v5 =	vor.u32 $0x100, v6;
	v14 =	vld.idx.msk [tilespmem:v1+s13+$0x0], $0xffff;
	v2 =	vand.u32 $0xFFFFFE00, v2  }
0x2c5: {  	v13 =	vld.idx.msk [tilespmem:v4+s13+$0x0], $0xffff;
	v3 =	vor.u32 v3, v2;
	v2 =	vor.u32 $0x180, v6  }
0x2c6: {  	v1 =	vshll.u32 v8, $0x2;
	v26 =	vor.u32 $0x80, v3;
	v12 =	vld.idx.msk [tilespmem:v0+s13+$0x0], $0xffff;
	[tilespmem:s21+$0x12000] =	vst v11  }
0x2c7: {  	v27 =	vor.u32 $0x180, v3;
	v0 =	vand.u32 $0xFFFFFE00, v1;
	v1 =	vand.u32 $0x7F, v8;
	[tilespmem:s21+$0x12080] =	vst v20  }
0x2c8: {  	s24 =	sor.u32 $0x14000, s8;
	v8 =	vor.u32 $0x100, v3;
	[tilespmem:s21+$0x12100] =	vst v10;
	v4 =	vor.u32 v1, v0;
	v0 =	vld.idx.msk [tilespmem:v25+s13+$0x0], $0xffff  }
0x2c9: {  	s25 =	sor.u32 $0x14080, s8;
	s26 =	sor.u32 s5, s24;
	v1 =	vld.idx.msk [tilespmem:v5+s13+$0x0], $0xffff;
	[tilespmem:s7+$0x12000] =	vst v21;
	v5 =	vshll.u32 v9, $0x2;
	v63 =	vor.u32 $0x80, v4  }
0x2ca: {  	s28 =	sor.u32 $0x14100, s8;
	s3 =	sor.u32 s5, s25;
	v9 =	vand.u32 $0x7F, v9;
	v2 =	vld.idx.msk [tilespmem:v2+s13+$0x0], $0xffff;
	[tilespmem:s26+$0x0] =	vst v19;
	v5 =	vand.u32 $0xFFFFFE00, v5;
	v19 =	vor.u32 $0x100, v4  }
0x2cb: {  	s29 =	sor.u32 $0x14180, s8;
	s9 =	sor.u32 s5, s28;
	v20 =	vor.u32 $0x180, v4;
	v10 =	vld.idx.msk [tilespmem:v26+s13+$0x0], $0xffff;
	[tilespmem:s3+$0x0] =	vst v22;
	v5 =	vor.u32 v9, v5  }
0x2cc: {  	s11 =	sor.u32 $0x16080, s8;
	s16 =	simm.s32 $0x80;
	s18 =	sor.u32 s0, s24;
	v9 =	vld.idx.msk [tilespmem:v27+s13+$0x0], $0xffff;
	[tilespmem:s9+$0x0] =	vst v23;
	v23 =	vor.u32 $0x80, v5  }
0x2cd: {  	s24 =	sor.u32 s0, s29;
	s7 =	sor.u32 s5, s29;
	s3 =	sor.u32 $0x16000, s8;
	v22 =	vor.u32 $0x100, v5;
	v11 =	vld.idx.msk [tilespmem:v8+s13+$0x0], $0xffff  }
0x2ce: {  	s19 =	sor.u32 s0, s25;
	s20 =	sor.u32 s0, s28;
	v21 =	vor.u32 $0x180, v5;
	[tilespmem:s7+$0x0] =	vst v24;
	s7 =	sor.u32 s5, s3;
	v8 =	vld.idx.msk [tilespmem:v63+s13+$0x0], $0xffff  }
.LBB2_14:
0x2cf: {  	s1 =	sadd.s32 $0x20, s1;
	v19 =	vld.idx.msk [tilespmem:v19+s13+$0x0], $0xffff;
	s10 =	sor.u32 $0x16100, s8;
	[tilespmem:s7+$0x0] =	vst v7;
	s7 =	sor.u32 s5, s11  }
0x2d0: {  	s25 =	sand.u32 $0x1E00, s16;
	s14 =	sor.u32 $0x16180, s8;
	v20 =	vld.idx.msk [tilespmem:v20+s13+$0x0], $0xffff;
	[tilespmem:s7+$0x0] =	vst v16;
	s7 =	sor.u32 s5, s10  }
0x2d1: {  	s17 =	sor.u32 $0x18000, s8;
	s26 =	sand.u32 $0x60, s1;
	v16 =	vld.idx.msk [tilespmem:v23+s13+$0x0], $0xffff;
	[tilespmem:s7+$0x0] =	vst v17;
	s7 =	sor.u32 s5, s14  }
0x2d2: {  	s22 =	sor.u32 $0x18080, s8;
	s9 =	sor.u32 s5, s17;
	s28 =	sor.u32 $0x10, s26;
	v17 =	vld.idx.msk [tilespmem:v22+s13+$0x0], $0xffff;
	[tilespmem:s7+$0x0] =	vst v18  }
0x2d3: {  	s29 =	sor.u32 $0x18100, s8;
	s15 =	sor.u32 s5, s22;
	s7 =	sor.u32 s28, s25;
	v18 =	vld.idx.msk [tilespmem:v21+s13+$0x0], $0xffff;
	[tilespmem:s9+$0x0] =	vst v15  }
0x2d4: {  	s8 =	sor.u32 $0x18180, s8;
	s23 =	sor.u32 s5, s29;
	s9 =	sor.u32 s26, s25;
	v7 =	vld [tilespmem:s7+$0x0];
	[tilespmem:s15+$0x0] =	vst v14  }
0x2d5: {  	s21 =	sor.u32 s0, s3;
	s5 =	sor.u32 s5, s8;
	s15 =	sor.u32 s0, s11;
	v14 =	vld [tilespmem:s7+$0x80];
	[tilespmem:s23+$0x0] =	vst v13  }
0x2d6: {  	s3 =	sor.u32 s0, s10;
	s17 =	sor.u32 s0, s17;
	s23 =	sor.u32 s0, s14;
	v13 =	vld [tilespmem:s7+$0x100];
	[tilespmem:s5+$0x0] =	vst v12  }
0x2d7: {  	s22 =	sor.u32 s0, s22;
	s11 =	sor.u32 s0, s8;
	s14 =	sor.u32 s0, s29;
	v12 =	vld [tilespmem:s9+$0x0]  }
0x2d8: {  	p0 =	slt.u32 s1, $0x7E0;
	s8 =	smov.u32 s25;
	s0 =	smov.u32 s26;
	v15 =	vld [tilespmem:s9+$0x80]  }
0x2d9: {  	s6 =	sadd.s32 $0x1, s6;
	s5 =	smov.u32 s28;
	v21 =	vld [tilespmem:s9+$0x100];
	v22 =	vand.u32 $0x7F, v7;
	v7 =	vshll.u32 v7, $0x2  }
0x2da: {  	s10 =	sand.u32 $0x3, s6;
	v7 =	vand.u32 $0xFFFFFE00, v7;
	v23 =	vand.u32 $0x7F, v14;
	v14 =	vshll.u32 v14, $0x2;
	v24 =	vld.idx.msk [tilespmem:v6+s13+$0x0], $0xffff  }
0x2db: {  	s10 =	sshll.u32 s10, $0x5;
	v6 =	vor.u32 v22, v7;
	v7 =	vand.u32 $0xFFFFFE00, v14;
	v14 =	vshll.u32 v13, $0x2;
	v22 =	vld.idx.msk [tilespmem:v3+s13+$0x0], $0xffff  }
0x2dc: {  	s10 =	sadd.s32 s10, s16;
	v3 =	vand.u32 $0x7F, v13;
	v23 =	vor.u32 v23, v7;
	v7 =	vand.u32 $0xFFFFFE00, v14;
	v13 =	vld.idx.msk [tilespmem:v4+s13+$0x0], $0xffff  }
0x2dd: {  	s26 =	sor.u32 $0x180, s10;
	s10 =	sadd.s32 $0x10, s10;
	v4 =	vshll.u32 v12, $0x2;
	v14 =	vshll.u32 v15, $0x2;
	v25 =	vor.u32 v3, v7;
	v26 =	vld.idx.msk [tilespmem:v5+s13+$0x0], $0xffff;
	[tilespmem:s2+$0x12080] =	vst v10  }
0x2de: {  	s25 =	sor.u32 $0x180, s10;
	v27 =	vor.u32 $0x80, v6;
	v3 =	vand.u32 $0xFFFFFE00, v4;
	v10 =	vld [tilespmem:s26+$0x0];
	v4 =	vshll.u32 v21, $0x2;
	[tilespmem:s2+$0x12100] =	vst v11  }
0x2df: {  	v5 =	vand.u32 $0xFFFFFE00, v14;
	v14 =	vor.u32 $0x100, v6;
	v7 =	vand.u32 $0xFFFFFE00, v4;
	v11 =	vld [tilespmem:s25+$0x0]  }
0x2e0: {  	v4 =	vand.u32 $0x7F, v12;
	v12 =	vand.u32 $0x7F, v15;
	v15 =	vor.u32 $0x180, v6;
	v28 =	vld.idx.msk [tilespmem:v6+s13+$0x0], $0xffff  }
0x2e1: {  	v3 =	vor.u32 v4, v3;
	v6 =	vand.u32 $0x7F, v21;
	v21 =	vor.u32 $0x80, v23;
	v29 =	vld.idx.msk [tilespmem:v23+s13+$0x0], $0xffff;
	[tilespmem:s2+$0x12000] =	vst v22;
	s2 =	smov.u32 s9  }
0x2e2: {  	v4 =	vor.u32 v12, v5;
	v12 =	vor.u32 $0x100, v23;
	v5 =	vor.u32 v6, v7;
	v7 =	vld.idx.msk [tilespmem:v25+s13+$0x0], $0xffff;
	[tilespmem:s4+$0x12000] =	vst v9;
	s4 =	smov.u32 s26  }
0x2e3: {  	v22 =	vor.u32 $0x180, v23;
	v6 =	vand.u32 $0x7F, v10;
	v9 =	vshll.u32 v10, $0x2;
	v10 =	vld.idx.msk [tilespmem:v27+s13+$0x0], $0xffff;
	[tilespmem:s18+$0x0] =	vst v13  }
0x2e4: {  	v27 =	vor.u32 $0x80, v3;
	v13 =	vor.u32 $0x80, v25;
	v9 =	vand.u32 $0xFFFFFE00, v9;
	v30 =	vld.idx.msk [tilespmem:v14+s13+$0x0], $0xffff;
	[tilespmem:s19+$0x0] =	vst v8  }
0x2e5: {  	v14 =	vshll.u32 v11, $0x2;
	v6 =	vor.u32 v6, v9;
	v8 =	vld.idx.msk [tilespmem:v15+s13+$0x0], $0xffff;
	v9 =	vor.u32 $0x100, v25;
	[tilespmem:s20+$0x0] =	vst v19  }
0x2e6: {  	v11 =	vand.u32 $0x7F, v11;
	v15 =	vor.u32 $0x180, v25;
	v14 =	vand.u32 $0xFFFFFE00, v14;
	v31 =	vld.idx.msk [tilespmem:v21+s13+$0x0], $0xffff;
	[tilespmem:s24+$0x0] =	vst v20  }
0x2e7: {  	v25 =	vor.u32 $0x80, v6;
	v32 =	vor.u32 $0x100, v6;
	v11 =	vor.u32 v11, v14;
	v33 =	vld.idx.msk [tilespmem:v12+s13+$0x0], $0xffff;
	[tilespmem:s21+$0x0] =	vst v26  }
0x2e8: {  	v34 =	vor.u32 $0x180, v6;
	v26 =	vor.u32 $0x100, v3;
	v12 =	vor.u32 $0x80, v11;
	v35 =	vld.idx.msk [tilespmem:v22+s13+$0x0], $0xffff;
	[tilespmem:s15+$0x0] =	vst v16  }
0x2e9: {  	v36 =	vor.u32 $0x180, v3;
	v37 =	vor.u32 $0x80, v4;
	v16 =	vld.idx.msk [tilespmem:v13+s13+$0x0], $0xffff;
	v13 =	vor.u32 $0x100, v11;
	[tilespmem:s3+$0x0] =	vst v17  }
0x2ea: {  	v19 =	vor.u32 $0x100, v4;
	v20 =	vor.u32 $0x180, v4;
	v17 =	vld.idx.msk [tilespmem:v9+s13+$0x0], $0xffff;
	v9 =	vor.u32 $0x180, v11;
	[tilespmem:s23+$0x0] =	vst v18  }
0x2eb: {  	v23 =	vor.u32 $0x80, v5;
	v21 =	vor.u32 $0x180, v5;
	v22 =	vor.u32 $0x100, v5;
	v18 =	vld.idx.msk [tilespmem:v15+s13+$0x0], $0xffff;
	[tilespmem:s17+$0x0] =	vst v24  }
0x2ec: {  	v15 =	vld.idx.msk [tilespmem:v11+s13+$0x0], $0xffff;
	[tilespmem:s22+$0x0] =	vst v0  }
0x2ed: {  	v14 =	vld.idx.msk [tilespmem:v12+s13+$0x0], $0xffff;
	[tilespmem:s14+$0x0] =	vst v1  }
0x2ee: {  	v13 =	vld.idx.msk [tilespmem:v13+s13+$0x0], $0xffff;
	[tilespmem:s11+$0x0] =	vst v2  }
0x2ef: {  	v12 =	vld.idx.msk [tilespmem:v9+s13+$0x0], $0xffff;
	[tilespmem:s7+$0x12000] =	vst v28  }
0x2f0: {  	s3 =	sor.u32 $0x14000, s8;
	v0 =	vld.idx.msk [tilespmem:v25+s13+$0x0], $0xffff;
	[tilespmem:s7+$0x12080] =	vst v10  }
0x2f1: {  	s18 =	sor.u32 s0, s3;
	v1 =	vld.idx.msk [tilespmem:v32+s13+$0x0], $0xffff;
	[tilespmem:s7+$0x12100] =	vst v30  }
.Ltmp6:
0x2f2: {  	s3 =	sor.u32 s5, s3;
	s7 =	sor.u32 $0x14080, s8;
	v2 =	vld.idx.msk [tilespmem:v34+s13+$0x0], $0xffff;
	[tilespmem:s25+$0x12000] =	vst v8;
	(pc) =	sbr.rel @p0 .LBB2_14-.Ltmp6, $4  }
0x2f3: {  	s9 =	sor.u32 $0x14100, s8;
	s19 =	sor.u32 s0, s7;
	v10 =	vld.idx.msk [tilespmem:v27+s13+$0x0], $0xffff;
	[tilespmem:s3+$0x0] =	vst v29;
	s3 =	sor.u32 s5, s7  }
0x2f4: {  	s20 =	sor.u32 s0, s9;
	s9 =	sor.u32 s5, s9;
	s7 =	sor.u32 $0x14180, s8;
	v11 =	vld.idx.msk [tilespmem:v26+s13+$0x0], $0xffff;
	[tilespmem:s3+$0x0] =	vst v31  }
0x2f5: {  	s24 =	sor.u32 s0, s7;
	s3 =	sor.u32 $0x16000, s8;
	s7 =	sor.u32 s5, s7;
	v9 =	vld.idx.msk [tilespmem:v36+s13+$0x0], $0xffff;
	[tilespmem:s9+$0x0] =	vst v33  }
0x2f6: {  	s16 =	sadd.s32 $0x80, s16;
	s11 =	sor.u32 $0x16080, s8;
	v8 =	vld.idx.msk [tilespmem:v37+s13+$0x0], $0xffff;
	[tilespmem:s7+$0x0] =	vst v35;
	s7 =	sor.u32 s5, s3  }
0x2f7: {  	_ =	sdelay $0x3  }
0x2f8: {  	v19 =	vld.idx.msk [tilespmem:v19+s13+$0x0], $0xffff  }
0x2f9: {  	v60 =	vld.idx.msk [tilespmem:v20+s13+$0x0], $0xffff  }
0x2fa: {  	v61 =	vld.idx.msk [tilespmem:v23+s13+$0x0], $0xffff  }
0x2fb: {  	v62 =	vld.idx.msk [tilespmem:v22+s13+$0x0], $0xffff  }
0x2fc: {  	v63 =	vld.idx.msk [tilespmem:v21+s13+$0x0], $0xffff  }
0x2fd: {  	v6 =	vld.idx.msk [tilespmem:v6+s13+$0x0], $0xffff  }
0x2fe: {  	[tilespmem:s7+$0x0] =	vst v7;
	s6 =	sor.u32 s5, s11;
	v3 =	vld.idx.msk [tilespmem:v3+s13+$0x0], $0xffff  }
0x2ff: {  	s1 =	sor.u32 $0x16100, s8;
	v4 =	vld.idx.msk [tilespmem:v4+s13+$0x0], $0xffff;
	[tilespmem:s6+$0x0] =	vst v16  }
0x300: {  	v5 =	vld.idx.msk [tilespmem:v5+s13+$0x0], $0xffff;
	s21 =	sor.u32 s5, s1;
	[tilespmem:s2+$0x12080] =	vst v10  }
0x301: {  	s17 =	sor.u32 $0x16180, s8;
	[tilespmem:s21+$0x0] =	vst v17  }
0x302: {  	s9 =	sor.u32 $0x18000, s8;
	s22 =	sor.u32 s5, s17;
	[tilespmem:s2+$0x12100] =	vst v11  }
0x303: {  	s10 =	sor.u32 $0x18080, s8;
	s23 =	sor.u32 s5, s9;
	[tilespmem:s22+$0x0] =	vst v18  }
0x304: {  	s25 =	sor.u32 s5, s10;
	[tilespmem:s23+$0x0] =	vst v15  }
0x305: {  	s14 =	sor.u32 $0x18100, s8;
	[tilespmem:s25+$0x0] =	vst v14  }
0x306: {  	s28 =	sor.u32 s5, s14;
	[tilespmem:s2+$0x12000] =	vst v3  }
0x307: {  	s26 =	sor.u32 $0x18180, s8;
	[tilespmem:s28+$0x0] =	vst v13  }
0x308: {  	s29 =	sor.u32 s5, s26;
	[tilespmem:s4+$0x12000] =	vst v9  }
0x309: {  	[tilespmem:s29+$0x0] =	vst v12  }
0x30a: {  	[tilespmem:s18+$0x0] =	vst v4  }
0x30b: {  	[tilespmem:s19+$0x0] =	vst v8  }
0x30c: {  	[tilespmem:s20+$0x0] =	vst v19  }
0x30d: {  	s5 =	sor.u32 s0, s3;
	[tilespmem:s24+$0x0] =	vst v60  }
0x30e: {  	s6 =	sor.u32 s0, s11;
	[tilespmem:s5+$0x0] =	vst v5  }
0x30f: {  	s1 =	sor.u32 s0, s1;
	[tilespmem:s6+$0x0] =	vst v61  }
0x310: {  	s7 =	sor.u32 s0, s17;
	[tilespmem:s1+$0x0] =	vst v62  }
0x311: {  	s11 =	sor.u32 s0, s9;
	[tilespmem:s7+$0x0] =	vst v63  }
0x312: {  	s15 =	sor.u32 s0, s10;
	[tilespmem:s11+$0x0] =	vst v6  }
0x313: {  	s16 =	sor.u32 s0, s14;
	[tilespmem:s15+$0x0] =	vst v0  }
0x314: {  	s17 =	sor.u32 s0, s26;
	[tilespmem:s16+$0x0] =	vst v1  }
0x315: {  	[tilespmem:s17+$0x0] =	vst v2  }
0x316: {  	s18 =	simm.s32 $0x12000;
	s0 =	rddreg [dreg:$0x1c]  }
0x317: {  	[hbm4b:s0+s30] =	stream.strided.scatter [tilespmem:s18], [sflag:$0x4], $0x2000, s31, s30, $0x38;
	[tilespmem:$0x1A000] =	vst v63  }
0x318: {  	s20 =	simm.s32 $0x14000;
	s19 =	rddreg [dreg:$0x1b]  }
0x319: {  	[hbm4b:s19+s30] =	stream.strided.scatter [tilespmem:s20], [sflag:$0x4], $0x2000, s31, s30, $0x38;
	[tilespmem:$0x1A000] =	vst v63  }
0x31a: {  	s22 =	simm.s32 $0x16000;
	s21 =	rddreg [dreg:$0x1d]  }
0x31b: {  	[hbm4b:s21+s30] =	stream.strided.scatter [tilespmem:s22], [sflag:$0x4], $0x2000, s31, s30, $0x38;
	[tilespmem:$0x1A000] =	vst v63  }
0x31c: {  	s25 =	simm.s32 $0x3;
	s24 =	simm.s32 $0x18000;
	s23 =	rddreg [dreg:$0x1e]  }
0x31d: {  	[hbm4b:s23+s30] =	stream.strided.scatter [tilespmem:s24], [sflag:$0x4], $0x2000, s31, s30, $0x38;
	[tilespmem:$0x1A000] =	vst v63  }
0x31e: {  	_ =	swait.ge [sflag:s25], $0x2000  }
0x31f: {  	[sflag:s25] =	ssyncset.done $0x0  }
0x320: {  	[sflag:s25] =	ssyncadd.s32 $0xFFFFE000  }
0x321: {  	_ =	swait.ge [sflag:s25], $0x2000  }
0x322: {  	[sflag:s25] =	ssyncset.done $0x0  }
0x323: {  	[sflag:s25] =	ssyncadd.s32 $0xFFFFE000  }
0x324: {  	_ =	swait.ge [sflag:s25], $0x2000  }
0x325: {  	[sflag:s25] =	ssyncset.done $0x0  }
0x326: {  	[sflag:s25] =	ssyncadd.s32 $0xFFFFE000  }
0x327: {  	_ =	swait.ge [sflag:s25], $0x2000  }
0x328: {  	[sflag:s25] =	ssyncset.done $0x0  }
0x329: {  	s26 =	simm.s32 $0x4;
	[sflag:s25] =	ssyncadd.s32 $0xFFFFE000  }
0x32a: {  	_ =	swait.ge [sflag:s26], $0x2000  }
0x32b: {  	[sflag:s26] =	ssyncset.done $0x0  }
0x32c: {  	[sflag:s26] =	ssyncadd.s32 $0xFFFFE000  }
0x32d: {  	_ =	swait.ge [sflag:s26], $0x2000  }
0x32e: {  	[sflag:s26] =	ssyncset.done $0x0  }
0x32f: {  	[sflag:s26] =	ssyncadd.s32 $0xFFFFE000  }
0x330: {  	_ =	swait.ge [sflag:s26], $0x2000  }
0x331: {  	[sflag:s26] =	ssyncset.done $0x0  }
0x332: {  	[sflag:s26] =	ssyncadd.s32 $0xFFFFE000  }
0x333: {  	_ =	swait.ge [sflag:s26], $0x2000  }
0x334: {  	s28 =	rddreg [dreg:$0x1f]  }
0x335: {  	s29 =	rddreg [dreg:$0x17];
	s2 =	sadd.s32 $0x1, s28  }
0x336: {  	p0 =	sne.s32 s2, s29  }
.Ltmp7:
0x337: {  	_ = 	snop;
	(pc) =	sbr.rel @p0 .LBB2_1-.Ltmp7, $3  }
0x338: {  	_ =	sdelay $0x1  }
0x339: {  	[sflag:s26] =	ssyncset.done $0x0  }
0x33a: {  	[sflag:s26] =	ssyncadd.s32 $0xFFFFE000  }
0x33b: {  	_ =	sfence.sel $0x180000  }
0x33c: {  	[bflag:$0x0] =	sbarrier.arrive $0xFFFF  }
0x33d: {  	_ =	strace $0x90000047  }
0x33e: {  	s0 =	stileid.u32;
	[bflag:$0x2] =	sbarrier.arrive $0xFFFF  }
0x33f: {  	p0 =	sne.s32 s0, $0x0;
	s0 =	rddreg [dreg:$0x3]  }
0x340: {  	s0 =	sadd.s32 @!p0 $0x100000, s0  }
0x341: {  	[sflag:s0] =	ssyncadd.tile.s32 @!p0 $0x1;
	_ =	shalt  }
.Lfunc_end2:
_tile_overlayer_lowered:
.L_overlay_start_2:
0x342: {  	(tag) =	ssettag $0x2  }
0x343: {  	s0 =	rddreg [dreg:$0x0];
	s2 =	stileid.u32  }
0x344: {  	s1 =	rddreg [dreg:$0x1];
	p0 =	sne.s32 s2, $0x0  }
0x345: {  	s3 =	rddreg [dreg:$0x2];
	[bflag:$0x3] =	sbarrier.arrive $0xFFFF;
	s2 =	simm.s32 @!p0 $0x1C05  }
0x346: {  	[timem:s3], [sflag:s2] =	dma.local @!p0 [hbm:s0], s1  }
0x347: {  	s0 =	simm.s32 @!p0 $0x5  }
0x348: {  	_ =	swait.ge @!p0 [sflag:s0], s1  }
0x349: {  	s1 =	ssub.s32 @!p0 $0x0, s1;
	[sflag:s0] =	ssyncset.done @!p0 $0x0  }
0x34a: {  	[sflag:s0] =	ssyncadd.s32 @!p0 s1  }
0x34b: {  	[bflag:$0x3] =	sbarrier.arrive $0xFFFF  }
0x34c: {  	_ =	shalt  }

</sc_bundles>
